<compile_context>
chip_gen: v7x
topology: tpu7x:2x2x1
jax: 0.10.2.dev20260603
libtpu: 0.0.44.dev20260713+nightly
codegen_flags: <defaults>
</compile_context>

<pallas_src>
import functools

import jax
import jax.numpy as jnp
from jax import lax
from jax.experimental import pallas as pl
from jax.experimental.pallas import tpu as pltpu
from jax.experimental.pallas import tpu_sc as plsc

N_SUBCORES = 16
N_TILES = N_SUBCORES
CHUNK = 128
SUPER = 12
F = 16


def _pad_rows(n):
    rpt = -(-(n + 1) // N_SUBCORES)
    rpt = -(-rpt // 8) * 8
    return rpt * N_SUBCORES, rpt


_SC_PARAMS = pltpu.CompilerParams(use_tc_tiling_on_sc=False,
                                  needs_layout_passes=False)




@functools.lru_cache(maxsize=None)
def _sc_aggregate(n_pad, nch):
    rpt = n_pad // N_SUBCORES
    mesh = plsc.VectorSubcoreMesh(core_axis_name="c", subcore_axis_name="s",
                                  num_cores=1)

    HALF = SUPER // 2

    @functools.partial(
        pl.kernel,
        mesh=mesh,
        out_type=jax.ShapeDtypeStruct((n_pad, F), jnp.float32),
        scratch_types=[
            pltpu.VMEM_SHARED((n_pad, F), jnp.float32),
            pltpu.VMEM((SUPER, CHUNK), jnp.int32),
            pltpu.VMEM((SUPER, CHUNK), jnp.int32),
            pltpu.VMEM((HALF, CHUNK, F), jnp.float32),
            pltpu.VMEM((HALF, CHUNK, F), jnp.float32),
            pltpu.VMEM((F,), jnp.int32),
            pltpu.SemaphoreType.DMA,
            pltpu.SemaphoreType.DMA,
            pltpu.SemaphoreType.DMA,
            pltpu.SemaphoreType.DMA,
        ],
        compiler_params=_SC_PARAMS,
    )
    def k(table, src2, dst2, zeros, mode, e0rows, gdummy, out,
          acc, src_v, dst_v, rows_a, rows_b, mode_v, gsa, gsb, ssa, ssb):
        sid = lax.axis_index("s")

        pltpu.sync_copy(mode, mode_v)
        is_gather = jnp.max(mode_v[...]) == 1
        is_deg = jnp.logical_not(is_gather)

        pltpu.sync_copy(zeros.at[pl.ds(sid * rpt, rpt)],
                        acc.at[pl.ds(sid * rpt, rpt)])

        @pl.when(is_deg)
        def _():
            for j in range(HALF):
                pltpu.sync_copy(e0rows, rows_a.at[j])
                pltpu.sync_copy(e0rows, rows_b.at[j])

        plsc.subcore_barrier()

        base0 = sid * nch
        grp = CHUNK // F
        dumpv = jnp.full((F,), n_pad - 8, jnp.int32)

        def idx_sync(base_rows, off):
            pltpu.sync_copy(src2.at[pl.ds(base_rows, HALF)],
                            src_v.at[pl.ds(off, HALF)])
            pltpu.sync_copy(dst2.at[pl.ds(base_rows, HALF)],
                            dst_v.at[pl.ds(off, HALF)])

        def fire_g(rows, off, sem):
            for j in range(HALF):
                pltpu.async_copy(table.at[src_v.at[off + j]], rows.at[j],
                                 sem)

        def fire_s(rows, off, sem):
            for j in range(HALF):
                pltpu.async_copy(rows.at[j], acc.at[dst_v.at[off + j]],
                                 sem, add=True)

        def wait_g(rows, sem):
            pltpu.make_async_copy(gdummy, rows, sem).wait()

        def wait_s(rows, sem):
            pltpu.make_async_copy(gdummy, rows, sem).wait()

        def fill_dump(i, _):
            dst_v[HALF + i // grp, pl.ds((i % grp) * F, F)] = dumpv
            return 0
        lax.fori_loop(0, HALF * grp, fill_dump, 0)
        fire_s(rows_b, HALF, ssb)

        @pl.when(is_deg)
        def _():
            def fill_dumpa(i, _):
                dst_v[i // grp, pl.ds((i % grp) * F, F)] = dumpv
                return 0
            lax.fori_loop(0, HALF * grp, fill_dumpa, 0)
            fire_s(rows_a, 0, ssa)

        @pl.when(is_gather)
        def _():
            idx_sync(base0, 0)
            fire_g(rows_a, 0, gsa)

        n_body = nch // SUPER

        def body(t, _):
            base = base0 + t * SUPER

            @pl.when(is_gather)
            def _():
                wait_s(rows_b, ssb)
                idx_sync(base + HALF, HALF)
                wait_g(rows_a, gsa)
                fire_s(rows_a, 0, ssa)
                fire_g(rows_b, HALF, gsb)
                wait_s(rows_a, ssa)
                base_next = base0 + jnp.where(t == n_body - 1, 0,
                                              (t + 1) * SUPER)
                idx_sync(base_next, 0)
                wait_g(rows_b, gsb)
                fire_s(rows_b, HALF, ssb)
                fire_g(rows_a, 0, gsa)

            @pl.when(is_deg)
            def _():
                wait_s(rows_a, ssa)
                idx_sync(base, 0)
                fire_s(rows_a, 0, ssa)
                wait_s(rows_b, ssb)
                idx_sync(base + HALF, HALF)
                fire_s(rows_b, HALF, ssb)
            return 0
        lax.fori_loop(0, n_body, body, 0)

        @pl.when(is_gather)
        def _():
            wait_g(rows_a, gsa)
            wait_s(rows_b, ssb)
        @pl.when(is_deg)
        def _():
            wait_s(rows_a, ssa)
            wait_s(rows_b, ssb)
        plsc.subcore_barrier()

        pltpu.sync_copy(acc.at[pl.ds(sid * rpt, rpt)],
                        out.at[pl.ds(sid * rpt, rpt)])

    return k



_ROWS = 3128


def _row_spec():
    return pl.BlockSpec((_ROWS, F), lambda i: (i, 0))


def _w_spec(shape):
    return pl.BlockSpec(shape, lambda i: (0, 0))


@functools.lru_cache(maxsize=None)
def _tc_pre(n_pad):
    def body(s_deg, xp, dis_o, g1_o):
        deg = s_deg[:, 0:1] + 1.0
        dis = lax.rsqrt(deg)
        dis16 = jnp.broadcast_to(dis, dis_o.shape)
        dis_o[...] = dis16
        g1_o[...] = dis16 * xp[...]

    grid = (n_pad // _ROWS,)
    return pl.pallas_call(
        body,
        grid=grid,
        in_specs=[_row_spec(), _row_spec()],
        out_specs=[_row_spec(), _row_spec()],
        out_shape=[jax.ShapeDtypeStruct((n_pad, F), jnp.float32)] * 2,
    )


@functools.lru_cache(maxsize=None)
def _tc_layer1(n_pad):
    def body(s1, g1, dis, w1p, b1, g2a_o, g2b_o):
        u1 = dis[...] * (s1[...] + g1[...])
        h1 = jnp.maximum(
            jnp.dot(u1, w1p[...], preferred_element_type=jnp.float32)
            + b1[...], 0.0)
        g2a_o[...] = dis[...] * h1[:, :F]
        g2b_o[...] = dis[...] * h1[:, F:]

    grid = (n_pad // _ROWS,)
    return pl.pallas_call(
        body,
        grid=grid,
        in_specs=[_row_spec(), _row_spec(), _row_spec(),
                  _w_spec((F, 32)), _w_spec((1, 32))],
        out_specs=[_row_spec(), _row_spec()],
        out_shape=[jax.ShapeDtypeStruct((n_pad, F), jnp.float32)] * 2,
    )


@functools.lru_cache(maxsize=None)
def _tc_layer2(n_pad):
    def body(s2a, g2a, s2b, g2b, dis, w2a, w2b, w3p, b2, g3_o):
        u2a = dis[...] * (s2a[...] + g2a[...])
        u2b = dis[...] * (s2b[...] + g2b[...])
        h2 = jnp.maximum(
            jnp.dot(u2a, w2a[...], preferred_element_type=jnp.float32)
            + jnp.dot(u2b, w2b[...], preferred_element_type=jnp.float32)
            + b2[...], 0.0)
        g3_o[...] = dis[...] * jnp.dot(h2, w3p[...],
                                       preferred_element_type=jnp.float32)

    grid = (n_pad // _ROWS,)
    return pl.pallas_call(
        body,
        grid=grid,
        in_specs=[_row_spec()] * 5 + [_w_spec((F, 32)), _w_spec((F, 32)),
                                      _w_spec((32, F)), _w_spec((1, 32))],
        out_specs=_row_spec(),
        out_shape=jax.ShapeDtypeStruct((n_pad, F), jnp.float32),
    )


@functools.lru_cache(maxsize=None)
def _tc_layer3(n_pad):
    def body(s3, g3, dis, b3, out_o):
        out_o[...] = dis[...] * (s3[...] + g3[...]) + b3[...]

    grid = (n_pad // _ROWS,)
    return pl.pallas_call(
        body,
        grid=grid,
        in_specs=[_row_spec()] * 3 + [_w_spec((1, F))],
        out_specs=_row_spec(),
        out_shape=jax.ShapeDtypeStruct((n_pad, F), jnp.float32),
    )




def kernel(x, edge_index, W1, b1, W2, b2, W3, b3):
    n = x.shape[0]
    e = edge_index.shape[1]
    n_pad, _ = _pad_rows(n)
    dump = n
    epc = N_TILES * CHUNK * SUPER
    nch = (-(-e // epc)) * SUPER
    e_pad = nch * N_TILES * CHUNK

    ei = edge_index.astype(jnp.int32)
    pad = jnp.full((e_pad - e,), dump, jnp.int32)
    src2 = jnp.concatenate([ei[0], pad]).reshape(N_TILES * nch, CHUNK)
    dst2 = jnp.concatenate([ei[1], pad]).reshape(N_TILES * nch, CHUNK)

    xp = jnp.pad(x, ((0, n_pad - n), (0, F - x.shape[1])))
    w1p = jnp.pad(W1, ((0, F - W1.shape[0]), (0, 0)))
    w2a, w2b = W2[:F], W2[F:]
    w3p = jnp.pad(W3, ((0, 0), (0, F - W3.shape[1])))
    b1r = b1.reshape(1, 32)
    b2r = b2.reshape(1, 32)
    b3r = jnp.broadcast_to(b3.reshape(1, 1), (1, F))

    zeros16 = jnp.zeros((n_pad, F), jnp.float32)
    e0rows = jnp.tile(jnp.eye(1, F, dtype=jnp.float32), (CHUNK, 1))
    gdummy = jnp.zeros((SUPER // 2, CHUNK, F), jnp.float32)

    agg = _sc_aggregate(n_pad, nch)

    def br_pre(s, st):
        dis16, g1 = _tc_pre(n_pad)(s, xp)
        return {**st, "table": g1, "dis": dis16}

    def br_l1(s, st):
        g2a, g2b = _tc_layer1(n_pad)(s, st["table"], st["dis"], w1p, b1r)
        return {**st, "table": g2a, "g2a": g2a, "g2b": g2b}

    def br_stash(s, st):
        return {**st, "table": st["g2b"], "s2a": s}

    def br_l2(s, st):
        g3 = _tc_layer2(n_pad)(st["s2a"], st["g2a"], s, st["table"],
                               st["dis"], w2a, w2b, w3p, b2r)
        return {**st, "table": g3}

    def br_l3(s, st):
        out16 = _tc_layer3(n_pad)(s, st["table"], st["dis"], b3r)
        return {**st, "out": out16}

    state = {
        "table": zeros16, "dis": zeros16, "g2a": zeros16,
        "g2b": zeros16, "s2a": zeros16, "out": zeros16,
    }

    def step(i, st):
        mode = jnp.broadcast_to(jnp.where(i == 0, 0, 1).astype(jnp.int32),
                                (F,))
        s = agg(st["table"], src2, dst2, zeros16, mode, e0rows, gdummy)
        return lax.switch(i, [br_pre, br_l1, br_stash, br_l2, br_l3], s, st)

    state = lax.fori_loop(0, 5, step, state)
    return state["out"][:n, 0]

# --- scband reference (transcript-rebuilt; emitter-appended) ---
"""Pipeline reference for scband-net-base-11390253269707 (READ-ONLY COPY).

The authoritative reference and input builder live on the scoring server;
editing this copy changes nothing except your own understanding.
"""

import jax, jax.numpy as jnp
import numpy as np

N_NODES = 100000
N_EDGES = 3200000


def gcn_conv(x, edge_index, W, b, num_nodes):
    # PyG GCNConv: add self-loops, symmetric normalization, linear transform, scatter-add aggregate
    src = edge_index[0]
    dst = edge_index[1]
    loop = jnp.arange(num_nodes, dtype=edge_index.dtype)
    src = jnp.concatenate([src, loop])
    dst = jnp.concatenate([dst, loop])
    deg = jnp.zeros((num_nodes,), dtype=x.dtype).at[dst].add(1.0)
    deg_inv_sqrt = jnp.where(deg > 0, 1.0 / jnp.sqrt(deg), 0.0)
    norm = deg_inv_sqrt[src] * deg_inv_sqrt[dst]
    h = x @ W
    msg = h[src] * norm[:, None]
    out = jnp.zeros((num_nodes, W.shape[1]), dtype=x.dtype).at[dst].add(msg)
    return out + b


def setup_inputs(seed: int = 0) -> dict:
    key = jax.random.key(seed)
    k_x, k_e, k1, k2, k3, kb1, kb2, kb3 = jax.random.split(key, 8)
    x = jax.random.normal(k_x, (N_NODES, 2), dtype=jnp.float32)
    edge_index = jax.random.randint(k_e, (2, N_EDGES), 0, N_NODES, dtype=jnp.int64)
    # Glorot-like init for GCN weights
    W1 = jax.random.normal(k1, (2, 32), dtype=jnp.float32) * (1.0 / np.sqrt(2))
    b1 = jnp.zeros((32,), dtype=jnp.float32)
    W2 = jax.random.normal(k2, (32, 32), dtype=jnp.float32) * (1.0 / np.sqrt(32))
    b2 = jnp.zeros((32,), dtype=jnp.float32)
    W3 = jax.random.normal(k3, (32, 1), dtype=jnp.float32) * (1.0 / np.sqrt(32))
    b3 = jnp.zeros((1,), dtype=jnp.float32)
    return {"x": x, "edge_index": edge_index, "W1": W1, "b1": b1, "W2": W2, "b2": b2, "W3": W3, "b3": b3}


def reference(x, edge_index, W1, b1, W2, b2, W3, b3):
    num_nodes = x.shape[0]
    h = gcn_conv(x, edge_index, W1, b1, num_nodes)
    h = jax.nn.relu(h)
    h = gcn_conv(h, edge_index, W2, b2, num_nodes)
    h = jax.nn.relu(h)
    h = gcn_conv(h, edge_index, W3, b3, num_nodes)
    return h.reshape(-1)

if __name__ == "__main__":
    import jax
    _d = setup_inputs()
    print(jax.jit(kernel)(*tuple(_d.values())))

</pallas_src>

<mosaic_0001>
#map = affine_map<(d0, d1) -> (0, 0)>
#map1 = affine_map<(d0, d1) -> (0)>
#map2 = affine_map<(d0, d1) -> (0, 0, 0)>
module attributes {stable_mosaic.version = 14 : i64} {
  func.func @k(%arg0: i32, %arg1: i32, %arg2: memref<100096x16xf32, #tpu.memory_space<hbm>>, %arg3: memref<25152x128xi32, #tpu.memory_space<hbm>>, %arg4: memref<25152x128xi32, #tpu.memory_space<hbm>>, %arg5: memref<100096x16xf32, #tpu.memory_space<hbm>>, %arg6: memref<16xi32, #tpu.memory_space<hbm>>, %arg7: memref<128x16xf32, #tpu.memory_space<hbm>>, %arg8: memref<6x128x16xf32, #tpu.memory_space<hbm>>, %arg9: memref<100096x16xf32, #tpu.memory_space<hbm>>, %arg10: memref<100096x16xf32, #tpu.memory_space<vmem_shared>>, %arg11: memref<12x128xi32, #tpu.memory_space<vmem>>, %arg12: memref<12x128xi32, #tpu.memory_space<vmem>>, %arg13: memref<6x128x16xf32, #tpu.memory_space<vmem>>, %arg14: memref<6x128x16xf32, #tpu.memory_space<vmem>>, %arg15: memref<16xi32, #tpu.memory_space<vmem>>, %arg16: memref<!tpu.dma_semaphore, #tpu.memory_space<semaphore_mem>>, %arg17: memref<!tpu.dma_semaphore, #tpu.memory_space<semaphore_mem>>, %arg18: memref<!tpu.dma_semaphore, #tpu.memory_space<semaphore_mem>>, %arg19: memref<!tpu.dma_semaphore, #tpu.memory_space<semaphore_mem>>) attributes {dimension_semantics = [#tpu.dimension_semantics<core_parallel>, #tpu.dimension_semantics<subcore_parallel>], iteration_bounds = array<i64: 1, 16>, scalar_prefetch = 0 : i64, scratch_operands = 10 : i64, tpu.core_type = #tpu.core_type<sc_vector_subcore>, window_params = [{transform_indices = #map}, {transform_indices = #map}, {transform_indices = #map}, {transform_indices = #map}, {transform_indices = #map1}, {transform_indices = #map}, {transform_indices = #map2}, {transform_indices = #map}]} {
    "tpu.region"() ({
      %run_scoped3A = tpu.sem_alloc : memref<!tpu.dma_semaphore, #tpu.memory_space<semaphore_mem>>
      tpu.enqueue_dma source(%arg6 : memref<16xi32, #tpu.memory_space<hbm>>) target(%arg15 : memref<16xi32, #tpu.memory_space<vmem>>) target_semaphore(%run_scoped3A : memref<!tpu.dma_semaphore, #tpu.memory_space<semaphore_mem>>)
      tpu.wait_dma2 semaphore(%run_scoped3A : memref<!tpu.dma_semaphore, #tpu.memory_space<semaphore_mem>>) src(%arg6 : memref<16xi32, #tpu.memory_space<hbm>>) dst(%arg15 : memref<16xi32, #tpu.memory_space<vmem>>)
      tpu.yield
    }) : () -> ()
    %get3A = arith.constant 0 : index
    %get3A_0 = tpu.vector_load %arg15[%get3A] {strides = array<i32>} : memref<16xi32, #tpu.memory_space<vmem>>, vector<16xi32>,
    %reduce_max3A = arith.constant true
    %reduce_max3A_1 = vector.broadcast %reduce_max3A : i1 to vector<16xi1>
    %reduce_max3A_2 = arith.constant -2147483648 : i32
    %reduce_max3A_3 = vector.broadcast %reduce_max3A_2 : i32 to vector<16xi32>
    %reduce_max3A_4 = arith.xori %get3A_0, %reduce_max3A_3 : vector<16xi32>
    %reduce_max3A_5 = tpu.scan <max>, %reduce_max3A_4 masked %reduce_max3A_1 : vector<16xi32>, vector<16xi1> -> vector<16xi32>
    %reduce_max3A_6 = arith.xori %reduce_max3A_5, %reduce_max3A_3 : vector<16xi32>
    %reduce_max3A_7 = vector.extract %reduce_max3A_6[15] : i32 from vector<16xi32>
    %eq3A = arith.constant 1 : i32
    %eq3A_8 = arith.cmpi eq, %reduce_max3A_7, %eq3A : i32
    %not3A = arith.constant true
    %not3A_9 = arith.xori %eq3A_8, %not3A : i1
    %mul3A = arith.constant 6256 : i32
    %mul3A_10 = arith.muli %arg1, %mul3A : i32
    %mul3A_11 = arith.constant 6256 : i32
    %mul3A_12 = arith.muli %arg1, %mul3A_11 : i32
    "tpu.region"() ({
      %run_scoped3A = tpu.sem_alloc : memref<!tpu.dma_semaphore, #tpu.memory_space<semaphore_mem>>
      %dma_start3A_118 = arith.constant 0 : i32
      %dma_start3A_119 = tpu.memref_slice %arg10[%mul3A_12, %dma_start3A_118] : memref<100096x16xf32, #tpu.memory_space<vmem_shared>> -> memref<6256x16xf32, #tpu.memory_space<vmem_shared>>
      %dma_start3A_120 = arith.constant 0 : i32
      %dma_start3A_121 = tpu.memref_slice %arg5[%mul3A_10, %dma_start3A_120] : memref<100096x16xf32, #tpu.memory_space<hbm>> -> memref<6256x16xf32, #tpu.memory_space<hbm>>
      tpu.enqueue_dma source(%dma_start3A_121 : memref<6256x16xf32, #tpu.memory_space<hbm>>) target(%dma_start3A_119 : memref<6256x16xf32, #tpu.memory_space<vmem_shared>>) target_semaphore(%run_scoped3A : memref<!tpu.dma_semaphore, #tpu.memory_space<semaphore_mem>>)
      %dma_wait3A = arith.constant 0 : i32
      %dma_wait3A_122 = tpu.memref_slice %arg10[%mul3A_12, %dma_wait3A] : memref<100096x16xf32, #tpu.memory_space<vmem_shared>> -> memref<6256x16xf32, #tpu.memory_space<vmem_shared>>
      %dma_wait3A_123 = arith.constant 0 : i32
      %dma_wait3A_124 = tpu.memref_slice %arg5[%mul3A_10, %dma_wait3A_123] : memref<100096x16xf32, #tpu.memory_space<hbm>> -> memref<6256x16xf32, #tpu.memory_space<hbm>>
      tpu.wait_dma2 semaphore(%run_scoped3A : memref<!tpu.dma_semaphore, #tpu.memory_space<semaphore_mem>>) src(%dma_wait3A_124 : memref<6256x16xf32, #tpu.memory_space<hbm>>) dst(%dma_wait3A_122 : memref<6256x16xf32, #tpu.memory_space<vmem_shared>>)
      tpu.yield
    }) : () -> ()
    %convert_element_type3A = arith.extui %not3A_9 : i1 to i32
    %cond3A = arith.constant 0 : i32
    %cond3A_13 = arith.cmpi ne, %convert_element_type3A, %cond3A : i32
    scf.if %cond3A_13 {
      %run_scoped3A = arith.constant 0 : i32
      "tpu.region"() ({
        %run_scoped3A_129 = tpu.sem_alloc : memref<!tpu.dma_semaphore, #tpu.memory_space<semaphore_mem>>
        %dma_start3A_130 = arith.constant 0 : i32
        %dma_start3A_131 = arith.constant 0 : i32
        %dma_start3A_132 = tpu.memref_slice %arg13[%run_scoped3A, %dma_start3A_130, %dma_start3A_131] : memref<6x128x16xf32, #tpu.memory_space<vmem>> -> memref<1x128x16xf32, #tpu.memory_space<vmem>>
        %dma_start3A_133 = tpu.memref_squeeze %dma_start3A_132 : memref<1x128x16xf32, #tpu.memory_space<vmem>> -> memref<128x16xf32, #tpu.memory_space<vmem>>
        %dma_start3A_134 = arith.constant 0 : i32
        %dma_start3A_135 = arith.constant 0 : i32
        %dma_start3A_136 = tpu.memref_slice %arg13[%run_scoped3A, %dma_start3A_134, %dma_start3A_135] : memref<6x128x16xf32, #tpu.memory_space<vmem>> -> memref<1x128x16xf32, #tpu.memory_space<vmem>>
        %dma_start3A_137 = tpu.memref_squeeze %dma_start3A_136 : memref<1x128x16xf32, #tpu.memory_space<vmem>> -> memref<128x16xf32, #tpu.memory_space<vmem>>
        tpu.enqueue_dma source(%arg7 : memref<128x16xf32, #tpu.memory_space<hbm>>) target(%dma_start3A_137 : memref<128x16xf32, #tpu.memory_space<vmem>>) target_semaphore(%run_scoped3A_129 : memref<!tpu.dma_semaphore, #tpu.memory_space<semaphore_mem>>)
        %dma_wait3A = arith.constant 0 : i32
        %dma_wait3A_138 = arith.constant 0 : i32
        %dma_wait3A_139 = tpu.memref_slice %arg13[%run_scoped3A, %dma_wait3A, %dma_wait3A_138] : memref<6x128x16xf32, #tpu.memory_space<vmem>> -> memref<1x128x16xf32, #tpu.memory_space<vmem>>
        %dma_wait3A_140 = tpu.memref_squeeze %dma_wait3A_139 : memref<1x128x16xf32, #tpu.memory_space<vmem>> -> memref<128x16xf32, #tpu.memory_space<vmem>>
        %dma_wait3A_141 = arith.constant 0 : i32
        %dma_wait3A_142 = arith.constant 0 : i32
        %dma_wait3A_143 = tpu.memref_slice %arg13[%run_scoped3A, %dma_wait3A_141, %dma_wait3A_142] : memref<6x128x16xf32, #tpu.memory_space<vmem>> -> memref<1x128x16xf32, #tpu.memory_space<vmem>>
        %dma_wait3A_144 = tpu.memref_squeeze %dma_wait3A_143 : memref<1x128x16xf32, #tpu.memory_space<vmem>> -> memref<128x16xf32, #tpu.memory_space<vmem>>
        tpu.wait_dma2 semaphore(%run_scoped3A_129 : memref<!tpu.dma_semaphore, #tpu.memory_space<semaphore_mem>>) src(%arg7 : memref<128x16xf32, #tpu.memory_space<hbm>>) dst(%dma_wait3A_144 : memref<128x16xf32, #tpu.memory_space<vmem>>)
        tpu.yield
      }) : () -> ()
      %run_scoped3A_118 = arith.constant 0 : i32
      "tpu.region"() ({
        %run_scoped3A_129 = tpu.sem_alloc : memref<!tpu.dma_semaphore, #tpu.memory_space<semaphore_mem>>
        %dma_start3A_130 = arith.constant 0 : i32
        %dma_start3A_131 = arith.constant 0 : i32
        %dma_start3A_132 = tpu.memref_slice %arg14[%run_scoped3A_118, %dma_start3A_130, %dma_start3A_131] : memref<6x128x16xf32, #tpu.memory_space<vmem>> -> memref<1x128x16xf32, #tpu.memory_space<vmem>>
        %dma_start3A_133 = tpu.memref_squeeze %dma_start3A_132 : memref<1x128x16xf32, #tpu.memory_space<vmem>> -> memref<128x16xf32, #tpu.memory_space<vmem>>
        %dma_start3A_134 = arith.constant 0 : i32
        %dma_start3A_135 = arith.constant 0 : i32
        %dma_start3A_136 = tpu.memref_slice %arg14[%run_scoped3A_118, %dma_start3A_134, %dma_start3A_135] : memref<6x128x16xf32, #tpu.memory_space<vmem>> -> memref<1x128x16xf32, #tpu.memory_space<vmem>>
        %dma_start3A_137 = tpu.memref_squeeze %dma_start3A_136 : memref<1x128x16xf32, #tpu.memory_space<vmem>> -> memref<128x16xf32, #tpu.memory_space<vmem>>
        tpu.enqueue_dma source(%arg7 : memref<128x16xf32, #tpu.memory_space<hbm>>) target(%dma_start3A_137 : memref<128x16xf32, #tpu.memory_space<vmem>>) target_semaphore(%run_scoped3A_129 : memref<!tpu.dma_semaphore, #tpu.memory_space<semaphore_mem>>)
        %dma_wait3A = arith.constant 0 : i32
        %dma_wait3A_138 = arith.constant 0 : i32
        %dma_wait3A_139 = tpu.memref_slice %arg14[%run_scoped3A_118, %dma_wait3A, %dma_wait3A_138] : memref<6x128x16xf32, #tpu.memory_space<vmem>> -> memref<1x128x16xf32, #tpu.memory_space<vmem>>
        %dma_wait3A_140 = tpu.memref_squeeze %dma_wait3A_139 : memref<1x128x16xf32, #tpu.memory_space<vmem>> -> memref<128x16xf32, #tpu.memory_space<vmem>>
        %dma_wait3A_141 = arith.constant 0 : i32
        %dma_wait3A_142 = arith.constant 0 : i32
        %dma_wait3A_143 = tpu.memref_slice %arg14[%run_scoped3A_118, %dma_wait3A_141, %dma_wait3A_142] : memref<6x128x16xf32, #tpu.memory_space<vmem>> -> memref<1x128x16xf32, #tpu.memory_space<vmem>>
        %dma_wait3A_144 = tpu.memref_squeeze %dma_wait3A_143 : memref<1x128x16xf32, #tpu.memory_space<vmem>> -> memref<128x16xf32, #tpu.memory_space<vmem>>
        tpu.wait_dma2 semaphore(%run_scoped3A_129 : memref<!tpu.dma_semaphore, #tpu.memory_space<semaphore_mem>>) src(%arg7 : memref<128x16xf32, #tpu.memory_space<hbm>>) dst(%dma_wait3A_144 : memref<128x16xf32, #tpu.memory_space<vmem>>)
        tpu.yield
      }) : () -> ()
      %run_scoped3A_119 = arith.constant 1 : i32
      "tpu.region"() ({
        %run_scoped3A_129 = tpu.sem_alloc : memref<!tpu.dma_semaphore, #tpu.memory_space<semaphore_mem>>
        %dma_start3A_130 = arith.constant 0 : i32
        %dma_start3A_131 = arith.constant 0 : i32
        %dma_start3A_132 = tpu.memref_slice %arg13[%run_scoped3A_119, %dma_start3A_130, %dma_start3A_131] : memref<6x128x16xf32, #tpu.memory_space<vmem>> -> memref<1x128x16xf32, #tpu.memory_space<vmem>>
        %dma_start3A_133 = tpu.memref_squeeze %dma_start3A_132 : memref<1x128x16xf32, #tpu.memory_space<vmem>> -> memref<128x16xf32, #tpu.memory_space<vmem>>
        %dma_start3A_134 = arith.constant 0 : i32
        %dma_start3A_135 = arith.constant 0 : i32
        %dma_start3A_136 = tpu.memref_slice %arg13[%run_scoped3A_119, %dma_start3A_134, %dma_start3A_135] : memref<6x128x16xf32, #tpu.memory_space<vmem>> -> memref<1x128x16xf32, #tpu.memory_space<vmem>>
        %dma_start3A_137 = tpu.memref_squeeze %dma_start3A_136 : memref<1x128x16xf32, #tpu.memory_space<vmem>> -> memref<128x16xf32, #tpu.memory_space<vmem>>
        tpu.enqueue_dma source(%arg7 : memref<128x16xf32, #tpu.memory_space<hbm>>) target(%dma_start3A_137 : memref<128x16xf32, #tpu.memory_space<vmem>>) target_semaphore(%run_scoped3A_129 : memref<!tpu.dma_semaphore, #tpu.memory_space<semaphore_mem>>)
        %dma_wait3A = arith.constant 0 : i32
        %dma_wait3A_138 = arith.constant 0 : i32
        %dma_wait3A_139 = tpu.memref_slice %arg13[%run_scoped3A_119, %dma_wait3A, %dma_wait3A_138] : memref<6x128x16xf32, #tpu.memory_space<vmem>> -> memref<1x128x16xf32, #tpu.memory_space<vmem>>
        %dma_wait3A_140 = tpu.memref_squeeze %dma_wait3A_139 : memref<1x128x16xf32, #tpu.memory_space<vmem>> -> memref<128x16xf32, #tpu.memory_space<vmem>>
        %dma_wait3A_141 = arith.constant 0 : i32
        %dma_wait3A_142 = arith.constant 0 : i32
        %dma_wait3A_143 = tpu.memref_slice %arg13[%run_scoped3A_119, %dma_wait3A_141, %dma_wait3A_142] : memref<6x128x16xf32, #tpu.memory_space<vmem>> -> memref<1x128x16xf32, #tpu.memory_space<vmem>>
        %dma_wait3A_144 = tpu.memref_squeeze %dma_wait3A_143 : memref<1x128x16xf32, #tpu.memory_space<vmem>> -> memref<128x16xf32, #tpu.memory_space<vmem>>
        tpu.wait_dma2 semaphore(%run_scoped3A_129 : memref<!tpu.dma_semaphore, #tpu.memory_space<semaphore_mem>>) src(%arg7 : memref<128x16xf32, #tpu.memory_space<hbm>>) dst(%dma_wait3A_144 : memref<128x16xf32, #tpu.memory_space<vmem>>)
        tpu.yield
      }) : () -> ()
      %run_scoped3A_120 = arith.constant 1 : i32
      "tpu.region"() ({
        %run_scoped3A_129 = tpu.sem_alloc : memref<!tpu.dma_semaphore, #tpu.memory_space<semaphore_mem>>
        %dma_start3A_130 = arith.constant 0 : i32
        %dma_start3A_131 = arith.constant 0 : i32
        %dma_start3A_132 = tpu.memref_slice %arg14[%run_scoped3A_120, %dma_start3A_130, %dma_start3A_131] : memref<6x128x16xf32, #tpu.memory_space<vmem>> -> memref<1x128x16xf32, #tpu.memory_space<vmem>>
        %dma_start3A_133 = tpu.memref_squeeze %dma_start3A_132 : memref<1x128x16xf32, #tpu.memory_space<vmem>> -> memref<128x16xf32, #tpu.memory_space<vmem>>
        %dma_start3A_134 = arith.constant 0 : i32
        %dma_start3A_135 = arith.constant 0 : i32
        %dma_start3A_136 = tpu.memref_slice %arg14[%run_scoped3A_120, %dma_start3A_134, %dma_start3A_135] : memref<6x128x16xf32, #tpu.memory_space<vmem>> -> memref<1x128x16xf32, #tpu.memory_space<vmem>>
        %dma_start3A_137 = tpu.memref_squeeze %dma_start3A_136 : memref<1x128x16xf32, #tpu.memory_space<vmem>> -> memref<128x16xf32, #tpu.memory_space<vmem>>
        tpu.enqueue_dma source(%arg7 : memref<128x16xf32, #tpu.memory_space<hbm>>) target(%dma_start3A_137 : memref<128x16xf32, #tpu.memory_space<vmem>>) target_semaphore(%run_scoped3A_129 : memref<!tpu.dma_semaphore, #tpu.memory_space<semaphore_mem>>)
        %dma_wait3A = arith.constant 0 : i32
        %dma_wait3A_138 = arith.constant 0 : i32
        %dma_wait3A_139 = tpu.memref_slice %arg14[%run_scoped3A_120, %dma_wait3A, %dma_wait3A_138] : memref<6x128x16xf32, #tpu.memory_space<vmem>> -> memref<1x128x16xf32, #tpu.memory_space<vmem>>
        %dma_wait3A_140 = tpu.memref_squeeze %dma_wait3A_139 : memref<1x128x16xf32, #tpu.memory_space<vmem>> -> memref<128x16xf32, #tpu.memory_space<vmem>>
        %dma_wait3A_141 = arith.constant 0 : i32
        %dma_wait3A_142 = arith.constant 0 : i32
        %dma_wait3A_143 = tpu.memref_slice %arg14[%run_scoped3A_120, %dma_wait3A_141, %dma_wait3A_142] : memref<6x128x16xf32, #tpu.memory_space<vmem>> -> memref<1x128x16xf32, #tpu.memory_space<vmem>>
        %dma_wait3A_144 = tpu.memref_squeeze %dma_wait3A_143 : memref<1x128x16xf32, #tpu.memory_space<vmem>> -> memref<128x16xf32, #tpu.memory_space<vmem>>
        tpu.wait_dma2 semaphore(%run_scoped3A_129 : memref<!tpu.dma_semaphore, #tpu.memory_space<semaphore_mem>>) src(%arg7 : memref<128x16xf32, #tpu.memory_space<hbm>>) dst(%dma_wait3A_144 : memref<128x16xf32, #tpu.memory_space<vmem>>)
        tpu.yield
      }) : () -> ()
      %run_scoped3A_121 = arith.constant 2 : i32
      "tpu.region"() ({
        %run_scoped3A_129 = tpu.sem_alloc : memref<!tpu.dma_semaphore, #tpu.memory_space<semaphore_mem>>
        %dma_start3A_130 = arith.constant 0 : i32
        %dma_start3A_131 = arith.constant 0 : i32
        %dma_start3A_132 = tpu.memref_slice %arg13[%run_scoped3A_121, %dma_start3A_130, %dma_start3A_131] : memref<6x128x16xf32, #tpu.memory_space<vmem>> -> memref<1x128x16xf32, #tpu.memory_space<vmem>>
        %dma_start3A_133 = tpu.memref_squeeze %dma_start3A_132 : memref<1x128x16xf32, #tpu.memory_space<vmem>> -> memref<128x16xf32, #tpu.memory_space<vmem>>
        %dma_start3A_134 = arith.constant 0 : i32
        %dma_start3A_135 = arith.constant 0 : i32
        %dma_start3A_136 = tpu.memref_slice %arg13[%run_scoped3A_121, %dma_start3A_134, %dma_start3A_135] : memref<6x128x16xf32, #tpu.memory_space<vmem>> -> memref<1x128x16xf32, #tpu.memory_space<vmem>>
        %dma_start3A_137 = tpu.memref_squeeze %dma_start3A_136 : memref<1x128x16xf32, #tpu.memory_space<vmem>> -> memref<128x16xf32, #tpu.memory_space<vmem>>
        tpu.enqueue_dma source(%arg7 : memref<128x16xf32, #tpu.memory_space<hbm>>) target(%dma_start3A_137 : memref<128x16xf32, #tpu.memory_space<vmem>>) target_semaphore(%run_scoped3A_129 : memref<!tpu.dma_semaphore, #tpu.memory_space<semaphore_mem>>)
        %dma_wait3A = arith.constant 0 : i32
        %dma_wait3A_138 = arith.constant 0 : i32
        %dma_wait3A_139 = tpu.memref_slice %arg13[%run_scoped3A_121, %dma_wait3A, %dma_wait3A_138] : memref<6x128x16xf32, #tpu.memory_space<vmem>> -> memref<1x128x16xf32, #tpu.memory_space<vmem>>
        %dma_wait3A_140 = tpu.memref_squeeze %dma_wait3A_139 : memref<1x128x16xf32, #tpu.memory_space<vmem>> -> memref<128x16xf32, #tpu.memory_space<vmem>>
        %dma_wait3A_141 = arith.constant 0 : i32
        %dma_wait3A_142 = arith.constant 0 : i32
        %dma_wait3A_143 = tpu.memref_slice %arg13[%run_scoped3A_121, %dma_wait3A_141, %dma_wait3A_142] : memref<6x128x16xf32, #tpu.memory_space<vmem>> -> memref<1x128x16xf32, #tpu.memory_space<vmem>>
        %dma_wait3A_144 = tpu.memref_squeeze %dma_wait3A_143 : memref<1x128x16xf32, #tpu.memory_space<vmem>> -> memref<128x16xf32, #tpu.memory_space<vmem>>
        tpu.wait_dma2 semaphore(%run_scoped3A_129 : memref<!tpu.dma_semaphore, #tpu.memory_space<semaphore_mem>>) src(%arg7 : memref<128x16xf32, #tpu.memory_space<hbm>>) dst(%dma_wait3A_144 : memref<128x16xf32, #tpu.memory_space<vmem>>)
        tpu.yield
      }) : () -> ()
      %run_scoped3A_122 = arith.constant 2 : i32
      "tpu.region"() ({
        %run_scoped3A_129 = tpu.sem_alloc : memref<!tpu.dma_semaphore, #tpu.memory_space<semaphore_mem>>
        %dma_start3A_130 = arith.constant 0 : i32
        %dma_start3A_131 = arith.constant 0 : i32
        %dma_start3A_132 = tpu.memref_slice %arg14[%run_scoped3A_122, %dma_start3A_130, %dma_start3A_131] : memref<6x128x16xf32, #tpu.memory_space<vmem>> -> memref<1x128x16xf32, #tpu.memory_space<vmem>>
        %dma_start3A_133 = tpu.memref_squeeze %dma_start3A_132 : memref<1x128x16xf32, #tpu.memory_space<vmem>> -> memref<128x16xf32, #tpu.memory_space<vmem>>
        %dma_start3A_134 = arith.constant 0 : i32
        %dma_start3A_135 = arith.constant 0 : i32
        %dma_start3A_136 = tpu.memref_slice %arg14[%run_scoped3A_122, %dma_start3A_134, %dma_start3A_135] : memref<6x128x16xf32, #tpu.memory_space<vmem>> -> memref<1x128x16xf32, #tpu.memory_space<vmem>>
        %dma_start3A_137 = tpu.memref_squeeze %dma_start3A_136 : memref<1x128x16xf32, #tpu.memory_space<vmem>> -> memref<128x16xf32, #tpu.memory_space<vmem>>
        tpu.enqueue_dma source(%arg7 : memref<128x16xf32, #tpu.memory_space<hbm>>) target(%dma_start3A_137 : memref<128x16xf32, #tpu.memory_space<vmem>>) target_semaphore(%run_scoped3A_129 : memref<!tpu.dma_semaphore, #tpu.memory_space<semaphore_mem>>)
        %dma_wait3A = arith.constant 0 : i32
        %dma_wait3A_138 = arith.constant 0 : i32
        %dma_wait3A_139 = tpu.memref_slice %arg14[%run_scoped3A_122, %dma_wait3A, %dma_wait3A_138] : memref<6x128x16xf32, #tpu.memory_space<vmem>> -> memref<1x128x16xf32, #tpu.memory_space<vmem>>
        %dma_wait3A_140 = tpu.memref_squeeze %dma_wait3A_139 : memref<1x128x16xf32, #tpu.memory_space<vmem>> -> memref<128x16xf32, #tpu.memory_space<vmem>>
        %dma_wait3A_141 = arith.constant 0 : i32
        %dma_wait3A_142 = arith.constant 0 : i32
        %dma_wait3A_143 = tpu.memref_slice %arg14[%run_scoped3A_122, %dma_wait3A_141, %dma_wait3A_142] : memref<6x128x16xf32, #tpu.memory_space<vmem>> -> memref<1x128x16xf32, #tpu.memory_space<vmem>>
        %dma_wait3A_144 = tpu.memref_squeeze %dma_wait3A_143 : memref<1x128x16xf32, #tpu.memory_space<vmem>> -> memref<128x16xf32, #tpu.memory_space<vmem>>
        tpu.wait_dma2 semaphore(%run_scoped3A_129 : memref<!tpu.dma_semaphore, #tpu.memory_space<semaphore_mem>>) src(%arg7 : memref<128x16xf32, #tpu.memory_space<hbm>>) dst(%dma_wait3A_144 : memref<128x16xf32, #tpu.memory_space<vmem>>)
        tpu.yield
      }) : () -> ()
      %run_scoped3A_123 = arith.constant 3 : i32
      "tpu.region"() ({
        %run_scoped3A_129 = tpu.sem_alloc : memref<!tpu.dma_semaphore, #tpu.memory_space<semaphore_mem>>
        %dma_start3A_130 = arith.constant 0 : i32
        %dma_start3A_131 = arith.constant 0 : i32
        %dma_start3A_132 = tpu.memref_slice %arg13[%run_scoped3A_123, %dma_start3A_130, %dma_start3A_131] : memref<6x128x16xf32, #tpu.memory_space<vmem>> -> memref<1x128x16xf32, #tpu.memory_space<vmem>>
        %dma_start3A_133 = tpu.memref_squeeze %dma_start3A_132 : memref<1x128x16xf32, #tpu.memory_space<vmem>> -> memref<128x16xf32, #tpu.memory_space<vmem>>
        %dma_start3A_134 = arith.constant 0 : i32
        %dma_start3A_135 = arith.constant 0 : i32
        %dma_start3A_136 = tpu.memref_slice %arg13[%run_scoped3A_123, %dma_start3A_134, %dma_start3A_135] : memref<6x128x16xf32, #tpu.memory_space<vmem>> -> memref<1x128x16xf32, #tpu.memory_space<vmem>>
        %dma_start3A_137 = tpu.memref_squeeze %dma_start3A_136 : memref<1x128x16xf32, #tpu.memory_space<vmem>> -> memref<128x16xf32, #tpu.memory_space<vmem>>
        tpu.enqueue_dma source(%arg7 : memref<128x16xf32, #tpu.memory_space<hbm>>) target(%dma_start3A_137 : memref<128x16xf32, #tpu.memory_space<vmem>>) target_semaphore(%run_scoped3A_129 : memref<!tpu.dma_semaphore, #tpu.memory_space<semaphore_mem>>)
        %dma_wait3A = arith.constant 0 : i32
        %dma_wait3A_138 = arith.constant 0 : i32
        %dma_wait3A_139 = tpu.memref_slice %arg13[%run_scoped3A_123, %dma_wait3A, %dma_wait3A_138] : memref<6x128x16xf32, #tpu.memory_space<vmem>> -> memref<1x128x16xf32, #tpu.memory_space<vmem>>
        %dma_wait3A_140 = tpu.memref_squeeze %dma_wait3A_139 : memref<1x128x16xf32, #tpu.memory_space<vmem>> -> memref<128x16xf32, #tpu.memory_space<vmem>>
        %dma_wait3A_141 = arith.constant 0 : i32
        %dma_wait3A_142 = arith.constant 0 : i32
        %dma_wait3A_143 = tpu.memref_slice %arg13[%run_scoped3A_123, %dma_wait3A_141, %dma_wait3A_142] : memref<6x128x16xf32, #tpu.memory_space<vmem>> -> memref<1x128x16xf32, #tpu.memory_space<vmem>>
        %dma_wait3A_144 = tpu.memref_squeeze %dma_wait3A_143 : memref<1x128x16xf32, #tpu.memory_space<vmem>> -> memref<128x16xf32, #tpu.memory_space<vmem>>
        tpu.wait_dma2 semaphore(%run_scoped3A_129 : memref<!tpu.dma_semaphore, #tpu.memory_space<semaphore_mem>>) src(%arg7 : memref<128x16xf32, #tpu.memory_space<hbm>>) dst(%dma_wait3A_144 : memref<128x16xf32, #tpu.memory_space<vmem>>)
        tpu.yield
      }) : () -> ()
      %run_scoped3A_124 = arith.constant 3 : i32
      "tpu.region"() ({
        %run_scoped3A_129 = tpu.sem_alloc : memref<!tpu.dma_semaphore, #tpu.memory_space<semaphore_mem>>
        %dma_start3A_130 = arith.constant 0 : i32
        %dma_start3A_131 = arith.constant 0 : i32
        %dma_start3A_132 = tpu.memref_slice %arg14[%run_scoped3A_124, %dma_start3A_130, %dma_start3A_131] : memref<6x128x16xf32, #tpu.memory_space<vmem>> -> memref<1x128x16xf32, #tpu.memory_space<vmem>>
        %dma_start3A_133 = tpu.memref_squeeze %dma_start3A_132 : memref<1x128x16xf32, #tpu.memory_space<vmem>> -> memref<128x16xf32, #tpu.memory_space<vmem>>
        %dma_start3A_134 = arith.constant 0 : i32
        %dma_start3A_135 = arith.constant 0 : i32
        %dma_start3A_136 = tpu.memref_slice %arg14[%run_scoped3A_124, %dma_start3A_134, %dma_start3A_135] : memref<6x128x16xf32, #tpu.memory_space<vmem>> -> memref<1x128x16xf32, #tpu.memory_space<vmem>>
        %dma_start3A_137 = tpu.memref_squeeze %dma_start3A_136 : memref<1x128x16xf32, #tpu.memory_space<vmem>> -> memref<128x16xf32, #tpu.memory_space<vmem>>
        tpu.enqueue_dma source(%arg7 : memref<128x16xf32, #tpu.memory_space<hbm>>) target(%dma_start3A_137 : memref<128x16xf32, #tpu.memory_space<vmem>>) target_semaphore(%run_scoped3A_129 : memref<!tpu.dma_semaphore, #tpu.memory_space<semaphore_mem>>)
        %dma_wait3A = arith.constant 0 : i32
        %dma_wait3A_138 = arith.constant 0 : i32
        %dma_wait3A_139 = tpu.memref_slice %arg14[%run_scoped3A_124, %dma_wait3A, %dma_wait3A_138] : memref<6x128x16xf32, #tpu.memory_space<vmem>> -> memref<1x128x16xf32, #tpu.memory_space<vmem>>
        %dma_wait3A_140 = tpu.memref_squeeze %dma_wait3A_139 : memref<1x128x16xf32, #tpu.memory_space<vmem>> -> memref<128x16xf32, #tpu.memory_space<vmem>>
        %dma_wait3A_141 = arith.constant 0 : i32
        %dma_wait3A_142 = arith.constant 0 : i32
        %dma_wait3A_143 = tpu.memref_slice %arg14[%run_scoped3A_124, %dma_wait3A_141, %dma_wait3A_142] : memref<6x128x16xf32, #tpu.memory_space<vmem>> -> memref<1x128x16xf32, #tpu.memory_space<vmem>>
        %dma_wait3A_144 = tpu.memref_squeeze %dma_wait3A_143 : memref<1x128x16xf32, #tpu.memory_space<vmem>> -> memref<128x16xf32, #tpu.memory_space<vmem>>
        tpu.wait_dma2 semaphore(%run_scoped3A_129 : memref<!tpu.dma_semaphore, #tpu.memory_space<semaphore_mem>>) src(%arg7 : memref<128x16xf32, #tpu.memory_space<hbm>>) dst(%dma_wait3A_144 : memref<128x16xf32, #tpu.memory_space<vmem>>)
        tpu.yield
      }) : () -> ()
      %run_scoped3A_125 = arith.constant 4 : i32
      "tpu.region"() ({
        %run_scoped3A_129 = tpu.sem_alloc : memref<!tpu.dma_semaphore, #tpu.memory_space<semaphore_mem>>
        %dma_start3A_130 = arith.constant 0 : i32
        %dma_start3A_131 = arith.constant 0 : i32
        %dma_start3A_132 = tpu.memref_slice %arg13[%run_scoped3A_125, %dma_start3A_130, %dma_start3A_131] : memref<6x128x16xf32, #tpu.memory_space<vmem>> -> memref<1x128x16xf32, #tpu.memory_space<vmem>>
        %dma_start3A_133 = tpu.memref_squeeze %dma_start3A_132 : memref<1x128x16xf32, #tpu.memory_space<vmem>> -> memref<128x16xf32, #tpu.memory_space<vmem>>
        %dma_start3A_134 = arith.constant 0 : i32
        %dma_start3A_135 = arith.constant 0 : i32
        %dma_start3A_136 = tpu.memref_slice %arg13[%run_scoped3A_125, %dma_start3A_134, %dma_start3A_135] : memref<6x128x16xf32, #tpu.memory_space<vmem>> -> memref<1x128x16xf32, #tpu.memory_space<vmem>>
        %dma_start3A_137 = tpu.memref_squeeze %dma_start3A_136 : memref<1x128x16xf32, #tpu.memory_space<vmem>> -> memref<128x16xf32, #tpu.memory_space<vmem>>
        tpu.enqueue_dma source(%arg7 : memref<128x16xf32, #tpu.memory_space<hbm>>) target(%dma_start3A_137 : memref<128x16xf32, #tpu.memory_space<vmem>>) target_semaphore(%run_scoped3A_129 : memref<!tpu.dma_semaphore, #tpu.memory_space<semaphore_mem>>)
        %dma_wait3A = arith.constant 0 : i32
        %dma_wait3A_138 = arith.constant 0 : i32
        %dma_wait3A_139 = tpu.memref_slice %arg13[%run_scoped3A_125, %dma_wait3A, %dma_wait3A_138] : memref<6x128x16xf32, #tpu.memory_space<vmem>> -> memref<1x128x16xf32, #tpu.memory_space<vmem>>
        %dma_wait3A_140 = tpu.memref_squeeze %dma_wait3A_139 : memref<1x128x16xf32, #tpu.memory_space<vmem>> -> memref<128x16xf32, #tpu.memory_space<vmem>>
        %dma_wait3A_141 = arith.constant 0 : i32
        %dma_wait3A_142 = arith.constant 0 : i32
        %dma_wait3A_143 = tpu.memref_slice %arg13[%run_scoped3A_125, %dma_wait3A_141, %dma_wait3A_142] : memref<6x128x16xf32, #tpu.memory_space<vmem>> -> memref<1x128x16xf32, #tpu.memory_space<vmem>>
        %dma_wait3A_144 = tpu.memref_squeeze %dma_wait3A_143 : memref<1x128x16xf32, #tpu.memory_space<vmem>> -> memref<128x16xf32, #tpu.memory_space<vmem>>
        tpu.wait_dma2 semaphore(%run_scoped3A_129 : memref<!tpu.dma_semaphore, #tpu.memory_space<semaphore_mem>>) src(%arg7 : memref<128x16xf32, #tpu.memory_space<hbm>>) dst(%dma_wait3A_144 : memref<128x16xf32, #tpu.memory_space<vmem>>)
        tpu.yield
      }) : () -> ()
      %run_scoped3A_126 = arith.constant 4 : i32
      "tpu.region"() ({
        %run_scoped3A_129 = tpu.sem_alloc : memref<!tpu.dma_semaphore, #tpu.memory_space<semaphore_mem>>
        %dma_start3A_130 = arith.constant 0 : i32
        %dma_start3A_131 = arith.constant 0 : i32
        %dma_start3A_132 = tpu.memref_slice %arg14[%run_scoped3A_126, %dma_start3A_130, %dma_start3A_131] : memref<6x128x16xf32, #tpu.memory_space<vmem>> -> memref<1x128x16xf32, #tpu.memory_space<vmem>>
        %dma_start3A_133 = tpu.memref_squeeze %dma_start3A_132 : memref<1x128x16xf32, #tpu.memory_space<vmem>> -> memref<128x16xf32, #tpu.memory_space<vmem>>
        %dma_start3A_134 = arith.constant 0 : i32
        %dma_start3A_135 = arith.constant 0 : i32
        %dma_start3A_136 = tpu.memref_slice %arg14[%run_scoped3A_126, %dma_start3A_134, %dma_start3A_135] : memref<6x128x16xf32, #tpu.memory_space<vmem>> -> memref<1x128x16xf32, #tpu.memory_space<vmem>>
        %dma_start3A_137 = tpu.memref_squeeze %dma_start3A_136 : memref<1x128x16xf32, #tpu.memory_space<vmem>> -> memref<128x16xf32, #tpu.memory_space<vmem>>
        tpu.enqueue_dma source(%arg7 : memref<128x16xf32, #tpu.memory_space<hbm>>) target(%dma_start3A_137 : memref<128x16xf32, #tpu.memory_space<vmem>>) target_semaphore(%run_scoped3A_129 : memref<!tpu.dma_semaphore, #tpu.memory_space<semaphore_mem>>)
        %dma_wait3A = arith.constant 0 : i32
        %dma_wait3A_138 = arith.constant 0 : i32
        %dma_wait3A_139 = tpu.memref_slice %arg14[%run_scoped3A_126, %dma_wait3A, %dma_wait3A_138] : memref<6x128x16xf32, #tpu.memory_space<vmem>> -> memref<1x128x16xf32, #tpu.memory_space<vmem>>
        %dma_wait3A_140 = tpu.memref_squeeze %dma_wait3A_139 : memref<1x128x16xf32, #tpu.memory_space<vmem>> -> memref<128x16xf32, #tpu.memory_space<vmem>>
        %dma_wait3A_141 = arith.constant 0 : i32
        %dma_wait3A_142 = arith.constant 0 : i32
        %dma_wait3A_143 = tpu.memref_slice %arg14[%run_scoped3A_126, %dma_wait3A_141, %dma_wait3A_142] : memref<6x128x16xf32, #tpu.memory_space<vmem>> -> memref<1x128x16xf32, #tpu.memory_space<vmem>>
        %dma_wait3A_144 = tpu.memref_squeeze %dma_wait3A_143 : memref<1x128x16xf32, #tpu.memory_space<vmem>> -> memref<128x16xf32, #tpu.memory_space<vmem>>
        tpu.wait_dma2 semaphore(%run_scoped3A_129 : memref<!tpu.dma_semaphore, #tpu.memory_space<semaphore_mem>>) src(%arg7 : memref<128x16xf32, #tpu.memory_space<hbm>>) dst(%dma_wait3A_144 : memref<128x16xf32, #tpu.memory_space<vmem>>)
        tpu.yield
      }) : () -> ()
      %run_scoped3A_127 = arith.constant 5 : i32
      "tpu.region"() ({
        %run_scoped3A_129 = tpu.sem_alloc : memref<!tpu.dma_semaphore, #tpu.memory_space<semaphore_mem>>
        %dma_start3A_130 = arith.constant 0 : i32
        %dma_start3A_131 = arith.constant 0 : i32
        %dma_start3A_132 = tpu.memref_slice %arg13[%run_scoped3A_127, %dma_start3A_130, %dma_start3A_131] : memref<6x128x16xf32, #tpu.memory_space<vmem>> -> memref<1x128x16xf32, #tpu.memory_space<vmem>>
        %dma_start3A_133 = tpu.memref_squeeze %dma_start3A_132 : memref<1x128x16xf32, #tpu.memory_space<vmem>> -> memref<128x16xf32, #tpu.memory_space<vmem>>
        %dma_start3A_134 = arith.constant 0 : i32
        %dma_start3A_135 = arith.constant 0 : i32
        %dma_start3A_136 = tpu.memref_slice %arg13[%run_scoped3A_127, %dma_start3A_134, %dma_start3A_135] : memref<6x128x16xf32, #tpu.memory_space<vmem>> -> memref<1x128x16xf32, #tpu.memory_space<vmem>>
        %dma_start3A_137 = tpu.memref_squeeze %dma_start3A_136 : memref<1x128x16xf32, #tpu.memory_space<vmem>> -> memref<128x16xf32, #tpu.memory_space<vmem>>
        tpu.enqueue_dma source(%arg7 : memref<128x16xf32, #tpu.memory_space<hbm>>) target(%dma_start3A_137 : memref<128x16xf32, #tpu.memory_space<vmem>>) target_semaphore(%run_scoped3A_129 : memref<!tpu.dma_semaphore, #tpu.memory_space<semaphore_mem>>)
        %dma_wait3A = arith.constant 0 : i32
        %dma_wait3A_138 = arith.constant 0 : i32
        %dma_wait3A_139 = tpu.memref_slice %arg13[%run_scoped3A_127, %dma_wait3A, %dma_wait3A_138] : memref<6x128x16xf32, #tpu.memory_space<vmem>> -> memref<1x128x16xf32, #tpu.memory_space<vmem>>
        %dma_wait3A_140 = tpu.memref_squeeze %dma_wait3A_139 : memref<1x128x16xf32, #tpu.memory_space<vmem>> -> memref<128x16xf32, #tpu.memory_space<vmem>>
        %dma_wait3A_141 = arith.constant 0 : i32
        %dma_wait3A_142 = arith.constant 0 : i32
        %dma_wait3A_143 = tpu.memref_slice %arg13[%run_scoped3A_127, %dma_wait3A_141, %dma_wait3A_142] : memref<6x128x16xf32, #tpu.memory_space<vmem>> -> memref<1x128x16xf32, #tpu.memory_space<vmem>>
        %dma_wait3A_144 = tpu.memref_squeeze %dma_wait3A_143 : memref<1x128x16xf32, #tpu.memory_space<vmem>> -> memref<128x16xf32, #tpu.memory_space<vmem>>
        tpu.wait_dma2 semaphore(%run_scoped3A_129 : memref<!tpu.dma_semaphore, #tpu.memory_space<semaphore_mem>>) src(%arg7 : memref<128x16xf32, #tpu.memory_space<hbm>>) dst(%dma_wait3A_144 : memref<128x16xf32, #tpu.memory_space<vmem>>)
        tpu.yield
      }) : () -> ()
      %run_scoped3A_128 = arith.constant 5 : i32
      "tpu.region"() ({
        %run_scoped3A_129 = tpu.sem_alloc : memref<!tpu.dma_semaphore, #tpu.memory_space<semaphore_mem>>
        %dma_start3A_130 = arith.constant 0 : i32
        %dma_start3A_131 = arith.constant 0 : i32
        %dma_start3A_132 = tpu.memref_slice %arg14[%run_scoped3A_128, %dma_start3A_130, %dma_start3A_131] : memref<6x128x16xf32, #tpu.memory_space<vmem>> -> memref<1x128x16xf32, #tpu.memory_space<vmem>>
        %dma_start3A_133 = tpu.memref_squeeze %dma_start3A_132 : memref<1x128x16xf32, #tpu.memory_space<vmem>> -> memref<128x16xf32, #tpu.memory_space<vmem>>
        %dma_start3A_134 = arith.constant 0 : i32
        %dma_start3A_135 = arith.constant 0 : i32
        %dma_start3A_136 = tpu.memref_slice %arg14[%run_scoped3A_128, %dma_start3A_134, %dma_start3A_135] : memref<6x128x16xf32, #tpu.memory_space<vmem>> -> memref<1x128x16xf32, #tpu.memory_space<vmem>>
        %dma_start3A_137 = tpu.memref_squeeze %dma_start3A_136 : memref<1x128x16xf32, #tpu.memory_space<vmem>> -> memref<128x16xf32, #tpu.memory_space<vmem>>
        tpu.enqueue_dma source(%arg7 : memref<128x16xf32, #tpu.memory_space<hbm>>) target(%dma_start3A_137 : memref<128x16xf32, #tpu.memory_space<vmem>>) target_semaphore(%run_scoped3A_129 : memref<!tpu.dma_semaphore, #tpu.memory_space<semaphore_mem>>)
        %dma_wait3A = arith.constant 0 : i32
        %dma_wait3A_138 = arith.constant 0 : i32
        %dma_wait3A_139 = tpu.memref_slice %arg14[%run_scoped3A_128, %dma_wait3A, %dma_wait3A_138] : memref<6x128x16xf32, #tpu.memory_space<vmem>> -> memref<1x128x16xf32, #tpu.memory_space<vmem>>
        %dma_wait3A_140 = tpu.memref_squeeze %dma_wait3A_139 : memref<1x128x16xf32, #tpu.memory_space<vmem>> -> memref<128x16xf32, #tpu.memory_space<vmem>>
        %dma_wait3A_141 = arith.constant 0 : i32
        %dma_wait3A_142 = arith.constant 0 : i32
        %dma_wait3A_143 = tpu.memref_slice %arg14[%run_scoped3A_128, %dma_wait3A_141, %dma_wait3A_142] : memref<6x128x16xf32, #tpu.memory_space<vmem>> -> memref<1x128x16xf32, #tpu.memory_space<vmem>>
        %dma_wait3A_144 = tpu.memref_squeeze %dma_wait3A_143 : memref<1x128x16xf32, #tpu.memory_space<vmem>> -> memref<128x16xf32, #tpu.memory_space<vmem>>
        tpu.wait_dma2 semaphore(%run_scoped3A_129 : memref<!tpu.dma_semaphore, #tpu.memory_space<semaphore_mem>>) src(%arg7 : memref<128x16xf32, #tpu.memory_space<hbm>>) dst(%dma_wait3A_144 : memref<128x16xf32, #tpu.memory_space<vmem>>)
        tpu.yield
      }) : () -> ()
    } else {
    }
    %barrier3A = arith.constant 0 : index
    tpu.barrier barrier_id(%barrier3A)
    %mul3A_14 = arith.constant 1572 : i32
    %mul3A_15 = arith.muli %arg1, %mul3A_14 : i32
    %broadcast_in_dim3A = arith.constant 100088 : i32
    %broadcast_in_dim3A_16 = vector.broadcast %broadcast_in_dim3A : i32 to vector<16xi32>
    %scan3A = arith.constant 0 : i32
    %scan3A_17 = arith.constant 0 : i32
    %scan3A_18 = arith.constant 48 : i32
    %scan3A_19 = arith.addi %scan3A_17, %scan3A_18 : i32
    %scan3A_20 = arith.constant 1 : i32
    %scan3A_21 = scf.for %scan3A_118 = %scan3A_17 to %scan3A_19 step %scan3A_20 iter_args(%scan3A_119 = %scan3A) -> (i32)  : i32 {
      %jit3A = arith.constant 8 : i32
      %div3A = arith.divsi %scan3A_118, %jit3A : i32
      %sign3A = arith.constant 0 : i32
      %sign3A_120 = arith.cmpi sgt, %scan3A_118, %sign3A : i32
      %sign3A_121 = arith.extui %sign3A_120 : i1 to i32
      %sign3A_122 = arith.constant 0 : i32
      %sign3A_123 = arith.cmpi slt, %scan3A_118, %sign3A_122 : i32
      %sign3A_124 = arith.extui %sign3A_123 : i1 to i32
      %sign3A_125 = arith.subi %sign3A_121, %sign3A_124 : i32
      %sign3A_126 = arith.constant 0 : i32
      %sign3A_127 = arith.cmpi sgt, %jit3A, %sign3A_126 : i32
      %sign3A_128 = arith.extui %sign3A_127 : i1 to i32
      %sign3A_129 = arith.constant 0 : i32
      %sign3A_130 = arith.cmpi slt, %jit3A, %sign3A_129 : i32
      %sign3A_131 = arith.extui %sign3A_130 : i1 to i32
      %sign3A_132 = arith.subi %sign3A_128, %sign3A_131 : i32
      %ne3A = arith.cmpi ne, %sign3A_125, %sign3A_132 : i32
      %rem3A = arith.remsi %scan3A_118, %jit3A : i32
      %ne3A_133 = arith.constant 0 : i32
      %ne3A_134 = arith.cmpi ne, %rem3A, %ne3A_133 : i32
      %and3A = arith.andi %ne3A, %ne3A_134 : i1
      %sub3A = arith.constant 1 : i32
      %sub3A_135 = arith.subi %div3A, %sub3A : i32
      %select_n3A = arith.select %and3A, %sub3A_135, %div3A : i32
      %add3A = arith.constant 6 : i32
      %add3A_136 = arith.addi %add3A, %select_n3A : i32
      %jit3A_137 = arith.constant 8 : i32
      %eq3A_138 = arith.constant 0 : i32
      %eq3A_139 = arith.cmpi eq, %jit3A_137, %eq3A_138 : i32
      %jit3A_140 = arith.constant 1 : i32
      %select_n3A_141 = arith.select %eq3A_139, %jit3A_140, %jit3A_137 : i32
      %rem3A_142 = arith.remsi %scan3A_118, %select_n3A_141 : i32
      %ne3A_143 = arith.constant 0 : i32
      %ne3A_144 = arith.cmpi ne, %rem3A_142, %ne3A_143 : i32
      %lt3A = arith.constant 0 : i32
      %lt3A_145 = arith.cmpi slt, %rem3A_142, %lt3A : i32
      %lt3A_146 = arith.constant 0 : i32
      %lt3A_147 = arith.cmpi slt, %select_n3A_141, %lt3A_146 : i32
      %ne3A_148 = arith.xori %lt3A_145, %lt3A_147 : i1
      %and3A_149 = arith.andi %ne3A_148, %ne3A_144 : i1
      %add3A_150 = arith.addi %rem3A_142, %select_n3A_141 : i32
      %select_n3A_151 = arith.select %and3A_149, %add3A_150, %rem3A_142 : i32
      %mul3A_152 = arith.constant 16 : i32
      %mul3A_153 = arith.muli %select_n3A_151, %mul3A_152 : i32
      %swap3A = arith.index_cast %add3A_136 : i32 to index
      %swap3A_154 = arith.index_cast %mul3A_153 : i32 to index
      %swap3A_155 = tpu.vector_load %arg12[%swap3A, %swap3A_154] {strides = array<i32>} : memref<12x128xi32, #tpu.memory_space<vmem>>, vector<16xi32>,
      tpu.vector_store %arg12[%swap3A, %swap3A_154], %broadcast_in_dim3A_16 {strides = array<i32>} : memref<12x128xi32, #tpu.memory_space<vmem>>, vector<16xi32>,
      %scan3A_156 = arith.constant 0 : i32
      scf.yield %scan3A_156 : i32
    }
    %scan3A_22 = arith.constant 48 : i32
    %dma_start3A = arith.constant 0 : i32
    %dma_start3A_23 = arith.constant 6 : i32
    %dma_start3A_24 = arith.constant 0 : i32
    %dma_start3A_25 = arith.constant 0 : i32
    %dma_start3A_26 = tpu.memref_slice %arg14[%dma_start3A, %dma_start3A_24, %dma_start3A_25] : memref<6x128x16xf32, #tpu.memory_space<vmem>> -> memref<1x128x16xf32, #tpu.memory_space<vmem>>
    %dma_start3A_27 = tpu.memref_squeeze %dma_start3A_26 : memref<1x128x16xf32, #tpu.memory_space<vmem>> -> memref<128x16xf32, #tpu.memory_space<vmem>>
    %dma_start3A_28 = arith.constant 0 : i32
    %dma_start3A_29 = tpu.memref_slice %arg12[%dma_start3A_23, %dma_start3A_28] : memref<12x128xi32, #tpu.memory_space<vmem>> -> memref<1x128xi32, #tpu.memory_space<vmem>>
    %dma_start3A_30 = tpu.memref_squeeze %dma_start3A_29 : memref<1x128xi32, #tpu.memory_space<vmem>> -> memref<128xi32, #tpu.memory_space<vmem>>
    %dma_start3A_31 = arith.constant 0 : i32
    %dma_start3A_32 = arith.constant 0 : i32
    %dma_start3A_33 = tpu.memref_slice %arg10[%dma_start3A_31, %dma_start3A_32] : memref<100096x16xf32, #tpu.memory_space<vmem_shared>> -> memref<100096x16xf32, #tpu.memory_space<vmem_shared>>
    tpu.enqueue_indirect_dma source(%dma_start3A_27 : memref<128x16xf32, #tpu.memory_space<vmem>>) target(%dma_start3A_33 : memref<100096x16xf32, #tpu.memory_space<vmem_shared>>) offsets(%dma_start3A_30 : memref<128xi32, #tpu.memory_space<vmem>>) semaphore(%arg19 : memref<!tpu.dma_semaphore, #tpu.memory_space<semaphore_mem>>) {add = true}
    %dma_start3A_34 = arith.constant 1 : i32
    %dma_start3A_35 = arith.constant 7 : i32
    %dma_start3A_36 = arith.constant 0 : i32
    %dma_start3A_37 = arith.constant 0 : i32
    %dma_start3A_38 = tpu.memref_slice %arg14[%dma_start3A_34, %dma_start3A_36, %dma_start3A_37] : memref<6x128x16xf32, #tpu.memory_space<vmem>> -> memref<1x128x16xf32, #tpu.memory_space<vmem>>
    %dma_start3A_39 = tpu.memref_squeeze %dma_start3A_38 : memref<1x128x16xf32, #tpu.memory_space<vmem>> -> memref<128x16xf32, #tpu.memory_space<vmem>>
    %dma_start3A_40 = arith.constant 0 : i32
    %dma_start3A_41 = tpu.memref_slice %arg12[%dma_start3A_35, %dma_start3A_40] : memref<12x128xi32, #tpu.memory_space<vmem>> -> memref<1x128xi32, #tpu.memory_space<vmem>>
    %dma_start3A_42 = tpu.memref_squeeze %dma_start3A_41 : memref<1x128xi32, #tpu.memory_space<vmem>> -> memref<128xi32, #tpu.memory_space<vmem>>
    %dma_start3A_43 = arith.constant 0 : i32
    %dma_start3A_44 = arith.constant 0 : i32
    %dma_start3A_45 = tpu.memref_slice %arg10[%dma_start3A_43, %dma_start3A_44] : memref<100096x16xf32, #tpu.memory_space<vmem_shared>> -> memref<100096x16xf32, #tpu.memory_space<vmem_shared>>
    tpu.enqueue_indirect_dma source(%dma_start3A_39 : memref<128x16xf32, #tpu.memory_space<vmem>>) target(%dma_start3A_45 : memref<100096x16xf32, #tpu.memory_space<vmem_shared>>) offsets(%dma_start3A_42 : memref<128xi32, #tpu.memory_space<vmem>>) semaphore(%arg19 : memref<!tpu.dma_semaphore, #tpu.memory_space<semaphore_mem>>) {add = true}
    %dma_start3A_46 = arith.constant 2 : i32
    %dma_start3A_47 = arith.constant 8 : i32
    %dma_start3A_48 = arith.constant 0 : i32
    %dma_start3A_49 = arith.constant 0 : i32
    %dma_start3A_50 = tpu.memref_slice %arg14[%dma_start3A_46, %dma_start3A_48, %dma_start3A_49] : memref<6x128x16xf32, #tpu.memory_space<vmem>> -> memref<1x128x16xf32, #tpu.memory_space<vmem>>
    %dma_start3A_51 = tpu.memref_squeeze %dma_start3A_50 : memref<1x128x16xf32, #tpu.memory_space<vmem>> -> memref<128x16xf32, #tpu.memory_space<vmem>>
    %dma_start3A_52 = arith.constant 0 : i32
    %dma_start3A_53 = tpu.memref_slice %arg12[%dma_start3A_47, %dma_start3A_52] : memref<12x128xi32, #tpu.memory_space<vmem>> -> memref<1x128xi32, #tpu.memory_space<vmem>>
    %dma_start3A_54 = tpu.memref_squeeze %dma_start3A_53 : memref<1x128xi32, #tpu.memory_space<vmem>> -> memref<128xi32, #tpu.memory_space<vmem>>
    %dma_start3A_55 = arith.constant 0 : i32
    %dma_start3A_56 = arith.constant 0 : i32
    %dma_start3A_57 = tpu.memref_slice %arg10[%dma_start3A_55, %dma_start3A_56] : memref<100096x16xf32, #tpu.memory_space<vmem_shared>> -> memref<100096x16xf32, #tpu.memory_space<vmem_shared>>
    tpu.enqueue_indirect_dma source(%dma_start3A_51 : memref<128x16xf32, #tpu.memory_space<vmem>>) target(%dma_start3A_57 : memref<100096x16xf32, #tpu.memory_space<vmem_shared>>) offsets(%dma_start3A_54 : memref<128xi32, #tpu.memory_space<vmem>>) semaphore(%arg19 : memref<!tpu.dma_semaphore, #tpu.memory_space<semaphore_mem>>) {add = true}
    %dma_start3A_58 = arith.constant 3 : i32
    %dma_start3A_59 = arith.constant 9 : i32
    %dma_start3A_60 = arith.constant 0 : i32
    %dma_start3A_61 = arith.constant 0 : i32
    %dma_start3A_62 = tpu.memref_slice %arg14[%dma_start3A_58, %dma_start3A_60, %dma_start3A_61] : memref<6x128x16xf32, #tpu.memory_space<vmem>> -> memref<1x128x16xf32, #tpu.memory_space<vmem>>
    %dma_start3A_63 = tpu.memref_squeeze %dma_start3A_62 : memref<1x128x16xf32, #tpu.memory_space<vmem>> -> memref<128x16xf32, #tpu.memory_space<vmem>>
    %dma_start3A_64 = arith.constant 0 : i32
    %dma_start3A_65 = tpu.memref_slice %arg12[%dma_start3A_59, %dma_start3A_64] : memref<12x128xi32, #tpu.memory_space<vmem>> -> memref<1x128xi32, #tpu.memory_space<vmem>>
    %dma_start3A_66 = tpu.memref_squeeze %dma_start3A_65 : memref<1x128xi32, #tpu.memory_space<vmem>> -> memref<128xi32, #tpu.memory_space<vmem>>
    %dma_start3A_67 = arith.constant 0 : i32
    %dma_start3A_68 = arith.constant 0 : i32
    %dma_start3A_69 = tpu.memref_slice %arg10[%dma_start3A_67, %dma_start3A_68] : memref<100096x16xf32, #tpu.memory_space<vmem_shared>> -> memref<100096x16xf32, #tpu.memory_space<vmem_shared>>
    tpu.enqueue_indirect_dma source(%dma_start3A_63 : memref<128x16xf32, #tpu.memory_space<vmem>>) target(%dma_start3A_69 : memref<100096x16xf32, #tpu.memory_space<vmem_shared>>) offsets(%dma_start3A_66 : memref<128xi32, #tpu.memory_space<vmem>>) semaphore(%arg19 : memref<!tpu.dma_semaphore, #tpu.memory_space<semaphore_mem>>) {add = true}
    %dma_start3A_70 = arith.constant 4 : i32
    %dma_start3A_71 = arith.constant 10 : i32
    %dma_start3A_72 = arith.constant 0 : i32
    %dma_start3A_73 = arith.constant 0 : i32
    %dma_start3A_74 = tpu.memref_slice %arg14[%dma_start3A_70, %dma_start3A_72, %dma_start3A_73] : memref<6x128x16xf32, #tpu.memory_space<vmem>> -> memref<1x128x16xf32, #tpu.memory_space<vmem>>
    %dma_start3A_75 = tpu.memref_squeeze %dma_start3A_74 : memref<1x128x16xf32, #tpu.memory_space<vmem>> -> memref<128x16xf32, #tpu.memory_space<vmem>>
    %dma_start3A_76 = arith.constant 0 : i32
    %dma_start3A_77 = tpu.memref_slice %arg12[%dma_start3A_71, %dma_start3A_76] : memref<12x128xi32, #tpu.memory_space<vmem>> -> memref<1x128xi32, #tpu.memory_space<vmem>>
    %dma_start3A_78 = tpu.memref_squeeze %dma_start3A_77 : memref<1x128xi32, #tpu.memory_space<vmem>> -> memref<128xi32, #tpu.memory_space<vmem>>
    %dma_start3A_79 = arith.constant 0 : i32
    %dma_start3A_80 = arith.constant 0 : i32
    %dma_start3A_81 = tpu.memref_slice %arg10[%dma_start3A_79, %dma_start3A_80] : memref<100096x16xf32, #tpu.memory_space<vmem_shared>> -> memref<100096x16xf32, #tpu.memory_space<vmem_shared>>
    tpu.enqueue_indirect_dma source(%dma_start3A_75 : memref<128x16xf32, #tpu.memory_space<vmem>>) target(%dma_start3A_81 : memref<100096x16xf32, #tpu.memory_space<vmem_shared>>) offsets(%dma_start3A_78 : memref<128xi32, #tpu.memory_space<vmem>>) semaphore(%arg19 : memref<!tpu.dma_semaphore, #tpu.memory_space<semaphore_mem>>) {add = true}
    %dma_start3A_82 = arith.constant 5 : i32
    %dma_start3A_83 = arith.constant 11 : i32
    %dma_start3A_84 = arith.constant 0 : i32
    %dma_start3A_85 = arith.constant 0 : i32
    %dma_start3A_86 = tpu.memref_slice %arg14[%dma_start3A_82, %dma_start3A_84, %dma_start3A_85] : memref<6x128x16xf32, #tpu.memory_space<vmem>> -> memref<1x128x16xf32, #tpu.memory_space<vmem>>
    %dma_start3A_87 = tpu.memref_squeeze %dma_start3A_86 : memref<1x128x16xf32, #tpu.memory_space<vmem>> -> memref<128x16xf32, #tpu.memory_space<vmem>>
    %dma_start3A_88 = arith.constant 0 : i32
    %dma_start3A_89 = tpu.memref_slice %arg12[%dma_start3A_83, %dma_start3A_88] : memref<12x128xi32, #tpu.memory_space<vmem>> -> memref<1x128xi32, #tpu.memory_space<vmem>>
    %dma_start3A_90 = tpu.memref_squeeze %dma_start3A_89 : memref<1x128xi32, #tpu.memory_space<vmem>> -> memref<128xi32, #tpu.memory_space<vmem>>
    %dma_start3A_91 = arith.constant 0 : i32
    %dma_start3A_92 = arith.constant 0 : i32
    %dma_start3A_93 = tpu.memref_slice %arg10[%dma_start3A_91, %dma_start3A_92] : memref<100096x16xf32, #tpu.memory_space<vmem_shared>> -> memref<100096x16xf32, #tpu.memory_space<vmem_shared>>
    tpu.enqueue_indirect_dma source(%dma_start3A_87 : memref<128x16xf32, #tpu.memory_space<vmem>>) target(%dma_start3A_93 : memref<100096x16xf32, #tpu.memory_space<vmem_shared>>) offsets(%dma_start3A_90 : memref<128xi32, #tpu.memory_space<vmem>>) semaphore(%arg19 : memref<!tpu.dma_semaphore, #tpu.memory_space<semaphore_mem>>) {add = true}
    %convert_element_type3A_94 = arith.extui %not3A_9 : i1 to i32
    %cond3A_95 = arith.constant 0 : i32
    %cond3A_96 = arith.cmpi ne, %convert_element_type3A_94, %cond3A_95 : i32
    scf.if %cond3A_96 {
      %scan3A_118 = arith.constant 0 : i32
      %scan3A_119 = arith.constant 0 : i32
      %scan3A_120 = arith.constant 48 : i32
      %scan3A_121 = arith.addi %scan3A_119, %scan3A_120 : i32
      %scan3A_122 = arith.constant 1 : i32
      %scan3A_123 = scf.for %scan3A_197 = %scan3A_119 to %scan3A_121 step %scan3A_122 iter_args(%scan3A_198 = %scan3A_118) -> (i32)  : i32 {
        %jit3A = arith.constant 8 : i32
        %div3A = arith.divsi %scan3A_197, %jit3A : i32
        %sign3A = arith.constant 0 : i32
        %sign3A_199 = arith.cmpi sgt, %scan3A_197, %sign3A : i32
        %sign3A_200 = arith.extui %sign3A_199 : i1 to i32
        %sign3A_201 = arith.constant 0 : i32
        %sign3A_202 = arith.cmpi slt, %scan3A_197, %sign3A_201 : i32
        %sign3A_203 = arith.extui %sign3A_202 : i1 to i32
        %sign3A_204 = arith.subi %sign3A_200, %sign3A_203 : i32
        %sign3A_205 = arith.constant 0 : i32
        %sign3A_206 = arith.cmpi sgt, %jit3A, %sign3A_205 : i32
        %sign3A_207 = arith.extui %sign3A_206 : i1 to i32
        %sign3A_208 = arith.constant 0 : i32
        %sign3A_209 = arith.cmpi slt, %jit3A, %sign3A_208 : i32
        %sign3A_210 = arith.extui %sign3A_209 : i1 to i32
        %sign3A_211 = arith.subi %sign3A_207, %sign3A_210 : i32
        %ne3A = arith.cmpi ne, %sign3A_204, %sign3A_211 : i32
        %rem3A = arith.remsi %scan3A_197, %jit3A : i32
        %ne3A_212 = arith.constant 0 : i32
        %ne3A_213 = arith.cmpi ne, %rem3A, %ne3A_212 : i32
        %and3A = arith.andi %ne3A, %ne3A_213 : i1
        %sub3A = arith.constant 1 : i32
        %sub3A_214 = arith.subi %div3A, %sub3A : i32
        %select_n3A = arith.select %and3A, %sub3A_214, %div3A : i32
        %jit3A_215 = arith.constant 8 : i32
        %eq3A_216 = arith.constant 0 : i32
        %eq3A_217 = arith.cmpi eq, %jit3A_215, %eq3A_216 : i32
        %jit3A_218 = arith.constant 1 : i32
        %select_n3A_219 = arith.select %eq3A_217, %jit3A_218, %jit3A_215 : i32
        %rem3A_220 = arith.remsi %scan3A_197, %select_n3A_219 : i32
        %ne3A_221 = arith.constant 0 : i32
        %ne3A_222 = arith.cmpi ne, %rem3A_220, %ne3A_221 : i32
        %lt3A = arith.constant 0 : i32
        %lt3A_223 = arith.cmpi slt, %rem3A_220, %lt3A : i32
        %lt3A_224 = arith.constant 0 : i32
        %lt3A_225 = arith.cmpi slt, %select_n3A_219, %lt3A_224 : i32
        %ne3A_226 = arith.xori %lt3A_223, %lt3A_225 : i1
        %and3A_227 = arith.andi %ne3A_226, %ne3A_222 : i1
        %add3A = arith.addi %rem3A_220, %select_n3A_219 : i32
        %select_n3A_228 = arith.select %and3A_227, %add3A, %rem3A_220 : i32
        %mul3A_229 = arith.constant 16 : i32
        %mul3A_230 = arith.muli %select_n3A_228, %mul3A_229 : i32
        %swap3A = arith.index_cast %select_n3A : i32 to index
        %swap3A_231 = arith.index_cast %mul3A_230 : i32 to index
        %swap3A_232 = tpu.vector_load %arg12[%swap3A, %swap3A_231] {strides = array<i32>} : memref<12x128xi32, #tpu.memory_space<vmem>>, vector<16xi32>,
        tpu.vector_store %arg12[%swap3A, %swap3A_231], %broadcast_in_dim3A_16 {strides = array<i32>} : memref<12x128xi32, #tpu.memory_space<vmem>>, vector<16xi32>,
        %scan3A_233 = arith.constant 0 : i32
        scf.yield %scan3A_233 : i32
      }
      %scan3A_124 = arith.constant 48 : i32
      %dma_start3A_125 = arith.constant 0 : i32
      %dma_start3A_126 = arith.constant 0 : i32
      %dma_start3A_127 = arith.constant 0 : i32
      %dma_start3A_128 = arith.constant 0 : i32
      %dma_start3A_129 = tpu.memref_slice %arg13[%dma_start3A_125, %dma_start3A_127, %dma_start3A_128] : memref<6x128x16xf32, #tpu.memory_space<vmem>> -> memref<1x128x16xf32, #tpu.memory_space<vmem>>
      %dma_start3A_130 = tpu.memref_squeeze %dma_start3A_129 : memref<1x128x16xf32, #tpu.memory_space<vmem>> -> memref<128x16xf32, #tpu.memory_space<vmem>>
      %dma_start3A_131 = arith.constant 0 : i32
      %dma_start3A_132 = tpu.memref_slice %arg12[%dma_start3A_126, %dma_start3A_131] : memref<12x128xi32, #tpu.memory_space<vmem>> -> memref<1x128xi32, #tpu.memory_space<vmem>>
      %dma_start3A_133 = tpu.memref_squeeze %dma_start3A_132 : memref<1x128xi32, #tpu.memory_space<vmem>> -> memref<128xi32, #tpu.memory_space<vmem>>
      %dma_start3A_134 = arith.constant 0 : i32
      %dma_start3A_135 = arith.constant 0 : i32
      %dma_start3A_136 = tpu.memref_slice %arg10[%dma_start3A_134, %dma_start3A_135] : memref<100096x16xf32, #tpu.memory_space<vmem_shared>> -> memref<100096x16xf32, #tpu.memory_space<vmem_shared>>
      tpu.enqueue_indirect_dma source(%dma_start3A_130 : memref<128x16xf32, #tpu.memory_space<vmem>>) target(%dma_start3A_136 : memref<100096x16xf32, #tpu.memory_space<vmem_shared>>) offsets(%dma_start3A_133 : memref<128xi32, #tpu.memory_space<vmem>>) semaphore(%arg18 : memref<!tpu.dma_semaphore, #tpu.memory_space<semaphore_mem>>) {add = true}
      %dma_start3A_137 = arith.constant 1 : i32
      %dma_start3A_138 = arith.constant 1 : i32
      %dma_start3A_139 = arith.constant 0 : i32
      %dma_start3A_140 = arith.constant 0 : i32
      %dma_start3A_141 = tpu.memref_slice %arg13[%dma_start3A_137, %dma_start3A_139, %dma_start3A_140] : memref<6x128x16xf32, #tpu.memory_space<vmem>> -> memref<1x128x16xf32, #tpu.memory_space<vmem>>
      %dma_start3A_142 = tpu.memref_squeeze %dma_start3A_141 : memref<1x128x16xf32, #tpu.memory_space<vmem>> -> memref<128x16xf32, #tpu.memory_space<vmem>>
      %dma_start3A_143 = arith.constant 0 : i32
      %dma_start3A_144 = tpu.memref_slice %arg12[%dma_start3A_138, %dma_start3A_143] : memref<12x128xi32, #tpu.memory_space<vmem>> -> memref<1x128xi32, #tpu.memory_space<vmem>>
      %dma_start3A_145 = tpu.memref_squeeze %dma_start3A_144 : memref<1x128xi32, #tpu.memory_space<vmem>> -> memref<128xi32, #tpu.memory_space<vmem>>
      %dma_start3A_146 = arith.constant 0 : i32
      %dma_start3A_147 = arith.constant 0 : i32
      %dma_start3A_148 = tpu.memref_slice %arg10[%dma_start3A_146, %dma_start3A_147] : memref<100096x16xf32, #tpu.memory_space<vmem_shared>> -> memref<100096x16xf32, #tpu.memory_space<vmem_shared>>
      tpu.enqueue_indirect_dma source(%dma_start3A_142 : memref<128x16xf32, #tpu.memory_space<vmem>>) target(%dma_start3A_148 : memref<100096x16xf32, #tpu.memory_space<vmem_shared>>) offsets(%dma_start3A_145 : memref<128xi32, #tpu.memory_space<vmem>>) semaphore(%arg18 : memref<!tpu.dma_semaphore, #tpu.memory_space<semaphore_mem>>) {add = true}
      %dma_start3A_149 = arith.constant 2 : i32
      %dma_start3A_150 = arith.constant 2 : i32
      %dma_start3A_151 = arith.constant 0 : i32
      %dma_start3A_152 = arith.constant 0 : i32
      %dma_start3A_153 = tpu.memref_slice %arg13[%dma_start3A_149, %dma_start3A_151, %dma_start3A_152] : memref<6x128x16xf32, #tpu.memory_space<vmem>> -> memref<1x128x16xf32, #tpu.memory_space<vmem>>
      %dma_start3A_154 = tpu.memref_squeeze %dma_start3A_153 : memref<1x128x16xf32, #tpu.memory_space<vmem>> -> memref<128x16xf32, #tpu.memory_space<vmem>>
      %dma_start3A_155 = arith.constant 0 : i32
      %dma_start3A_156 = tpu.memref_slice %arg12[%dma_start3A_150, %dma_start3A_155] : memref<12x128xi32, #tpu.memory_space<vmem>> -> memref<1x128xi32, #tpu.memory_space<vmem>>
      %dma_start3A_157 = tpu.memref_squeeze %dma_start3A_156 : memref<1x128xi32, #tpu.memory_space<vmem>> -> memref<128xi32, #tpu.memory_space<vmem>>
      %dma_start3A_158 = arith.constant 0 : i32
      %dma_start3A_159 = arith.constant 0 : i32
      %dma_start3A_160 = tpu.memref_slice %arg10[%dma_start3A_158, %dma_start3A_159] : memref<100096x16xf32, #tpu.memory_space<vmem_shared>> -> memref<100096x16xf32, #tpu.memory_space<vmem_shared>>
      tpu.enqueue_indirect_dma source(%dma_start3A_154 : memref<128x16xf32, #tpu.memory_space<vmem>>) target(%dma_start3A_160 : memref<100096x16xf32, #tpu.memory_space<vmem_shared>>) offsets(%dma_start3A_157 : memref<128xi32, #tpu.memory_space<vmem>>) semaphore(%arg18 : memref<!tpu.dma_semaphore, #tpu.memory_space<semaphore_mem>>) {add = true}
      %dma_start3A_161 = arith.constant 3 : i32
      %dma_start3A_162 = arith.constant 3 : i32
      %dma_start3A_163 = arith.constant 0 : i32
      %dma_start3A_164 = arith.constant 0 : i32
      %dma_start3A_165 = tpu.memref_slice %arg13[%dma_start3A_161, %dma_start3A_163, %dma_start3A_164] : memref<6x128x16xf32, #tpu.memory_space<vmem>> -> memref<1x128x16xf32, #tpu.memory_space<vmem>>
      %dma_start3A_166 = tpu.memref_squeeze %dma_start3A_165 : memref<1x128x16xf32, #tpu.memory_space<vmem>> -> memref<128x16xf32, #tpu.memory_space<vmem>>
      %dma_start3A_167 = arith.constant 0 : i32
      %dma_start3A_168 = tpu.memref_slice %arg12[%dma_start3A_162, %dma_start3A_167] : memref<12x128xi32, #tpu.memory_space<vmem>> -> memref<1x128xi32, #tpu.memory_space<vmem>>
      %dma_start3A_169 = tpu.memref_squeeze %dma_start3A_168 : memref<1x128xi32, #tpu.memory_space<vmem>> -> memref<128xi32, #tpu.memory_space<vmem>>
      %dma_start3A_170 = arith.constant 0 : i32
      %dma_start3A_171 = arith.constant 0 : i32
      %dma_start3A_172 = tpu.memref_slice %arg10[%dma_start3A_170, %dma_start3A_171] : memref<100096x16xf32, #tpu.memory_space<vmem_shared>> -> memref<100096x16xf32, #tpu.memory_space<vmem_shared>>
      tpu.enqueue_indirect_dma source(%dma_start3A_166 : memref<128x16xf32, #tpu.memory_space<vmem>>) target(%dma_start3A_172 : memref<100096x16xf32, #tpu.memory_space<vmem_shared>>) offsets(%dma_start3A_169 : memref<128xi32, #tpu.memory_space<vmem>>) semaphore(%arg18 : memref<!tpu.dma_semaphore, #tpu.memory_space<semaphore_mem>>) {add = true}
      %dma_start3A_173 = arith.constant 4 : i32
      %dma_start3A_174 = arith.constant 4 : i32
      %dma_start3A_175 = arith.constant 0 : i32
      %dma_start3A_176 = arith.constant 0 : i32
      %dma_start3A_177 = tpu.memref_slice %arg13[%dma_start3A_173, %dma_start3A_175, %dma_start3A_176] : memref<6x128x16xf32, #tpu.memory_space<vmem>> -> memref<1x128x16xf32, #tpu.memory_space<vmem>>
      %dma_start3A_178 = tpu.memref_squeeze %dma_start3A_177 : memref<1x128x16xf32, #tpu.memory_space<vmem>> -> memref<128x16xf32, #tpu.memory_space<vmem>>
      %dma_start3A_179 = arith.constant 0 : i32
      %dma_start3A_180 = tpu.memref_slice %arg12[%dma_start3A_174, %dma_start3A_179] : memref<12x128xi32, #tpu.memory_space<vmem>> -> memref<1x128xi32, #tpu.memory_space<vmem>>
      %dma_start3A_181 = tpu.memref_squeeze %dma_start3A_180 : memref<1x128xi32, #tpu.memory_space<vmem>> -> memref<128xi32, #tpu.memory_space<vmem>>
      %dma_start3A_182 = arith.constant 0 : i32
      %dma_start3A_183 = arith.constant 0 : i32
      %dma_start3A_184 = tpu.memref_slice %arg10[%dma_start3A_182, %dma_start3A_183] : memref<100096x16xf32, #tpu.memory_space<vmem_shared>> -> memref<100096x16xf32, #tpu.memory_space<vmem_shared>>
      tpu.enqueue_indirect_dma source(%dma_start3A_178 : memref<128x16xf32, #tpu.memory_space<vmem>>) target(%dma_start3A_184 : memref<100096x16xf32, #tpu.memory_space<vmem_shared>>) offsets(%dma_start3A_181 : memref<128xi32, #tpu.memory_space<vmem>>) semaphore(%arg18 : memref<!tpu.dma_semaphore, #tpu.memory_space<semaphore_mem>>) {add = true}
      %dma_start3A_185 = arith.constant 5 : i32
      %dma_start3A_186 = arith.constant 5 : i32
      %dma_start3A_187 = arith.constant 0 : i32
      %dma_start3A_188 = arith.constant 0 : i32
      %dma_start3A_189 = tpu.memref_slice %arg13[%dma_start3A_185, %dma_start3A_187, %dma_start3A_188] : memref<6x128x16xf32, #tpu.memory_space<vmem>> -> memref<1x128x16xf32, #tpu.memory_space<vmem>>
      %dma_start3A_190 = tpu.memref_squeeze %dma_start3A_189 : memref<1x128x16xf32, #tpu.memory_space<vmem>> -> memref<128x16xf32, #tpu.memory_space<vmem>>
      %dma_start3A_191 = arith.constant 0 : i32
      %dma_start3A_192 = tpu.memref_slice %arg12[%dma_start3A_186, %dma_start3A_191] : memref<12x128xi32, #tpu.memory_space<vmem>> -> memref<1x128xi32, #tpu.memory_space<vmem>>
      %dma_start3A_193 = tpu.memref_squeeze %dma_start3A_192 : memref<1x128xi32, #tpu.memory_space<vmem>> -> memref<128xi32, #tpu.memory_space<vmem>>
      %dma_start3A_194 = arith.constant 0 : i32
      %dma_start3A_195 = arith.constant 0 : i32
      %dma_start3A_196 = tpu.memref_slice %arg10[%dma_start3A_194, %dma_start3A_195] : memref<100096x16xf32, #tpu.memory_space<vmem_shared>> -> memref<100096x16xf32, #tpu.memory_space<vmem_shared>>
      tpu.enqueue_indirect_dma source(%dma_start3A_190 : memref<128x16xf32, #tpu.memory_space<vmem>>) target(%dma_start3A_196 : memref<100096x16xf32, #tpu.memory_space<vmem_shared>>) offsets(%dma_start3A_193 : memref<128xi32, #tpu.memory_space<vmem>>) semaphore(%arg18 : memref<!tpu.dma_semaphore, #tpu.memory_space<semaphore_mem>>) {add = true}
    } else {
    }
    %convert_element_type3A_97 = arith.extui %eq3A_8 : i1 to i32
    %cond3A_98 = arith.constant 0 : i32
    %cond3A_99 = arith.cmpi ne, %convert_element_type3A_97, %cond3A_98 : i32
    scf.if %cond3A_99 {
      "tpu.region"() ({
        %run_scoped3A = tpu.sem_alloc : memref<!tpu.dma_semaphore, #tpu.memory_space<semaphore_mem>>
        %dma_start3A_190 = arith.constant 0 : i32
        %dma_start3A_191 = arith.constant 0 : i32
        %dma_start3A_192 = tpu.memref_slice %arg11[%dma_start3A_190, %dma_start3A_191] : memref<12x128xi32, #tpu.memory_space<vmem>> -> memref<6x128xi32, #tpu.memory_space<vmem>>
        %dma_start3A_193 = arith.constant 0 : i32
        %dma_start3A_194 = tpu.memref_slice %arg3[%mul3A_15, %dma_start3A_193] : memref<25152x128xi32, #tpu.memory_space<hbm>> -> memref<6x128xi32, #tpu.memory_space<hbm>>
        %dma_start3A_195 = arith.constant 0 : i32
        %dma_start3A_196 = arith.constant 0 : i32
        %dma_start3A_197 = tpu.memref_slice %arg11[%dma_start3A_195, %dma_start3A_196] : memref<12x128xi32, #tpu.memory_space<vmem>> -> memref<6x128xi32, #tpu.memory_space<vmem>>
        %dma_start3A_198 = arith.constant 0 : i32
        %dma_start3A_199 = tpu.memref_slice %arg3[%mul3A_15, %dma_start3A_198] : memref<25152x128xi32, #tpu.memory_space<hbm>> -> memref<6x128xi32, #tpu.memory_space<hbm>>
        tpu.enqueue_dma source(%dma_start3A_199 : memref<6x128xi32, #tpu.memory_space<hbm>>) target(%dma_start3A_197 : memref<6x128xi32, #tpu.memory_space<vmem>>) target_semaphore(%run_scoped3A : memref<!tpu.dma_semaphore, #tpu.memory_space<semaphore_mem>>)
        %dma_wait3A = arith.constant 0 : i32
        %dma_wait3A_200 = arith.constant 0 : i32
        %dma_wait3A_201 = tpu.memref_slice %arg11[%dma_wait3A, %dma_wait3A_200] : memref<12x128xi32, #tpu.memory_space<vmem>> -> memref<6x128xi32, #tpu.memory_space<vmem>>
        %dma_wait3A_202 = arith.constant 0 : i32
        %dma_wait3A_203 = tpu.memref_slice %arg3[%mul3A_15, %dma_wait3A_202] : memref<25152x128xi32, #tpu.memory_space<hbm>> -> memref<6x128xi32, #tpu.memory_space<hbm>>
        %dma_wait3A_204 = arith.constant 0 : i32
        %dma_wait3A_205 = arith.constant 0 : i32
        %dma_wait3A_206 = tpu.memref_slice %arg11[%dma_wait3A_204, %dma_wait3A_205] : memref<12x128xi32, #tpu.memory_space<vmem>> -> memref<6x128xi32, #tpu.memory_space<vmem>>
        %dma_wait3A_207 = arith.constant 0 : i32
        %dma_wait3A_208 = tpu.memref_slice %arg3[%mul3A_15, %dma_wait3A_207] : memref<25152x128xi32, #tpu.memory_space<hbm>> -> memref<6x128xi32, #tpu.memory_space<hbm>>
        tpu.wait_dma2 semaphore(%run_scoped3A : memref<!tpu.dma_semaphore, #tpu.memory_space<semaphore_mem>>) src(%dma_wait3A_208 : memref<6x128xi32, #tpu.memory_space<hbm>>) dst(%dma_wait3A_206 : memref<6x128xi32, #tpu.memory_space<vmem>>)
        tpu.yield
      }) : () -> ()
      "tpu.region"() ({
        %run_scoped3A = tpu.sem_alloc : memref<!tpu.dma_semaphore, #tpu.memory_space<semaphore_mem>>
        %dma_start3A_190 = arith.constant 0 : i32
        %dma_start3A_191 = arith.constant 0 : i32
        %dma_start3A_192 = tpu.memref_slice %arg12[%dma_start3A_190, %dma_start3A_191] : memref<12x128xi32, #tpu.memory_space<vmem>> -> memref<6x128xi32, #tpu.memory_space<vmem>>
        %dma_start3A_193 = arith.constant 0 : i32
        %dma_start3A_194 = tpu.memref_slice %arg4[%mul3A_15, %dma_start3A_193] : memref<25152x128xi32, #tpu.memory_space<hbm>> -> memref<6x128xi32, #tpu.memory_space<hbm>>
        %dma_start3A_195 = arith.constant 0 : i32
        %dma_start3A_196 = arith.constant 0 : i32
        %dma_start3A_197 = tpu.memref_slice %arg12[%dma_start3A_195, %dma_start3A_196] : memref<12x128xi32, #tpu.memory_space<vmem>> -> memref<6x128xi32, #tpu.memory_space<vmem>>
        %dma_start3A_198 = arith.constant 0 : i32
        %dma_start3A_199 = tpu.memref_slice %arg4[%mul3A_15, %dma_start3A_198] : memref<25152x128xi32, #tpu.memory_space<hbm>> -> memref<6x128xi32, #tpu.memory_space<hbm>>
        tpu.enqueue_dma source(%dma_start3A_199 : memref<6x128xi32, #tpu.memory_space<hbm>>) target(%dma_start3A_197 : memref<6x128xi32, #tpu.memory_space<vmem>>) target_semaphore(%run_scoped3A : memref<!tpu.dma_semaphore, #tpu.memory_space<semaphore_mem>>)
        %dma_wait3A = arith.constant 0 : i32
        %dma_wait3A_200 = arith.constant 0 : i32
        %dma_wait3A_201 = tpu.memref_slice %arg12[%dma_wait3A, %dma_wait3A_200] : memref<12x128xi32, #tpu.memory_space<vmem>> -> memref<6x128xi32, #tpu.memory_space<vmem>>
        %dma_wait3A_202 = arith.constant 0 : i32
        %dma_wait3A_203 = tpu.memref_slice %arg4[%mul3A_15, %dma_wait3A_202] : memref<25152x128xi32, #tpu.memory_space<hbm>> -> memref<6x128xi32, #tpu.memory_space<hbm>>
        %dma_wait3A_204 = arith.constant 0 : i32
        %dma_wait3A_205 = arith.constant 0 : i32
        %dma_wait3A_206 = tpu.memref_slice %arg12[%dma_wait3A_204, %dma_wait3A_205] : memref<12x128xi32, #tpu.memory_space<vmem>> -> memref<6x128xi32, #tpu.memory_space<vmem>>
        %dma_wait3A_207 = arith.constant 0 : i32
        %dma_wait3A_208 = tpu.memref_slice %arg4[%mul3A_15, %dma_wait3A_207] : memref<25152x128xi32, #tpu.memory_space<hbm>> -> memref<6x128xi32, #tpu.memory_space<hbm>>
        tpu.wait_dma2 semaphore(%run_scoped3A : memref<!tpu.dma_semaphore, #tpu.memory_space<semaphore_mem>>) src(%dma_wait3A_208 : memref<6x128xi32, #tpu.memory_space<hbm>>) dst(%dma_wait3A_206 : memref<6x128xi32, #tpu.memory_space<vmem>>)
        tpu.yield
      }) : () -> ()
      %dma_start3A_118 = arith.constant 0 : i32
      %dma_start3A_119 = arith.constant 0 : i32
      %dma_start3A_120 = arith.constant 0 : i32
      %dma_start3A_121 = arith.constant 0 : i32
      %dma_start3A_122 = tpu.memref_slice %arg13[%dma_start3A_119, %dma_start3A_120, %dma_start3A_121] : memref<6x128x16xf32, #tpu.memory_space<vmem>> -> memref<1x128x16xf32, #tpu.memory_space<vmem>>
      %dma_start3A_123 = tpu.memref_squeeze %dma_start3A_122 : memref<1x128x16xf32, #tpu.memory_space<vmem>> -> memref<128x16xf32, #tpu.memory_space<vmem>>
      %dma_start3A_124 = arith.constant 0 : i32
      %dma_start3A_125 = tpu.memref_slice %arg11[%dma_start3A_118, %dma_start3A_124] : memref<12x128xi32, #tpu.memory_space<vmem>> -> memref<1x128xi32, #tpu.memory_space<vmem>>
      %dma_start3A_126 = tpu.memref_squeeze %dma_start3A_125 : memref<1x128xi32, #tpu.memory_space<vmem>> -> memref<128xi32, #tpu.memory_space<vmem>>
      %dma_start3A_127 = arith.constant 0 : i32
      %dma_start3A_128 = arith.constant 0 : i32
      %dma_start3A_129 = tpu.memref_slice %arg2[%dma_start3A_127, %dma_start3A_128] : memref<100096x16xf32, #tpu.memory_space<hbm>> -> memref<100096x16xf32, #tpu.memory_space<hbm>>
      tpu.enqueue_indirect_dma source(%dma_start3A_129 : memref<100096x16xf32, #tpu.memory_space<hbm>>) target(%dma_start3A_123 : memref<128x16xf32, #tpu.memory_space<vmem>>) offsets(%dma_start3A_126 : memref<128xi32, #tpu.memory_space<vmem>>) semaphore(%arg16 : memref<!tpu.dma_semaphore, #tpu.memory_space<semaphore_mem>>)
      %dma_start3A_130 = arith.constant 1 : i32
      %dma_start3A_131 = arith.constant 1 : i32
      %dma_start3A_132 = arith.constant 0 : i32
      %dma_start3A_133 = arith.constant 0 : i32
      %dma_start3A_134 = tpu.memref_slice %arg13[%dma_start3A_131, %dma_start3A_132, %dma_start3A_133] : memref<6x128x16xf32, #tpu.memory_space<vmem>> -> memref<1x128x16xf32, #tpu.memory_space<vmem>>
      %dma_start3A_135 = tpu.memref_squeeze %dma_start3A_134 : memref<1x128x16xf32, #tpu.memory_space<vmem>> -> memref<128x16xf32, #tpu.memory_space<vmem>>
      %dma_start3A_136 = arith.constant 0 : i32
      %dma_start3A_137 = tpu.memref_slice %arg11[%dma_start3A_130, %dma_start3A_136] : memref<12x128xi32, #tpu.memory_space<vmem>> -> memref<1x128xi32, #tpu.memory_space<vmem>>
      %dma_start3A_138 = tpu.memref_squeeze %dma_start3A_137 : memref<1x128xi32, #tpu.memory_space<vmem>> -> memref<128xi32, #tpu.memory_space<vmem>>
      %dma_start3A_139 = arith.constant 0 : i32
      %dma_start3A_140 = arith.constant 0 : i32
      %dma_start3A_141 = tpu.memref_slice %arg2[%dma_start3A_139, %dma_start3A_140] : memref<100096x16xf32, #tpu.memory_space<hbm>> -> memref<100096x16xf32, #tpu.memory_space<hbm>>
      tpu.enqueue_indirect_dma source(%dma_start3A_141 : memref<100096x16xf32, #tpu.memory_space<hbm>>) target(%dma_start3A_135 : memref<128x16xf32, #tpu.memory_space<vmem>>) offsets(%dma_start3A_138 : memref<128xi32, #tpu.memory_space<vmem>>) semaphore(%arg16 : memref<!tpu.dma_semaphore, #tpu.memory_space<semaphore_mem>>)
      %dma_start3A_142 = arith.constant 2 : i32
      %dma_start3A_143 = arith.constant 2 : i32
      %dma_start3A_144 = arith.constant 0 : i32
      %dma_start3A_145 = arith.constant 0 : i32
      %dma_start3A_146 = tpu.memref_slice %arg13[%dma_start3A_143, %dma_start3A_144, %dma_start3A_145] : memref<6x128x16xf32, #tpu.memory_space<vmem>> -> memref<1x128x16xf32, #tpu.memory_space<vmem>>
      %dma_start3A_147 = tpu.memref_squeeze %dma_start3A_146 : memref<1x128x16xf32, #tpu.memory_space<vmem>> -> memref<128x16xf32, #tpu.memory_space<vmem>>
      %dma_start3A_148 = arith.constant 0 : i32
      %dma_start3A_149 = tpu.memref_slice %arg11[%dma_start3A_142, %dma_start3A_148] : memref<12x128xi32, #tpu.memory_space<vmem>> -> memref<1x128xi32, #tpu.memory_space<vmem>>
      %dma_start3A_150 = tpu.memref_squeeze %dma_start3A_149 : memref<1x128xi32, #tpu.memory_space<vmem>> -> memref<128xi32, #tpu.memory_space<vmem>>
      %dma_start3A_151 = arith.constant 0 : i32
      %dma_start3A_152 = arith.constant 0 : i32
      %dma_start3A_153 = tpu.memref_slice %arg2[%dma_start3A_151, %dma_start3A_152] : memref<100096x16xf32, #tpu.memory_space<hbm>> -> memref<100096x16xf32, #tpu.memory_space<hbm>>
      tpu.enqueue_indirect_dma source(%dma_start3A_153 : memref<100096x16xf32, #tpu.memory_space<hbm>>) target(%dma_start3A_147 : memref<128x16xf32, #tpu.memory_space<vmem>>) offsets(%dma_start3A_150 : memref<128xi32, #tpu.memory_space<vmem>>) semaphore(%arg16 : memref<!tpu.dma_semaphore, #tpu.memory_space<semaphore_mem>>)
      %dma_start3A_154 = arith.constant 3 : i32
      %dma_start3A_155 = arith.constant 3 : i32
      %dma_start3A_156 = arith.constant 0 : i32
      %dma_start3A_157 = arith.constant 0 : i32
      %dma_start3A_158 = tpu.memref_slice %arg13[%dma_start3A_155, %dma_start3A_156, %dma_start3A_157] : memref<6x128x16xf32, #tpu.memory_space<vmem>> -> memref<1x128x16xf32, #tpu.memory_space<vmem>>
      %dma_start3A_159 = tpu.memref_squeeze %dma_start3A_158 : memref<1x128x16xf32, #tpu.memory_space<vmem>> -> memref<128x16xf32, #tpu.memory_space<vmem>>
      %dma_start3A_160 = arith.constant 0 : i32
      %dma_start3A_161 = tpu.memref_slice %arg11[%dma_start3A_154, %dma_start3A_160] : memref<12x128xi32, #tpu.memory_space<vmem>> -> memref<1x128xi32, #tpu.memory_space<vmem>>
      %dma_start3A_162 = tpu.memref_squeeze %dma_start3A_161 : memref<1x128xi32, #tpu.memory_space<vmem>> -> memref<128xi32, #tpu.memory_space<vmem>>
      %dma_start3A_163 = arith.constant 0 : i32
      %dma_start3A_164 = arith.constant 0 : i32
      %dma_start3A_165 = tpu.memref_slice %arg2[%dma_start3A_163, %dma_start3A_164] : memref<100096x16xf32, #tpu.memory_space<hbm>> -> memref<100096x16xf32, #tpu.memory_space<hbm>>
      tpu.enqueue_indirect_dma source(%dma_start3A_165 : memref<100096x16xf32, #tpu.memory_space<hbm>>) target(%dma_start3A_159 : memref<128x16xf32, #tpu.memory_space<vmem>>) offsets(%dma_start3A_162 : memref<128xi32, #tpu.memory_space<vmem>>) semaphore(%arg16 : memref<!tpu.dma_semaphore, #tpu.memory_space<semaphore_mem>>)
      %dma_start3A_166 = arith.constant 4 : i32
      %dma_start3A_167 = arith.constant 4 : i32
      %dma_start3A_168 = arith.constant 0 : i32
      %dma_start3A_169 = arith.constant 0 : i32
      %dma_start3A_170 = tpu.memref_slice %arg13[%dma_start3A_167, %dma_start3A_168, %dma_start3A_169] : memref<6x128x16xf32, #tpu.memory_space<vmem>> -> memref<1x128x16xf32, #tpu.memory_space<vmem>>
      %dma_start3A_171 = tpu.memref_squeeze %dma_start3A_170 : memref<1x128x16xf32, #tpu.memory_space<vmem>> -> memref<128x16xf32, #tpu.memory_space<vmem>>
      %dma_start3A_172 = arith.constant 0 : i32
      %dma_start3A_173 = tpu.memref_slice %arg11[%dma_start3A_166, %dma_start3A_172] : memref<12x128xi32, #tpu.memory_space<vmem>> -> memref<1x128xi32, #tpu.memory_space<vmem>>
      %dma_start3A_174 = tpu.memref_squeeze %dma_start3A_173 : memref<1x128xi32, #tpu.memory_space<vmem>> -> memref<128xi32, #tpu.memory_space<vmem>>
      %dma_start3A_175 = arith.constant 0 : i32
      %dma_start3A_176 = arith.constant 0 : i32
      %dma_start3A_177 = tpu.memref_slice %arg2[%dma_start3A_175, %dma_start3A_176] : memref<100096x16xf32, #tpu.memory_space<hbm>> -> memref<100096x16xf32, #tpu.memory_space<hbm>>
      tpu.enqueue_indirect_dma source(%dma_start3A_177 : memref<100096x16xf32, #tpu.memory_space<hbm>>) target(%dma_start3A_171 : memref<128x16xf32, #tpu.memory_space<vmem>>) offsets(%dma_start3A_174 : memref<128xi32, #tpu.memory_space<vmem>>) semaphore(%arg16 : memref<!tpu.dma_semaphore, #tpu.memory_space<semaphore_mem>>)
      %dma_start3A_178 = arith.constant 5 : i32
      %dma_start3A_179 = arith.constant 5 : i32
      %dma_start3A_180 = arith.constant 0 : i32
      %dma_start3A_181 = arith.constant 0 : i32
      %dma_start3A_182 = tpu.memref_slice %arg13[%dma_start3A_179, %dma_start3A_180, %dma_start3A_181] : memref<6x128x16xf32, #tpu.memory_space<vmem>> -> memref<1x128x16xf32, #tpu.memory_space<vmem>>
      %dma_start3A_183 = tpu.memref_squeeze %dma_start3A_182 : memref<1x128x16xf32, #tpu.memory_space<vmem>> -> memref<128x16xf32, #tpu.memory_space<vmem>>
      %dma_start3A_184 = arith.constant 0 : i32
      %dma_start3A_185 = tpu.memref_slice %arg11[%dma_start3A_178, %dma_start3A_184] : memref<12x128xi32, #tpu.memory_space<vmem>> -> memref<1x128xi32, #tpu.memory_space<vmem>>
      %dma_start3A_186 = tpu.memref_squeeze %dma_start3A_185 : memref<1x128xi32, #tpu.memory_space<vmem>> -> memref<128xi32, #tpu.memory_space<vmem>>
      %dma_start3A_187 = arith.constant 0 : i32
      %dma_start3A_188 = arith.constant 0 : i32
      %dma_start3A_189 = tpu.memref_slice %arg2[%dma_start3A_187, %dma_start3A_188] : memref<100096x16xf32, #tpu.memory_space<hbm>> -> memref<100096x16xf32, #tpu.memory_space<hbm>>
      tpu.enqueue_indirect_dma source(%dma_start3A_189 : memref<100096x16xf32, #tpu.memory_space<hbm>>) target(%dma_start3A_183 : memref<128x16xf32, #tpu.memory_space<vmem>>) offsets(%dma_start3A_186 : memref<128xi32, #tpu.memory_space<vmem>>) semaphore(%arg16 : memref<!tpu.dma_semaphore, #tpu.memory_space<semaphore_mem>>)
    } else {
    }
    %scan3A_100 = arith.constant 0 : i32
    %scan3A_101 = arith.constant 0 : i32
    %scan3A_102 = arith.constant 131 : i32
    %scan3A_103 = arith.addi %scan3A_101, %scan3A_102 : i32
    %scan3A_104 = arith.constant 1 : i32
    %scan3A_105 = scf.for %scan3A_118 = %scan3A_101 to %scan3A_103 step %scan3A_104 iter_args(%scan3A_119 = %scan3A_100) -> (i32)  : i32 {
      %mul3A_120 = arith.constant 12 : i32
      %mul3A_121 = arith.muli %scan3A_118, %mul3A_120 : i32
      %add3A = arith.addi %mul3A_15, %mul3A_121 : i32
      %convert_element_type3A_122 = arith.extui %eq3A_8 : i1 to i32
      %cond3A_123 = arith.constant 0 : i32
      %cond3A_124 = arith.cmpi ne, %convert_element_type3A_122, %cond3A_123 : i32
      scf.if %cond3A_124 {
        tpu.wait_dma2 semaphore(%arg19 : memref<!tpu.dma_semaphore, #tpu.memory_space<semaphore_mem>>) src(%arg8 : memref<6x128x16xf32, #tpu.memory_space<hbm>>) dst(%arg14 : memref<6x128x16xf32, #tpu.memory_space<vmem>>)
        %add3A_129 = arith.constant 6 : i32
        %add3A_130 = arith.addi %add3A, %add3A_129 : i32
        "tpu.region"() ({
          %run_scoped3A = tpu.sem_alloc : memref<!tpu.dma_semaphore, #tpu.memory_space<semaphore_mem>>
          %dma_start3A_426 = arith.constant 6 : i32
          %dma_start3A_427 = arith.constant 0 : i32
          %dma_start3A_428 = tpu.memref_slice %arg11[%dma_start3A_426, %dma_start3A_427] : memref<12x128xi32, #tpu.memory_space<vmem>> -> memref<6x128xi32, #tpu.memory_space<vmem>>
          %dma_start3A_429 = arith.constant 0 : i32
          %dma_start3A_430 = tpu.memref_slice %arg3[%add3A_130, %dma_start3A_429] : memref<25152x128xi32, #tpu.memory_space<hbm>> -> memref<6x128xi32, #tpu.memory_space<hbm>>
          %dma_start3A_431 = arith.constant 6 : i32
          %dma_start3A_432 = arith.constant 0 : i32
          %dma_start3A_433 = tpu.memref_slice %arg11[%dma_start3A_431, %dma_start3A_432] : memref<12x128xi32, #tpu.memory_space<vmem>> -> memref<6x128xi32, #tpu.memory_space<vmem>>
          %dma_start3A_434 = arith.constant 0 : i32
          %dma_start3A_435 = tpu.memref_slice %arg3[%add3A_130, %dma_start3A_434] : memref<25152x128xi32, #tpu.memory_space<hbm>> -> memref<6x128xi32, #tpu.memory_space<hbm>>
          tpu.enqueue_dma source(%dma_start3A_435 : memref<6x128xi32, #tpu.memory_space<hbm>>) target(%dma_start3A_433 : memref<6x128xi32, #tpu.memory_space<vmem>>) target_semaphore(%run_scoped3A : memref<!tpu.dma_semaphore, #tpu.memory_space<semaphore_mem>>)
          %dma_wait3A = arith.constant 6 : i32
          %dma_wait3A_436 = arith.constant 0 : i32
          %dma_wait3A_437 = tpu.memref_slice %arg11[%dma_wait3A, %dma_wait3A_436] : memref<12x128xi32, #tpu.memory_space<vmem>> -> memref<6x128xi32, #tpu.memory_space<vmem>>
          %dma_wait3A_438 = arith.constant 0 : i32
          %dma_wait3A_439 = tpu.memref_slice %arg3[%add3A_130, %dma_wait3A_438] : memref<25152x128xi32, #tpu.memory_space<hbm>> -> memref<6x128xi32, #tpu.memory_space<hbm>>
          %dma_wait3A_440 = arith.constant 6 : i32
          %dma_wait3A_441 = arith.constant 0 : i32
          %dma_wait3A_442 = tpu.memref_slice %arg11[%dma_wait3A_440, %dma_wait3A_441] : memref<12x128xi32, #tpu.memory_space<vmem>> -> memref<6x128xi32, #tpu.memory_space<vmem>>
          %dma_wait3A_443 = arith.constant 0 : i32
          %dma_wait3A_444 = tpu.memref_slice %arg3[%add3A_130, %dma_wait3A_443] : memref<25152x128xi32, #tpu.memory_space<hbm>> -> memref<6x128xi32, #tpu.memory_space<hbm>>
          tpu.wait_dma2 semaphore(%run_scoped3A : memref<!tpu.dma_semaphore, #tpu.memory_space<semaphore_mem>>) src(%dma_wait3A_444 : memref<6x128xi32, #tpu.memory_space<hbm>>) dst(%dma_wait3A_442 : memref<6x128xi32, #tpu.memory_space<vmem>>)
          tpu.yield
        }) : () -> ()
        "tpu.region"() ({
          %run_scoped3A = tpu.sem_alloc : memref<!tpu.dma_semaphore, #tpu.memory_space<semaphore_mem>>
          %dma_start3A_426 = arith.constant 6 : i32
          %dma_start3A_427 = arith.constant 0 : i32
          %dma_start3A_428 = tpu.memref_slice %arg12[%dma_start3A_426, %dma_start3A_427] : memref<12x128xi32, #tpu.memory_space<vmem>> -> memref<6x128xi32, #tpu.memory_space<vmem>>
          %dma_start3A_429 = arith.constant 0 : i32
          %dma_start3A_430 = tpu.memref_slice %arg4[%add3A_130, %dma_start3A_429] : memref<25152x128xi32, #tpu.memory_space<hbm>> -> memref<6x128xi32, #tpu.memory_space<hbm>>
          %dma_start3A_431 = arith.constant 6 : i32
          %dma_start3A_432 = arith.constant 0 : i32
          %dma_start3A_433 = tpu.memref_slice %arg12[%dma_start3A_431, %dma_start3A_432] : memref<12x128xi32, #tpu.memory_space<vmem>> -> memref<6x128xi32, #tpu.memory_space<vmem>>
          %dma_start3A_434 = arith.constant 0 : i32
          %dma_start3A_435 = tpu.memref_slice %arg4[%add3A_130, %dma_start3A_434] : memref<25152x128xi32, #tpu.memory_space<hbm>> -> memref<6x128xi32, #tpu.memory_space<hbm>>
          tpu.enqueue_dma source(%dma_start3A_435 : memref<6x128xi32, #tpu.memory_space<hbm>>) target(%dma_start3A_433 : memref<6x128xi32, #tpu.memory_space<vmem>>) target_semaphore(%run_scoped3A : memref<!tpu.dma_semaphore, #tpu.memory_space<semaphore_mem>>)
          %dma_wait3A = arith.constant 6 : i32
          %dma_wait3A_436 = arith.constant 0 : i32
          %dma_wait3A_437 = tpu.memref_slice %arg12[%dma_wait3A, %dma_wait3A_436] : memref<12x128xi32, #tpu.memory_space<vmem>> -> memref<6x128xi32, #tpu.memory_space<vmem>>
          %dma_wait3A_438 = arith.constant 0 : i32
          %dma_wait3A_439 = tpu.memref_slice %arg4[%add3A_130, %dma_wait3A_438] : memref<25152x128xi32, #tpu.memory_space<hbm>> -> memref<6x128xi32, #tpu.memory_space<hbm>>
          %dma_wait3A_440 = arith.constant 6 : i32
          %dma_wait3A_441 = arith.constant 0 : i32
          %dma_wait3A_442 = tpu.memref_slice %arg12[%dma_wait3A_440, %dma_wait3A_441] : memref<12x128xi32, #tpu.memory_space<vmem>> -> memref<6x128xi32, #tpu.memory_space<vmem>>
          %dma_wait3A_443 = arith.constant 0 : i32
          %dma_wait3A_444 = tpu.memref_slice %arg4[%add3A_130, %dma_wait3A_443] : memref<25152x128xi32, #tpu.memory_space<hbm>> -> memref<6x128xi32, #tpu.memory_space<hbm>>
          tpu.wait_dma2 semaphore(%run_scoped3A : memref<!tpu.dma_semaphore, #tpu.memory_space<semaphore_mem>>) src(%dma_wait3A_444 : memref<6x128xi32, #tpu.memory_space<hbm>>) dst(%dma_wait3A_442 : memref<6x128xi32, #tpu.memory_space<vmem>>)
          tpu.yield
        }) : () -> ()
        tpu.wait_dma2 semaphore(%arg16 : memref<!tpu.dma_semaphore, #tpu.memory_space<semaphore_mem>>) src(%arg8 : memref<6x128x16xf32, #tpu.memory_space<hbm>>) dst(%arg13 : memref<6x128x16xf32, #tpu.memory_space<vmem>>)
        %dma_start3A_131 = arith.constant 0 : i32
        %dma_start3A_132 = arith.constant 0 : i32
        %dma_start3A_133 = arith.constant 0 : i32
        %dma_start3A_134 = arith.constant 0 : i32
        %dma_start3A_135 = tpu.memref_slice %arg13[%dma_start3A_131, %dma_start3A_133, %dma_start3A_134] : memref<6x128x16xf32, #tpu.memory_space<vmem>> -> memref<1x128x16xf32, #tpu.memory_space<vmem>>
        %dma_start3A_136 = tpu.memref_squeeze %dma_start3A_135 : memref<1x128x16xf32, #tpu.memory_space<vmem>> -> memref<128x16xf32, #tpu.memory_space<vmem>>
        %dma_start3A_137 = arith.constant 0 : i32
        %dma_start3A_138 = tpu.memref_slice %arg12[%dma_start3A_132, %dma_start3A_137] : memref<12x128xi32, #tpu.memory_space<vmem>> -> memref<1x128xi32, #tpu.memory_space<vmem>>
        %dma_start3A_139 = tpu.memref_squeeze %dma_start3A_138 : memref<1x128xi32, #tpu.memory_space<vmem>> -> memref<128xi32, #tpu.memory_space<vmem>>
        %dma_start3A_140 = arith.constant 0 : i32
        %dma_start3A_141 = arith.constant 0 : i32
        %dma_start3A_142 = tpu.memref_slice %arg10[%dma_start3A_140, %dma_start3A_141] : memref<100096x16xf32, #tpu.memory_space<vmem_shared>> -> memref<100096x16xf32, #tpu.memory_space<vmem_shared>>
        tpu.enqueue_indirect_dma source(%dma_start3A_136 : memref<128x16xf32, #tpu.memory_space<vmem>>) target(%dma_start3A_142 : memref<100096x16xf32, #tpu.memory_space<vmem_shared>>) offsets(%dma_start3A_139 : memref<128xi32, #tpu.memory_space<vmem>>) semaphore(%arg18 : memref<!tpu.dma_semaphore, #tpu.memory_space<semaphore_mem>>) {add = true}
        %dma_start3A_143 = arith.constant 1 : i32
        %dma_start3A_144 = arith.constant 1 : i32
        %dma_start3A_145 = arith.constant 0 : i32
        %dma_start3A_146 = arith.constant 0 : i32
        %dma_start3A_147 = tpu.memref_slice %arg13[%dma_start3A_143, %dma_start3A_145, %dma_start3A_146] : memref<6x128x16xf32, #tpu.memory_space<vmem>> -> memref<1x128x16xf32, #tpu.memory_space<vmem>>
        %dma_start3A_148 = tpu.memref_squeeze %dma_start3A_147 : memref<1x128x16xf32, #tpu.memory_space<vmem>> -> memref<128x16xf32, #tpu.memory_space<vmem>>
        %dma_start3A_149 = arith.constant 0 : i32
        %dma_start3A_150 = tpu.memref_slice %arg12[%dma_start3A_144, %dma_start3A_149] : memref<12x128xi32, #tpu.memory_space<vmem>> -> memref<1x128xi32, #tpu.memory_space<vmem>>
        %dma_start3A_151 = tpu.memref_squeeze %dma_start3A_150 : memref<1x128xi32, #tpu.memory_space<vmem>> -> memref<128xi32, #tpu.memory_space<vmem>>
        %dma_start3A_152 = arith.constant 0 : i32
        %dma_start3A_153 = arith.constant 0 : i32
        %dma_start3A_154 = tpu.memref_slice %arg10[%dma_start3A_152, %dma_start3A_153] : memref<100096x16xf32, #tpu.memory_space<vmem_shared>> -> memref<100096x16xf32, #tpu.memory_space<vmem_shared>>
        tpu.enqueue_indirect_dma source(%dma_start3A_148 : memref<128x16xf32, #tpu.memory_space<vmem>>) target(%dma_start3A_154 : memref<100096x16xf32, #tpu.memory_space<vmem_shared>>) offsets(%dma_start3A_151 : memref<128xi32, #tpu.memory_space<vmem>>) semaphore(%arg18 : memref<!tpu.dma_semaphore, #tpu.memory_space<semaphore_mem>>) {add = true}
        %dma_start3A_155 = arith.constant 2 : i32
        %dma_start3A_156 = arith.constant 2 : i32
        %dma_start3A_157 = arith.constant 0 : i32
        %dma_start3A_158 = arith.constant 0 : i32
        %dma_start3A_159 = tpu.memref_slice %arg13[%dma_start3A_155, %dma_start3A_157, %dma_start3A_158] : memref<6x128x16xf32, #tpu.memory_space<vmem>> -> memref<1x128x16xf32, #tpu.memory_space<vmem>>
        %dma_start3A_160 = tpu.memref_squeeze %dma_start3A_159 : memref<1x128x16xf32, #tpu.memory_space<vmem>> -> memref<128x16xf32, #tpu.memory_space<vmem>>
        %dma_start3A_161 = arith.constant 0 : i32
        %dma_start3A_162 = tpu.memref_slice %arg12[%dma_start3A_156, %dma_start3A_161] : memref<12x128xi32, #tpu.memory_space<vmem>> -> memref<1x128xi32, #tpu.memory_space<vmem>>
        %dma_start3A_163 = tpu.memref_squeeze %dma_start3A_162 : memref<1x128xi32, #tpu.memory_space<vmem>> -> memref<128xi32, #tpu.memory_space<vmem>>
        %dma_start3A_164 = arith.constant 0 : i32
        %dma_start3A_165 = arith.constant 0 : i32
        %dma_start3A_166 = tpu.memref_slice %arg10[%dma_start3A_164, %dma_start3A_165] : memref<100096x16xf32, #tpu.memory_space<vmem_shared>> -> memref<100096x16xf32, #tpu.memory_space<vmem_shared>>
        tpu.enqueue_indirect_dma source(%dma_start3A_160 : memref<128x16xf32, #tpu.memory_space<vmem>>) target(%dma_start3A_166 : memref<100096x16xf32, #tpu.memory_space<vmem_shared>>) offsets(%dma_start3A_163 : memref<128xi32, #tpu.memory_space<vmem>>) semaphore(%arg18 : memref<!tpu.dma_semaphore, #tpu.memory_space<semaphore_mem>>) {add = true}
        %dma_start3A_167 = arith.constant 3 : i32
        %dma_start3A_168 = arith.constant 3 : i32
        %dma_start3A_169 = arith.constant 0 : i32
        %dma_start3A_170 = arith.constant 0 : i32
        %dma_start3A_171 = tpu.memref_slice %arg13[%dma_start3A_167, %dma_start3A_169, %dma_start3A_170] : memref<6x128x16xf32, #tpu.memory_space<vmem>> -> memref<1x128x16xf32, #tpu.memory_space<vmem>>
        %dma_start3A_172 = tpu.memref_squeeze %dma_start3A_171 : memref<1x128x16xf32, #tpu.memory_space<vmem>> -> memref<128x16xf32, #tpu.memory_space<vmem>>
        %dma_start3A_173 = arith.constant 0 : i32
        %dma_start3A_174 = tpu.memref_slice %arg12[%dma_start3A_168, %dma_start3A_173] : memref<12x128xi32, #tpu.memory_space<vmem>> -> memref<1x128xi32, #tpu.memory_space<vmem>>
        %dma_start3A_175 = tpu.memref_squeeze %dma_start3A_174 : memref<1x128xi32, #tpu.memory_space<vmem>> -> memref<128xi32, #tpu.memory_space<vmem>>
        %dma_start3A_176 = arith.constant 0 : i32
        %dma_start3A_177 = arith.constant 0 : i32
        %dma_start3A_178 = tpu.memref_slice %arg10[%dma_start3A_176, %dma_start3A_177] : memref<100096x16xf32, #tpu.memory_space<vmem_shared>> -> memref<100096x16xf32, #tpu.memory_space<vmem_shared>>
        tpu.enqueue_indirect_dma source(%dma_start3A_172 : memref<128x16xf32, #tpu.memory_space<vmem>>) target(%dma_start3A_178 : memref<100096x16xf32, #tpu.memory_space<vmem_shared>>) offsets(%dma_start3A_175 : memref<128xi32, #tpu.memory_space<vmem>>) semaphore(%arg18 : memref<!tpu.dma_semaphore, #tpu.memory_space<semaphore_mem>>) {add = true}
        %dma_start3A_179 = arith.constant 4 : i32
        %dma_start3A_180 = arith.constant 4 : i32
        %dma_start3A_181 = arith.constant 0 : i32
        %dma_start3A_182 = arith.constant 0 : i32
        %dma_start3A_183 = tpu.memref_slice %arg13[%dma_start3A_179, %dma_start3A_181, %dma_start3A_182] : memref<6x128x16xf32, #tpu.memory_space<vmem>> -> memref<1x128x16xf32, #tpu.memory_space<vmem>>
        %dma_start3A_184 = tpu.memref_squeeze %dma_start3A_183 : memref<1x128x16xf32, #tpu.memory_space<vmem>> -> memref<128x16xf32, #tpu.memory_space<vmem>>
        %dma_start3A_185 = arith.constant 0 : i32
        %dma_start3A_186 = tpu.memref_slice %arg12[%dma_start3A_180, %dma_start3A_185] : memref<12x128xi32, #tpu.memory_space<vmem>> -> memref<1x128xi32, #tpu.memory_space<vmem>>
        %dma_start3A_187 = tpu.memref_squeeze %dma_start3A_186 : memref<1x128xi32, #tpu.memory_space<vmem>> -> memref<128xi32, #tpu.memory_space<vmem>>
        %dma_start3A_188 = arith.constant 0 : i32
        %dma_start3A_189 = arith.constant 0 : i32
        %dma_start3A_190 = tpu.memref_slice %arg10[%dma_start3A_188, %dma_start3A_189] : memref<100096x16xf32, #tpu.memory_space<vmem_shared>> -> memref<100096x16xf32, #tpu.memory_space<vmem_shared>>
        tpu.enqueue_indirect_dma source(%dma_start3A_184 : memref<128x16xf32, #tpu.memory_space<vmem>>) target(%dma_start3A_190 : memref<100096x16xf32, #tpu.memory_space<vmem_shared>>) offsets(%dma_start3A_187 : memref<128xi32, #tpu.memory_space<vmem>>) semaphore(%arg18 : memref<!tpu.dma_semaphore, #tpu.memory_space<semaphore_mem>>) {add = true}
        %dma_start3A_191 = arith.constant 5 : i32
        %dma_start3A_192 = arith.constant 5 : i32
        %dma_start3A_193 = arith.constant 0 : i32
        %dma_start3A_194 = arith.constant 0 : i32
        %dma_start3A_195 = tpu.memref_slice %arg13[%dma_start3A_191, %dma_start3A_193, %dma_start3A_194] : memref<6x128x16xf32, #tpu.memory_space<vmem>> -> memref<1x128x16xf32, #tpu.memory_space<vmem>>
        %dma_start3A_196 = tpu.memref_squeeze %dma_start3A_195 : memref<1x128x16xf32, #tpu.memory_space<vmem>> -> memref<128x16xf32, #tpu.memory_space<vmem>>
        %dma_start3A_197 = arith.constant 0 : i32
        %dma_start3A_198 = tpu.memref_slice %arg12[%dma_start3A_192, %dma_start3A_197] : memref<12x128xi32, #tpu.memory_space<vmem>> -> memref<1x128xi32, #tpu.memory_space<vmem>>
        %dma_start3A_199 = tpu.memref_squeeze %dma_start3A_198 : memref<1x128xi32, #tpu.memory_space<vmem>> -> memref<128xi32, #tpu.memory_space<vmem>>
        %dma_start3A_200 = arith.constant 0 : i32
        %dma_start3A_201 = arith.constant 0 : i32
        %dma_start3A_202 = tpu.memref_slice %arg10[%dma_start3A_200, %dma_start3A_201] : memref<100096x16xf32, #tpu.memory_space<vmem_shared>> -> memref<100096x16xf32, #tpu.memory_space<vmem_shared>>
        tpu.enqueue_indirect_dma source(%dma_start3A_196 : memref<128x16xf32, #tpu.memory_space<vmem>>) target(%dma_start3A_202 : memref<100096x16xf32, #tpu.memory_space<vmem_shared>>) offsets(%dma_start3A_199 : memref<128xi32, #tpu.memory_space<vmem>>) semaphore(%arg18 : memref<!tpu.dma_semaphore, #tpu.memory_space<semaphore_mem>>) {add = true}
        %dma_start3A_203 = arith.constant 6 : i32
        %dma_start3A_204 = arith.constant 0 : i32
        %dma_start3A_205 = arith.constant 0 : i32
        %dma_start3A_206 = arith.constant 0 : i32
        %dma_start3A_207 = tpu.memref_slice %arg14[%dma_start3A_204, %dma_start3A_205, %dma_start3A_206] : memref<6x128x16xf32, #tpu.memory_space<vmem>> -> memref<1x128x16xf32, #tpu.memory_space<vmem>>
        %dma_start3A_208 = tpu.memref_squeeze %dma_start3A_207 : memref<1x128x16xf32, #tpu.memory_space<vmem>> -> memref<128x16xf32, #tpu.memory_space<vmem>>
        %dma_start3A_209 = arith.constant 0 : i32
        %dma_start3A_210 = tpu.memref_slice %arg11[%dma_start3A_203, %dma_start3A_209] : memref<12x128xi32, #tpu.memory_space<vmem>> -> memref<1x128xi32, #tpu.memory_space<vmem>>
        %dma_start3A_211 = tpu.memref_squeeze %dma_start3A_210 : memref<1x128xi32, #tpu.memory_space<vmem>> -> memref<128xi32, #tpu.memory_space<vmem>>
        %dma_start3A_212 = arith.constant 0 : i32
        %dma_start3A_213 = arith.constant 0 : i32
        %dma_start3A_214 = tpu.memref_slice %arg2[%dma_start3A_212, %dma_start3A_213] : memref<100096x16xf32, #tpu.memory_space<hbm>> -> memref<100096x16xf32, #tpu.memory_space<hbm>>
        tpu.enqueue_indirect_dma source(%dma_start3A_214 : memref<100096x16xf32, #tpu.memory_space<hbm>>) target(%dma_start3A_208 : memref<128x16xf32, #tpu.memory_space<vmem>>) offsets(%dma_start3A_211 : memref<128xi32, #tpu.memory_space<vmem>>) semaphore(%arg17 : memref<!tpu.dma_semaphore, #tpu.memory_space<semaphore_mem>>)
        %dma_start3A_215 = arith.constant 7 : i32
        %dma_start3A_216 = arith.constant 1 : i32
        %dma_start3A_217 = arith.constant 0 : i32
        %dma_start3A_218 = arith.constant 0 : i32
        %dma_start3A_219 = tpu.memref_slice %arg14[%dma_start3A_216, %dma_start3A_217, %dma_start3A_218] : memref<6x128x16xf32, #tpu.memory_space<vmem>> -> memref<1x128x16xf32, #tpu.memory_space<vmem>>
        %dma_start3A_220 = tpu.memref_squeeze %dma_start3A_219 : memref<1x128x16xf32, #tpu.memory_space<vmem>> -> memref<128x16xf32, #tpu.memory_space<vmem>>
        %dma_start3A_221 = arith.constant 0 : i32
        %dma_start3A_222 = tpu.memref_slice %arg11[%dma_start3A_215, %dma_start3A_221] : memref<12x128xi32, #tpu.memory_space<vmem>> -> memref<1x128xi32, #tpu.memory_space<vmem>>
        %dma_start3A_223 = tpu.memref_squeeze %dma_start3A_222 : memref<1x128xi32, #tpu.memory_space<vmem>> -> memref<128xi32, #tpu.memory_space<vmem>>
        %dma_start3A_224 = arith.constant 0 : i32
        %dma_start3A_225 = arith.constant 0 : i32
        %dma_start3A_226 = tpu.memref_slice %arg2[%dma_start3A_224, %dma_start3A_225] : memref<100096x16xf32, #tpu.memory_space<hbm>> -> memref<100096x16xf32, #tpu.memory_space<hbm>>
        tpu.enqueue_indirect_dma source(%dma_start3A_226 : memref<100096x16xf32, #tpu.memory_space<hbm>>) target(%dma_start3A_220 : memref<128x16xf32, #tpu.memory_space<vmem>>) offsets(%dma_start3A_223 : memref<128xi32, #tpu.memory_space<vmem>>) semaphore(%arg17 : memref<!tpu.dma_semaphore, #tpu.memory_space<semaphore_mem>>)
        %dma_start3A_227 = arith.constant 8 : i32
        %dma_start3A_228 = arith.constant 2 : i32
        %dma_start3A_229 = arith.constant 0 : i32
        %dma_start3A_230 = arith.constant 0 : i32
        %dma_start3A_231 = tpu.memref_slice %arg14[%dma_start3A_228, %dma_start3A_229, %dma_start3A_230] : memref<6x128x16xf32, #tpu.memory_space<vmem>> -> memref<1x128x16xf32, #tpu.memory_space<vmem>>
        %dma_start3A_232 = tpu.memref_squeeze %dma_start3A_231 : memref<1x128x16xf32, #tpu.memory_space<vmem>> -> memref<128x16xf32, #tpu.memory_space<vmem>>
        %dma_start3A_233 = arith.constant 0 : i32
        %dma_start3A_234 = tpu.memref_slice %arg11[%dma_start3A_227, %dma_start3A_233] : memref<12x128xi32, #tpu.memory_space<vmem>> -> memref<1x128xi32, #tpu.memory_space<vmem>>
        %dma_start3A_235 = tpu.memref_squeeze %dma_start3A_234 : memref<1x128xi32, #tpu.memory_space<vmem>> -> memref<128xi32, #tpu.memory_space<vmem>>
        %dma_start3A_236 = arith.constant 0 : i32
        %dma_start3A_237 = arith.constant 0 : i32
        %dma_start3A_238 = tpu.memref_slice %arg2[%dma_start3A_236, %dma_start3A_237] : memref<100096x16xf32, #tpu.memory_space<hbm>> -> memref<100096x16xf32, #tpu.memory_space<hbm>>
        tpu.enqueue_indirect_dma source(%dma_start3A_238 : memref<100096x16xf32, #tpu.memory_space<hbm>>) target(%dma_start3A_232 : memref<128x16xf32, #tpu.memory_space<vmem>>) offsets(%dma_start3A_235 : memref<128xi32, #tpu.memory_space<vmem>>) semaphore(%arg17 : memref<!tpu.dma_semaphore, #tpu.memory_space<semaphore_mem>>)
        %dma_start3A_239 = arith.constant 9 : i32
        %dma_start3A_240 = arith.constant 3 : i32
        %dma_start3A_241 = arith.constant 0 : i32
        %dma_start3A_242 = arith.constant 0 : i32
        %dma_start3A_243 = tpu.memref_slice %arg14[%dma_start3A_240, %dma_start3A_241, %dma_start3A_242] : memref<6x128x16xf32, #tpu.memory_space<vmem>> -> memref<1x128x16xf32, #tpu.memory_space<vmem>>
        %dma_start3A_244 = tpu.memref_squeeze %dma_start3A_243 : memref<1x128x16xf32, #tpu.memory_space<vmem>> -> memref<128x16xf32, #tpu.memory_space<vmem>>
        %dma_start3A_245 = arith.constant 0 : i32
        %dma_start3A_246 = tpu.memref_slice %arg11[%dma_start3A_239, %dma_start3A_245] : memref<12x128xi32, #tpu.memory_space<vmem>> -> memref<1x128xi32, #tpu.memory_space<vmem>>
        %dma_start3A_247 = tpu.memref_squeeze %dma_start3A_246 : memref<1x128xi32, #tpu.memory_space<vmem>> -> memref<128xi32, #tpu.memory_space<vmem>>
        %dma_start3A_248 = arith.constant 0 : i32
        %dma_start3A_249 = arith.constant 0 : i32
        %dma_start3A_250 = tpu.memref_slice %arg2[%dma_start3A_248, %dma_start3A_249] : memref<100096x16xf32, #tpu.memory_space<hbm>> -> memref<100096x16xf32, #tpu.memory_space<hbm>>
        tpu.enqueue_indirect_dma source(%dma_start3A_250 : memref<100096x16xf32, #tpu.memory_space<hbm>>) target(%dma_start3A_244 : memref<128x16xf32, #tpu.memory_space<vmem>>) offsets(%dma_start3A_247 : memref<128xi32, #tpu.memory_space<vmem>>) semaphore(%arg17 : memref<!tpu.dma_semaphore, #tpu.memory_space<semaphore_mem>>)
        %dma_start3A_251 = arith.constant 10 : i32
        %dma_start3A_252 = arith.constant 4 : i32
        %dma_start3A_253 = arith.constant 0 : i32
        %dma_start3A_254 = arith.constant 0 : i32
        %dma_start3A_255 = tpu.memref_slice %arg14[%dma_start3A_252, %dma_start3A_253, %dma_start3A_254] : memref<6x128x16xf32, #tpu.memory_space<vmem>> -> memref<1x128x16xf32, #tpu.memory_space<vmem>>
        %dma_start3A_256 = tpu.memref_squeeze %dma_start3A_255 : memref<1x128x16xf32, #tpu.memory_space<vmem>> -> memref<128x16xf32, #tpu.memory_space<vmem>>
        %dma_start3A_257 = arith.constant 0 : i32
        %dma_start3A_258 = tpu.memref_slice %arg11[%dma_start3A_251, %dma_start3A_257] : memref<12x128xi32, #tpu.memory_space<vmem>> -> memref<1x128xi32, #tpu.memory_space<vmem>>
        %dma_start3A_259 = tpu.memref_squeeze %dma_start3A_258 : memref<1x128xi32, #tpu.memory_space<vmem>> -> memref<128xi32, #tpu.memory_space<vmem>>
        %dma_start3A_260 = arith.constant 0 : i32
        %dma_start3A_261 = arith.constant 0 : i32
        %dma_start3A_262 = tpu.memref_slice %arg2[%dma_start3A_260, %dma_start3A_261] : memref<100096x16xf32, #tpu.memory_space<hbm>> -> memref<100096x16xf32, #tpu.memory_space<hbm>>
        tpu.enqueue_indirect_dma source(%dma_start3A_262 : memref<100096x16xf32, #tpu.memory_space<hbm>>) target(%dma_start3A_256 : memref<128x16xf32, #tpu.memory_space<vmem>>) offsets(%dma_start3A_259 : memref<128xi32, #tpu.memory_space<vmem>>) semaphore(%arg17 : memref<!tpu.dma_semaphore, #tpu.memory_space<semaphore_mem>>)
        %dma_start3A_263 = arith.constant 11 : i32
        %dma_start3A_264 = arith.constant 5 : i32
        %dma_start3A_265 = arith.constant 0 : i32
        %dma_start3A_266 = arith.constant 0 : i32
        %dma_start3A_267 = tpu.memref_slice %arg14[%dma_start3A_264, %dma_start3A_265, %dma_start3A_266] : memref<6x128x16xf32, #tpu.memory_space<vmem>> -> memref<1x128x16xf32, #tpu.memory_space<vmem>>
        %dma_start3A_268 = tpu.memref_squeeze %dma_start3A_267 : memref<1x128x16xf32, #tpu.memory_space<vmem>> -> memref<128x16xf32, #tpu.memory_space<vmem>>
        %dma_start3A_269 = arith.constant 0 : i32
        %dma_start3A_270 = tpu.memref_slice %arg11[%dma_start3A_263, %dma_start3A_269] : memref<12x128xi32, #tpu.memory_space<vmem>> -> memref<1x128xi32, #tpu.memory_space<vmem>>
        %dma_start3A_271 = tpu.memref_squeeze %dma_start3A_270 : memref<1x128xi32, #tpu.memory_space<vmem>> -> memref<128xi32, #tpu.memory_space<vmem>>
        %dma_start3A_272 = arith.constant 0 : i32
        %dma_start3A_273 = arith.constant 0 : i32
        %dma_start3A_274 = tpu.memref_slice %arg2[%dma_start3A_272, %dma_start3A_273] : memref<100096x16xf32, #tpu.memory_space<hbm>> -> memref<100096x16xf32, #tpu.memory_space<hbm>>
        tpu.enqueue_indirect_dma source(%dma_start3A_274 : memref<100096x16xf32, #tpu.memory_space<hbm>>) target(%dma_start3A_268 : memref<128x16xf32, #tpu.memory_space<vmem>>) offsets(%dma_start3A_271 : memref<128xi32, #tpu.memory_space<vmem>>) semaphore(%arg17 : memref<!tpu.dma_semaphore, #tpu.memory_space<semaphore_mem>>)
        tpu.wait_dma2 semaphore(%arg18 : memref<!tpu.dma_semaphore, #tpu.memory_space<semaphore_mem>>) src(%arg8 : memref<6x128x16xf32, #tpu.memory_space<hbm>>) dst(%arg13 : memref<6x128x16xf32, #tpu.memory_space<vmem>>)
        %eq3A_275 = arith.constant 130 : i32
        %eq3A_276 = arith.cmpi eq, %scan3A_118, %eq3A_275 : i32
        %add3A_277 = arith.constant 1 : i32
        %add3A_278 = arith.addi %scan3A_118, %add3A_277 : i32
        %mul3A_279 = arith.constant 12 : i32
        %mul3A_280 = arith.muli %add3A_278, %mul3A_279 : i32
        %jit3A = arith.constant 0 : i32
        %select_n3A = arith.select %eq3A_276, %jit3A, %mul3A_280 : i32
        %add3A_281 = arith.addi %mul3A_15, %select_n3A : i32
        "tpu.region"() ({
          %run_scoped3A = tpu.sem_alloc : memref<!tpu.dma_semaphore, #tpu.memory_space<semaphore_mem>>
          %dma_start3A_426 = arith.constant 0 : i32
          %dma_start3A_427 = arith.constant 0 : i32
          %dma_start3A_428 = tpu.memref_slice %arg11[%dma_start3A_426, %dma_start3A_427] : memref<12x128xi32, #tpu.memory_space<vmem>> -> memref<6x128xi32, #tpu.memory_space<vmem>>
          %dma_start3A_429 = arith.constant 0 : i32
          %dma_start3A_430 = tpu.memref_slice %arg3[%add3A_281, %dma_start3A_429] : memref<25152x128xi32, #tpu.memory_space<hbm>> -> memref<6x128xi32, #tpu.memory_space<hbm>>
          %dma_start3A_431 = arith.constant 0 : i32
          %dma_start3A_432 = arith.constant 0 : i32
          %dma_start3A_433 = tpu.memref_slice %arg11[%dma_start3A_431, %dma_start3A_432] : memref<12x128xi32, #tpu.memory_space<vmem>> -> memref<6x128xi32, #tpu.memory_space<vmem>>
          %dma_start3A_434 = arith.constant 0 : i32
          %dma_start3A_435 = tpu.memref_slice %arg3[%add3A_281, %dma_start3A_434] : memref<25152x128xi32, #tpu.memory_space<hbm>> -> memref<6x128xi32, #tpu.memory_space<hbm>>
          tpu.enqueue_dma source(%dma_start3A_435 : memref<6x128xi32, #tpu.memory_space<hbm>>) target(%dma_start3A_433 : memref<6x128xi32, #tpu.memory_space<vmem>>) target_semaphore(%run_scoped3A : memref<!tpu.dma_semaphore, #tpu.memory_space<semaphore_mem>>)
          %dma_wait3A = arith.constant 0 : i32
          %dma_wait3A_436 = arith.constant 0 : i32
          %dma_wait3A_437 = tpu.memref_slice %arg11[%dma_wait3A, %dma_wait3A_436] : memref<12x128xi32, #tpu.memory_space<vmem>> -> memref<6x128xi32, #tpu.memory_space<vmem>>
          %dma_wait3A_438 = arith.constant 0 : i32
          %dma_wait3A_439 = tpu.memref_slice %arg3[%add3A_281, %dma_wait3A_438] : memref<25152x128xi32, #tpu.memory_space<hbm>> -> memref<6x128xi32, #tpu.memory_space<hbm>>
          %dma_wait3A_440 = arith.constant 0 : i32
          %dma_wait3A_441 = arith.constant 0 : i32
          %dma_wait3A_442 = tpu.memref_slice %arg11[%dma_wait3A_440, %dma_wait3A_441] : memref<12x128xi32, #tpu.memory_space<vmem>> -> memref<6x128xi32, #tpu.memory_space<vmem>>
          %dma_wait3A_443 = arith.constant 0 : i32
          %dma_wait3A_444 = tpu.memref_slice %arg3[%add3A_281, %dma_wait3A_443] : memref<25152x128xi32, #tpu.memory_space<hbm>> -> memref<6x128xi32, #tpu.memory_space<hbm>>
          tpu.wait_dma2 semaphore(%run_scoped3A : memref<!tpu.dma_semaphore, #tpu.memory_space<semaphore_mem>>) src(%dma_wait3A_444 : memref<6x128xi32, #tpu.memory_space<hbm>>) dst(%dma_wait3A_442 : memref<6x128xi32, #tpu.memory_space<vmem>>)
          tpu.yield
        }) : () -> ()
        "tpu.region"() ({
          %run_scoped3A = tpu.sem_alloc : memref<!tpu.dma_semaphore, #tpu.memory_space<semaphore_mem>>
          %dma_start3A_426 = arith.constant 0 : i32
          %dma_start3A_427 = arith.constant 0 : i32
          %dma_start3A_428 = tpu.memref_slice %arg12[%dma_start3A_426, %dma_start3A_427] : memref<12x128xi32, #tpu.memory_space<vmem>> -> memref<6x128xi32, #tpu.memory_space<vmem>>
          %dma_start3A_429 = arith.constant 0 : i32
          %dma_start3A_430 = tpu.memref_slice %arg4[%add3A_281, %dma_start3A_429] : memref<25152x128xi32, #tpu.memory_space<hbm>> -> memref<6x128xi32, #tpu.memory_space<hbm>>
          %dma_start3A_431 = arith.constant 0 : i32
          %dma_start3A_432 = arith.constant 0 : i32
          %dma_start3A_433 = tpu.memref_slice %arg12[%dma_start3A_431, %dma_start3A_432] : memref<12x128xi32, #tpu.memory_space<vmem>> -> memref<6x128xi32, #tpu.memory_space<vmem>>
          %dma_start3A_434 = arith.constant 0 : i32
          %dma_start3A_435 = tpu.memref_slice %arg4[%add3A_281, %dma_start3A_434] : memref<25152x128xi32, #tpu.memory_space<hbm>> -> memref<6x128xi32, #tpu.memory_space<hbm>>
          tpu.enqueue_dma source(%dma_start3A_435 : memref<6x128xi32, #tpu.memory_space<hbm>>) target(%dma_start3A_433 : memref<6x128xi32, #tpu.memory_space<vmem>>) target_semaphore(%run_scoped3A : memref<!tpu.dma_semaphore, #tpu.memory_space<semaphore_mem>>)
          %dma_wait3A = arith.constant 0 : i32
          %dma_wait3A_436 = arith.constant 0 : i32
          %dma_wait3A_437 = tpu.memref_slice %arg12[%dma_wait3A, %dma_wait3A_436] : memref<12x128xi32, #tpu.memory_space<vmem>> -> memref<6x128xi32, #tpu.memory_space<vmem>>
          %dma_wait3A_438 = arith.constant 0 : i32
          %dma_wait3A_439 = tpu.memref_slice %arg4[%add3A_281, %dma_wait3A_438] : memref<25152x128xi32, #tpu.memory_space<hbm>> -> memref<6x128xi32, #tpu.memory_space<hbm>>
          %dma_wait3A_440 = arith.constant 0 : i32
          %dma_wait3A_441 = arith.constant 0 : i32
          %dma_wait3A_442 = tpu.memref_slice %arg12[%dma_wait3A_440, %dma_wait3A_441] : memref<12x128xi32, #tpu.memory_space<vmem>> -> memref<6x128xi32, #tpu.memory_space<vmem>>
          %dma_wait3A_443 = arith.constant 0 : i32
          %dma_wait3A_444 = tpu.memref_slice %arg4[%add3A_281, %dma_wait3A_443] : memref<25152x128xi32, #tpu.memory_space<hbm>> -> memref<6x128xi32, #tpu.memory_space<hbm>>
          tpu.wait_dma2 semaphore(%run_scoped3A : memref<!tpu.dma_semaphore, #tpu.memory_space<semaphore_mem>>) src(%dma_wait3A_444 : memref<6x128xi32, #tpu.memory_space<hbm>>) dst(%dma_wait3A_442 : memref<6x128xi32, #tpu.memory_space<vmem>>)
          tpu.yield
        }) : () -> ()
        tpu.wait_dma2 semaphore(%arg17 : memref<!tpu.dma_semaphore, #tpu.memory_space<semaphore_mem>>) src(%arg8 : memref<6x128x16xf32, #tpu.memory_space<hbm>>) dst(%arg14 : memref<6x128x16xf32, #tpu.memory_space<vmem>>)
        %dma_start3A_282 = arith.constant 0 : i32
        %dma_start3A_283 = arith.constant 6 : i32
        %dma_start3A_284 = arith.constant 0 : i32
        %dma_start3A_285 = arith.constant 0 : i32
        %dma_start3A_286 = tpu.memref_slice %arg14[%dma_start3A_282, %dma_start3A_284, %dma_start3A_285] : memref<6x128x16xf32, #tpu.memory_space<vmem>> -> memref<1x128x16xf32, #tpu.memory_space<vmem>>
        %dma_start3A_287 = tpu.memref_squeeze %dma_start3A_286 : memref<1x128x16xf32, #tpu.memory_space<vmem>> -> memref<128x16xf32, #tpu.memory_space<vmem>>
        %dma_start3A_288 = arith.constant 0 : i32
        %dma_start3A_289 = tpu.memref_slice %arg12[%dma_start3A_283, %dma_start3A_288] : memref<12x128xi32, #tpu.memory_space<vmem>> -> memref<1x128xi32, #tpu.memory_space<vmem>>
        %dma_start3A_290 = tpu.memref_squeeze %dma_start3A_289 : memref<1x128xi32, #tpu.memory_space<vmem>> -> memref<128xi32, #tpu.memory_space<vmem>>
        %dma_start3A_291 = arith.constant 0 : i32
        %dma_start3A_292 = arith.constant 0 : i32
        %dma_start3A_293 = tpu.memref_slice %arg10[%dma_start3A_291, %dma_start3A_292] : memref<100096x16xf32, #tpu.memory_space<vmem_shared>> -> memref<100096x16xf32, #tpu.memory_space<vmem_shared>>
        tpu.enqueue_indirect_dma source(%dma_start3A_287 : memref<128x16xf32, #tpu.memory_space<vmem>>) target(%dma_start3A_293 : memref<100096x16xf32, #tpu.memory_space<vmem_shared>>) offsets(%dma_start3A_290 : memref<128xi32, #tpu.memory_space<vmem>>) semaphore(%arg19 : memref<!tpu.dma_semaphore, #tpu.memory_space<semaphore_mem>>) {add = true}
        %dma_start3A_294 = arith.constant 1 : i32
        %dma_start3A_295 = arith.constant 7 : i32
        %dma_start3A_296 = arith.constant 0 : i32
        %dma_start3A_297 = arith.constant 0 : i32
        %dma_start3A_298 = tpu.memref_slice %arg14[%dma_start3A_294, %dma_start3A_296, %dma_start3A_297] : memref<6x128x16xf32, #tpu.memory_space<vmem>> -> memref<1x128x16xf32, #tpu.memory_space<vmem>>
        %dma_start3A_299 = tpu.memref_squeeze %dma_start3A_298 : memref<1x128x16xf32, #tpu.memory_space<vmem>> -> memref<128x16xf32, #tpu.memory_space<vmem>>
        %dma_start3A_300 = arith.constant 0 : i32
        %dma_start3A_301 = tpu.memref_slice %arg12[%dma_start3A_295, %dma_start3A_300] : memref<12x128xi32, #tpu.memory_space<vmem>> -> memref<1x128xi32, #tpu.memory_space<vmem>>
        %dma_start3A_302 = tpu.memref_squeeze %dma_start3A_301 : memref<1x128xi32, #tpu.memory_space<vmem>> -> memref<128xi32, #tpu.memory_space<vmem>>
        %dma_start3A_303 = arith.constant 0 : i32
        %dma_start3A_304 = arith.constant 0 : i32
        %dma_start3A_305 = tpu.memref_slice %arg10[%dma_start3A_303, %dma_start3A_304] : memref<100096x16xf32, #tpu.memory_space<vmem_shared>> -> memref<100096x16xf32, #tpu.memory_space<vmem_shared>>
        tpu.enqueue_indirect_dma source(%dma_start3A_299 : memref<128x16xf32, #tpu.memory_space<vmem>>) target(%dma_start3A_305 : memref<100096x16xf32, #tpu.memory_space<vmem_shared>>) offsets(%dma_start3A_302 : memref<128xi32, #tpu.memory_space<vmem>>) semaphore(%arg19 : memref<!tpu.dma_semaphore, #tpu.memory_space<semaphore_mem>>) {add = true}
        %dma_start3A_306 = arith.constant 2 : i32
        %dma_start3A_307 = arith.constant 8 : i32
        %dma_start3A_308 = arith.constant 0 : i32
        %dma_start3A_309 = arith.constant 0 : i32
        %dma_start3A_310 = tpu.memref_slice %arg14[%dma_start3A_306, %dma_start3A_308, %dma_start3A_309] : memref<6x128x16xf32, #tpu.memory_space<vmem>> -> memref<1x128x16xf32, #tpu.memory_space<vmem>>
        %dma_start3A_311 = tpu.memref_squeeze %dma_start3A_310 : memref<1x128x16xf32, #tpu.memory_space<vmem>> -> memref<128x16xf32, #tpu.memory_space<vmem>>
        %dma_start3A_312 = arith.constant 0 : i32
        %dma_start3A_313 = tpu.memref_slice %arg12[%dma_start3A_307, %dma_start3A_312] : memref<12x128xi32, #tpu.memory_space<vmem>> -> memref<1x128xi32, #tpu.memory_space<vmem>>
        %dma_start3A_314 = tpu.memref_squeeze %dma_start3A_313 : memref<1x128xi32, #tpu.memory_space<vmem>> -> memref<128xi32, #tpu.memory_space<vmem>>
        %dma_start3A_315 = arith.constant 0 : i32
        %dma_start3A_316 = arith.constant 0 : i32
        %dma_start3A_317 = tpu.memref_slice %arg10[%dma_start3A_315, %dma_start3A_316] : memref<100096x16xf32, #tpu.memory_space<vmem_shared>> -> memref<100096x16xf32, #tpu.memory_space<vmem_shared>>
        tpu.enqueue_indirect_dma source(%dma_start3A_311 : memref<128x16xf32, #tpu.memory_space<vmem>>) target(%dma_start3A_317 : memref<100096x16xf32, #tpu.memory_space<vmem_shared>>) offsets(%dma_start3A_314 : memref<128xi32, #tpu.memory_space<vmem>>) semaphore(%arg19 : memref<!tpu.dma_semaphore, #tpu.memory_space<semaphore_mem>>) {add = true}
        %dma_start3A_318 = arith.constant 3 : i32
        %dma_start3A_319 = arith.constant 9 : i32
        %dma_start3A_320 = arith.constant 0 : i32
        %dma_start3A_321 = arith.constant 0 : i32
        %dma_start3A_322 = tpu.memref_slice %arg14[%dma_start3A_318, %dma_start3A_320, %dma_start3A_321] : memref<6x128x16xf32, #tpu.memory_space<vmem>> -> memref<1x128x16xf32, #tpu.memory_space<vmem>>
        %dma_start3A_323 = tpu.memref_squeeze %dma_start3A_322 : memref<1x128x16xf32, #tpu.memory_space<vmem>> -> memref<128x16xf32, #tpu.memory_space<vmem>>
        %dma_start3A_324 = arith.constant 0 : i32
        %dma_start3A_325 = tpu.memref_slice %arg12[%dma_start3A_319, %dma_start3A_324] : memref<12x128xi32, #tpu.memory_space<vmem>> -> memref<1x128xi32, #tpu.memory_space<vmem>>
        %dma_start3A_326 = tpu.memref_squeeze %dma_start3A_325 : memref<1x128xi32, #tpu.memory_space<vmem>> -> memref<128xi32, #tpu.memory_space<vmem>>
        %dma_start3A_327 = arith.constant 0 : i32
        %dma_start3A_328 = arith.constant 0 : i32
        %dma_start3A_329 = tpu.memref_slice %arg10[%dma_start3A_327, %dma_start3A_328] : memref<100096x16xf32, #tpu.memory_space<vmem_shared>> -> memref<100096x16xf32, #tpu.memory_space<vmem_shared>>
        tpu.enqueue_indirect_dma source(%dma_start3A_323 : memref<128x16xf32, #tpu.memory_space<vmem>>) target(%dma_start3A_329 : memref<100096x16xf32, #tpu.memory_space<vmem_shared>>) offsets(%dma_start3A_326 : memref<128xi32, #tpu.memory_space<vmem>>) semaphore(%arg19 : memref<!tpu.dma_semaphore, #tpu.memory_space<semaphore_mem>>) {add = true}
        %dma_start3A_330 = arith.constant 4 : i32
        %dma_start3A_331 = arith.constant 10 : i32
        %dma_start3A_332 = arith.constant 0 : i32
        %dma_start3A_333 = arith.constant 0 : i32
        %dma_start3A_334 = tpu.memref_slice %arg14[%dma_start3A_330, %dma_start3A_332, %dma_start3A_333] : memref<6x128x16xf32, #tpu.memory_space<vmem>> -> memref<1x128x16xf32, #tpu.memory_space<vmem>>
        %dma_start3A_335 = tpu.memref_squeeze %dma_start3A_334 : memref<1x128x16xf32, #tpu.memory_space<vmem>> -> memref<128x16xf32, #tpu.memory_space<vmem>>
        %dma_start3A_336 = arith.constant 0 : i32
        %dma_start3A_337 = tpu.memref_slice %arg12[%dma_start3A_331, %dma_start3A_336] : memref<12x128xi32, #tpu.memory_space<vmem>> -> memref<1x128xi32, #tpu.memory_space<vmem>>
        %dma_start3A_338 = tpu.memref_squeeze %dma_start3A_337 : memref<1x128xi32, #tpu.memory_space<vmem>> -> memref<128xi32, #tpu.memory_space<vmem>>
        %dma_start3A_339 = arith.constant 0 : i32
        %dma_start3A_340 = arith.constant 0 : i32
        %dma_start3A_341 = tpu.memref_slice %arg10[%dma_start3A_339, %dma_start3A_340] : memref<100096x16xf32, #tpu.memory_space<vmem_shared>> -> memref<100096x16xf32, #tpu.memory_space<vmem_shared>>
        tpu.enqueue_indirect_dma source(%dma_start3A_335 : memref<128x16xf32, #tpu.memory_space<vmem>>) target(%dma_start3A_341 : memref<100096x16xf32, #tpu.memory_space<vmem_shared>>) offsets(%dma_start3A_338 : memref<128xi32, #tpu.memory_space<vmem>>) semaphore(%arg19 : memref<!tpu.dma_semaphore, #tpu.memory_space<semaphore_mem>>) {add = true}
        %dma_start3A_342 = arith.constant 5 : i32
        %dma_start3A_343 = arith.constant 11 : i32
        %dma_start3A_344 = arith.constant 0 : i32
        %dma_start3A_345 = arith.constant 0 : i32
        %dma_start3A_346 = tpu.memref_slice %arg14[%dma_start3A_342, %dma_start3A_344, %dma_start3A_345] : memref<6x128x16xf32, #tpu.memory_space<vmem>> -> memref<1x128x16xf32, #tpu.memory_space<vmem>>
        %dma_start3A_347 = tpu.memref_squeeze %dma_start3A_346 : memref<1x128x16xf32, #tpu.memory_space<vmem>> -> memref<128x16xf32, #tpu.memory_space<vmem>>
        %dma_start3A_348 = arith.constant 0 : i32
        %dma_start3A_349 = tpu.memref_slice %arg12[%dma_start3A_343, %dma_start3A_348] : memref<12x128xi32, #tpu.memory_space<vmem>> -> memref<1x128xi32, #tpu.memory_space<vmem>>
        %dma_start3A_350 = tpu.memref_squeeze %dma_start3A_349 : memref<1x128xi32, #tpu.memory_space<vmem>> -> memref<128xi32, #tpu.memory_space<vmem>>
        %dma_start3A_351 = arith.constant 0 : i32
        %dma_start3A_352 = arith.constant 0 : i32
        %dma_start3A_353 = tpu.memref_slice %arg10[%dma_start3A_351, %dma_start3A_352] : memref<100096x16xf32, #tpu.memory_space<vmem_shared>> -> memref<100096x16xf32, #tpu.memory_space<vmem_shared>>
        tpu.enqueue_indirect_dma source(%dma_start3A_347 : memref<128x16xf32, #tpu.memory_space<vmem>>) target(%dma_start3A_353 : memref<100096x16xf32, #tpu.memory_space<vmem_shared>>) offsets(%dma_start3A_350 : memref<128xi32, #tpu.memory_space<vmem>>) semaphore(%arg19 : memref<!tpu.dma_semaphore, #tpu.memory_space<semaphore_mem>>) {add = true}
        %dma_start3A_354 = arith.constant 0 : i32
        %dma_start3A_355 = arith.constant 0 : i32
        %dma_start3A_356 = arith.constant 0 : i32
        %dma_start3A_357 = arith.constant 0 : i32
        %dma_start3A_358 = tpu.memref_slice %arg13[%dma_start3A_355, %dma_start3A_356, %dma_start3A_357] : memref<6x128x16xf32, #tpu.memory_space<vmem>> -> memref<1x128x16xf32, #tpu.memory_space<vmem>>
        %dma_start3A_359 = tpu.memref_squeeze %dma_start3A_358 : memref<1x128x16xf32, #tpu.memory_space<vmem>> -> memref<128x16xf32, #tpu.memory_space<vmem>>
        %dma_start3A_360 = arith.constant 0 : i32
        %dma_start3A_361 = tpu.memref_slice %arg11[%dma_start3A_354, %dma_start3A_360] : memref<12x128xi32, #tpu.memory_space<vmem>> -> memref<1x128xi32, #tpu.memory_space<vmem>>
        %dma_start3A_362 = tpu.memref_squeeze %dma_start3A_361 : memref<1x128xi32, #tpu.memory_space<vmem>> -> memref<128xi32, #tpu.memory_space<vmem>>
        %dma_start3A_363 = arith.constant 0 : i32
        %dma_start3A_364 = arith.constant 0 : i32
        %dma_start3A_365 = tpu.memref_slice %arg2[%dma_start3A_363, %dma_start3A_364] : memref<100096x16xf32, #tpu.memory_space<hbm>> -> memref<100096x16xf32, #tpu.memory_space<hbm>>
        tpu.enqueue_indirect_dma source(%dma_start3A_365 : memref<100096x16xf32, #tpu.memory_space<hbm>>) target(%dma_start3A_359 : memref<128x16xf32, #tpu.memory_space<vmem>>) offsets(%dma_start3A_362 : memref<128xi32, #tpu.memory_space<vmem>>) semaphore(%arg16 : memref<!tpu.dma_semaphore, #tpu.memory_space<semaphore_mem>>)
        %dma_start3A_366 = arith.constant 1 : i32
        %dma_start3A_367 = arith.constant 1 : i32
        %dma_start3A_368 = arith.constant 0 : i32
        %dma_start3A_369 = arith.constant 0 : i32
        %dma_start3A_370 = tpu.memref_slice %arg13[%dma_start3A_367, %dma_start3A_368, %dma_start3A_369] : memref<6x128x16xf32, #tpu.memory_space<vmem>> -> memref<1x128x16xf32, #tpu.memory_space<vmem>>
        %dma_start3A_371 = tpu.memref_squeeze %dma_start3A_370 : memref<1x128x16xf32, #tpu.memory_space<vmem>> -> memref<128x16xf32, #tpu.memory_space<vmem>>
        %dma_start3A_372 = arith.constant 0 : i32
        %dma_start3A_373 = tpu.memref_slice %arg11[%dma_start3A_366, %dma_start3A_372] : memref<12x128xi32, #tpu.memory_space<vmem>> -> memref<1x128xi32, #tpu.memory_space<vmem>>
        %dma_start3A_374 = tpu.memref_squeeze %dma_start3A_373 : memref<1x128xi32, #tpu.memory_space<vmem>> -> memref<128xi32, #tpu.memory_space<vmem>>
        %dma_start3A_375 = arith.constant 0 : i32
        %dma_start3A_376 = arith.constant 0 : i32
        %dma_start3A_377 = tpu.memref_slice %arg2[%dma_start3A_375, %dma_start3A_376] : memref<100096x16xf32, #tpu.memory_space<hbm>> -> memref<100096x16xf32, #tpu.memory_space<hbm>>
        tpu.enqueue_indirect_dma source(%dma_start3A_377 : memref<100096x16xf32, #tpu.memory_space<hbm>>) target(%dma_start3A_371 : memref<128x16xf32, #tpu.memory_space<vmem>>) offsets(%dma_start3A_374 : memref<128xi32, #tpu.memory_space<vmem>>) semaphore(%arg16 : memref<!tpu.dma_semaphore, #tpu.memory_space<semaphore_mem>>)
        %dma_start3A_378 = arith.constant 2 : i32
        %dma_start3A_379 = arith.constant 2 : i32
        %dma_start3A_380 = arith.constant 0 : i32
        %dma_start3A_381 = arith.constant 0 : i32
        %dma_start3A_382 = tpu.memref_slice %arg13[%dma_start3A_379, %dma_start3A_380, %dma_start3A_381] : memref<6x128x16xf32, #tpu.memory_space<vmem>> -> memref<1x128x16xf32, #tpu.memory_space<vmem>>
        %dma_start3A_383 = tpu.memref_squeeze %dma_start3A_382 : memref<1x128x16xf32, #tpu.memory_space<vmem>> -> memref<128x16xf32, #tpu.memory_space<vmem>>
        %dma_start3A_384 = arith.constant 0 : i32
        %dma_start3A_385 = tpu.memref_slice %arg11[%dma_start3A_378, %dma_start3A_384] : memref<12x128xi32, #tpu.memory_space<vmem>> -> memref<1x128xi32, #tpu.memory_space<vmem>>
        %dma_start3A_386 = tpu.memref_squeeze %dma_start3A_385 : memref<1x128xi32, #tpu.memory_space<vmem>> -> memref<128xi32, #tpu.memory_space<vmem>>
        %dma_start3A_387 = arith.constant 0 : i32
        %dma_start3A_388 = arith.constant 0 : i32
        %dma_start3A_389 = tpu.memref_slice %arg2[%dma_start3A_387, %dma_start3A_388] : memref<100096x16xf32, #tpu.memory_space<hbm>> -> memref<100096x16xf32, #tpu.memory_space<hbm>>
        tpu.enqueue_indirect_dma source(%dma_start3A_389 : memref<100096x16xf32, #tpu.memory_space<hbm>>) target(%dma_start3A_383 : memref<128x16xf32, #tpu.memory_space<vmem>>) offsets(%dma_start3A_386 : memref<128xi32, #tpu.memory_space<vmem>>) semaphore(%arg16 : memref<!tpu.dma_semaphore, #tpu.memory_space<semaphore_mem>>)
        %dma_start3A_390 = arith.constant 3 : i32
        %dma_start3A_391 = arith.constant 3 : i32
        %dma_start3A_392 = arith.constant 0 : i32
        %dma_start3A_393 = arith.constant 0 : i32
        %dma_start3A_394 = tpu.memref_slice %arg13[%dma_start3A_391, %dma_start3A_392, %dma_start3A_393] : memref<6x128x16xf32, #tpu.memory_space<vmem>> -> memref<1x128x16xf32, #tpu.memory_space<vmem>>
        %dma_start3A_395 = tpu.memref_squeeze %dma_start3A_394 : memref<1x128x16xf32, #tpu.memory_space<vmem>> -> memref<128x16xf32, #tpu.memory_space<vmem>>
        %dma_start3A_396 = arith.constant 0 : i32
        %dma_start3A_397 = tpu.memref_slice %arg11[%dma_start3A_390, %dma_start3A_396] : memref<12x128xi32, #tpu.memory_space<vmem>> -> memref<1x128xi32, #tpu.memory_space<vmem>>
        %dma_start3A_398 = tpu.memref_squeeze %dma_start3A_397 : memref<1x128xi32, #tpu.memory_space<vmem>> -> memref<128xi32, #tpu.memory_space<vmem>>
        %dma_start3A_399 = arith.constant 0 : i32
        %dma_start3A_400 = arith.constant 0 : i32
        %dma_start3A_401 = tpu.memref_slice %arg2[%dma_start3A_399, %dma_start3A_400] : memref<100096x16xf32, #tpu.memory_space<hbm>> -> memref<100096x16xf32, #tpu.memory_space<hbm>>
        tpu.enqueue_indirect_dma source(%dma_start3A_401 : memref<100096x16xf32, #tpu.memory_space<hbm>>) target(%dma_start3A_395 : memref<128x16xf32, #tpu.memory_space<vmem>>) offsets(%dma_start3A_398 : memref<128xi32, #tpu.memory_space<vmem>>) semaphore(%arg16 : memref<!tpu.dma_semaphore, #tpu.memory_space<semaphore_mem>>)
        %dma_start3A_402 = arith.constant 4 : i32
        %dma_start3A_403 = arith.constant 4 : i32
        %dma_start3A_404 = arith.constant 0 : i32
        %dma_start3A_405 = arith.constant 0 : i32
        %dma_start3A_406 = tpu.memref_slice %arg13[%dma_start3A_403, %dma_start3A_404, %dma_start3A_405] : memref<6x128x16xf32, #tpu.memory_space<vmem>> -> memref<1x128x16xf32, #tpu.memory_space<vmem>>
        %dma_start3A_407 = tpu.memref_squeeze %dma_start3A_406 : memref<1x128x16xf32, #tpu.memory_space<vmem>> -> memref<128x16xf32, #tpu.memory_space<vmem>>
        %dma_start3A_408 = arith.constant 0 : i32
        %dma_start3A_409 = tpu.memref_slice %arg11[%dma_start3A_402, %dma_start3A_408] : memref<12x128xi32, #tpu.memory_space<vmem>> -> memref<1x128xi32, #tpu.memory_space<vmem>>
        %dma_start3A_410 = tpu.memref_squeeze %dma_start3A_409 : memref<1x128xi32, #tpu.memory_space<vmem>> -> memref<128xi32, #tpu.memory_space<vmem>>
        %dma_start3A_411 = arith.constant 0 : i32
        %dma_start3A_412 = arith.constant 0 : i32
        %dma_start3A_413 = tpu.memref_slice %arg2[%dma_start3A_411, %dma_start3A_412] : memref<100096x16xf32, #tpu.memory_space<hbm>> -> memref<100096x16xf32, #tpu.memory_space<hbm>>
        tpu.enqueue_indirect_dma source(%dma_start3A_413 : memref<100096x16xf32, #tpu.memory_space<hbm>>) target(%dma_start3A_407 : memref<128x16xf32, #tpu.memory_space<vmem>>) offsets(%dma_start3A_410 : memref<128xi32, #tpu.memory_space<vmem>>) semaphore(%arg16 : memref<!tpu.dma_semaphore, #tpu.memory_space<semaphore_mem>>)
        %dma_start3A_414 = arith.constant 5 : i32
        %dma_start3A_415 = arith.constant 5 : i32
        %dma_start3A_416 = arith.constant 0 : i32
        %dma_start3A_417 = arith.constant 0 : i32
        %dma_start3A_418 = tpu.memref_slice %arg13[%dma_start3A_415, %dma_start3A_416, %dma_start3A_417] : memref<6x128x16xf32, #tpu.memory_space<vmem>> -> memref<1x128x16xf32, #tpu.memory_space<vmem>>
        %dma_start3A_419 = tpu.memref_squeeze %dma_start3A_418 : memref<1x128x16xf32, #tpu.memory_space<vmem>> -> memref<128x16xf32, #tpu.memory_space<vmem>>
        %dma_start3A_420 = arith.constant 0 : i32
        %dma_start3A_421 = tpu.memref_slice %arg11[%dma_start3A_414, %dma_start3A_420] : memref<12x128xi32, #tpu.memory_space<vmem>> -> memref<1x128xi32, #tpu.memory_space<vmem>>
        %dma_start3A_422 = tpu.memref_squeeze %dma_start3A_421 : memref<1x128xi32, #tpu.memory_space<vmem>> -> memref<128xi32, #tpu.memory_space<vmem>>
        %dma_start3A_423 = arith.constant 0 : i32
        %dma_start3A_424 = arith.constant 0 : i32
        %dma_start3A_425 = tpu.memref_slice %arg2[%dma_start3A_423, %dma_start3A_424] : memref<100096x16xf32, #tpu.memory_space<hbm>> -> memref<100096x16xf32, #tpu.memory_space<hbm>>
        tpu.enqueue_indirect_dma source(%dma_start3A_425 : memref<100096x16xf32, #tpu.memory_space<hbm>>) target(%dma_start3A_419 : memref<128x16xf32, #tpu.memory_space<vmem>>) offsets(%dma_start3A_422 : memref<128xi32, #tpu.memory_space<vmem>>) semaphore(%arg16 : memref<!tpu.dma_semaphore, #tpu.memory_space<semaphore_mem>>)
      } else {
      }
      %convert_element_type3A_125 = arith.extui %not3A_9 : i1 to i32
      %cond3A_126 = arith.constant 0 : i32
      %cond3A_127 = arith.cmpi ne, %convert_element_type3A_125, %cond3A_126 : i32
      scf.if %cond3A_127 {
        tpu.wait_dma2 semaphore(%arg18 : memref<!tpu.dma_semaphore, #tpu.memory_space<semaphore_mem>>) src(%arg8 : memref<6x128x16xf32, #tpu.memory_space<hbm>>) dst(%arg13 : memref<6x128x16xf32, #tpu.memory_space<vmem>>)
        "tpu.region"() ({
          %run_scoped3A = tpu.sem_alloc : memref<!tpu.dma_semaphore, #tpu.memory_space<semaphore_mem>>
          %dma_start3A_275 = arith.constant 0 : i32
          %dma_start3A_276 = arith.constant 0 : i32
          %dma_start3A_277 = tpu.memref_slice %arg11[%dma_start3A_275, %dma_start3A_276] : memref<12x128xi32, #tpu.memory_space<vmem>> -> memref<6x128xi32, #tpu.memory_space<vmem>>
          %dma_start3A_278 = arith.constant 0 : i32
          %dma_start3A_279 = tpu.memref_slice %arg3[%add3A, %dma_start3A_278] : memref<25152x128xi32, #tpu.memory_space<hbm>> -> memref<6x128xi32, #tpu.memory_space<hbm>>
          %dma_start3A_280 = arith.constant 0 : i32
          %dma_start3A_281 = arith.constant 0 : i32
          %dma_start3A_282 = tpu.memref_slice %arg11[%dma_start3A_280, %dma_start3A_281] : memref<12x128xi32, #tpu.memory_space<vmem>> -> memref<6x128xi32, #tpu.memory_space<vmem>>
          %dma_start3A_283 = arith.constant 0 : i32
          %dma_start3A_284 = tpu.memref_slice %arg3[%add3A, %dma_start3A_283] : memref<25152x128xi32, #tpu.memory_space<hbm>> -> memref<6x128xi32, #tpu.memory_space<hbm>>
          tpu.enqueue_dma source(%dma_start3A_284 : memref<6x128xi32, #tpu.memory_space<hbm>>) target(%dma_start3A_282 : memref<6x128xi32, #tpu.memory_space<vmem>>) target_semaphore(%run_scoped3A : memref<!tpu.dma_semaphore, #tpu.memory_space<semaphore_mem>>)
          %dma_wait3A = arith.constant 0 : i32
          %dma_wait3A_285 = arith.constant 0 : i32
          %dma_wait3A_286 = tpu.memref_slice %arg11[%dma_wait3A, %dma_wait3A_285] : memref<12x128xi32, #tpu.memory_space<vmem>> -> memref<6x128xi32, #tpu.memory_space<vmem>>
          %dma_wait3A_287 = arith.constant 0 : i32
          %dma_wait3A_288 = tpu.memref_slice %arg3[%add3A, %dma_wait3A_287] : memref<25152x128xi32, #tpu.memory_space<hbm>> -> memref<6x128xi32, #tpu.memory_space<hbm>>
          %dma_wait3A_289 = arith.constant 0 : i32
          %dma_wait3A_290 = arith.constant 0 : i32
          %dma_wait3A_291 = tpu.memref_slice %arg11[%dma_wait3A_289, %dma_wait3A_290] : memref<12x128xi32, #tpu.memory_space<vmem>> -> memref<6x128xi32, #tpu.memory_space<vmem>>
          %dma_wait3A_292 = arith.constant 0 : i32
          %dma_wait3A_293 = tpu.memref_slice %arg3[%add3A, %dma_wait3A_292] : memref<25152x128xi32, #tpu.memory_space<hbm>> -> memref<6x128xi32, #tpu.memory_space<hbm>>
          tpu.wait_dma2 semaphore(%run_scoped3A : memref<!tpu.dma_semaphore, #tpu.memory_space<semaphore_mem>>) src(%dma_wait3A_293 : memref<6x128xi32, #tpu.memory_space<hbm>>) dst(%dma_wait3A_291 : memref<6x128xi32, #tpu.memory_space<vmem>>)
          tpu.yield
        }) : () -> ()
        "tpu.region"() ({
          %run_scoped3A = tpu.sem_alloc : memref<!tpu.dma_semaphore, #tpu.memory_space<semaphore_mem>>
          %dma_start3A_275 = arith.constant 0 : i32
          %dma_start3A_276 = arith.constant 0 : i32
          %dma_start3A_277 = tpu.memref_slice %arg12[%dma_start3A_275, %dma_start3A_276] : memref<12x128xi32, #tpu.memory_space<vmem>> -> memref<6x128xi32, #tpu.memory_space<vmem>>
          %dma_start3A_278 = arith.constant 0 : i32
          %dma_start3A_279 = tpu.memref_slice %arg4[%add3A, %dma_start3A_278] : memref<25152x128xi32, #tpu.memory_space<hbm>> -> memref<6x128xi32, #tpu.memory_space<hbm>>
          %dma_start3A_280 = arith.constant 0 : i32
          %dma_start3A_281 = arith.constant 0 : i32
          %dma_start3A_282 = tpu.memref_slice %arg12[%dma_start3A_280, %dma_start3A_281] : memref<12x128xi32, #tpu.memory_space<vmem>> -> memref<6x128xi32, #tpu.memory_space<vmem>>
          %dma_start3A_283 = arith.constant 0 : i32
          %dma_start3A_284 = tpu.memref_slice %arg4[%add3A, %dma_start3A_283] : memref<25152x128xi32, #tpu.memory_space<hbm>> -> memref<6x128xi32, #tpu.memory_space<hbm>>
          tpu.enqueue_dma source(%dma_start3A_284 : memref<6x128xi32, #tpu.memory_space<hbm>>) target(%dma_start3A_282 : memref<6x128xi32, #tpu.memory_space<vmem>>) target_semaphore(%run_scoped3A : memref<!tpu.dma_semaphore, #tpu.memory_space<semaphore_mem>>)
          %dma_wait3A = arith.constant 0 : i32
          %dma_wait3A_285 = arith.constant 0 : i32
          %dma_wait3A_286 = tpu.memref_slice %arg12[%dma_wait3A, %dma_wait3A_285] : memref<12x128xi32, #tpu.memory_space<vmem>> -> memref<6x128xi32, #tpu.memory_space<vmem>>
          %dma_wait3A_287 = arith.constant 0 : i32
          %dma_wait3A_288 = tpu.memref_slice %arg4[%add3A, %dma_wait3A_287] : memref<25152x128xi32, #tpu.memory_space<hbm>> -> memref<6x128xi32, #tpu.memory_space<hbm>>
          %dma_wait3A_289 = arith.constant 0 : i32
          %dma_wait3A_290 = arith.constant 0 : i32
          %dma_wait3A_291 = tpu.memref_slice %arg12[%dma_wait3A_289, %dma_wait3A_290] : memref<12x128xi32, #tpu.memory_space<vmem>> -> memref<6x128xi32, #tpu.memory_space<vmem>>
          %dma_wait3A_292 = arith.constant 0 : i32
          %dma_wait3A_293 = tpu.memref_slice %arg4[%add3A, %dma_wait3A_292] : memref<25152x128xi32, #tpu.memory_space<hbm>> -> memref<6x128xi32, #tpu.memory_space<hbm>>
          tpu.wait_dma2 semaphore(%run_scoped3A : memref<!tpu.dma_semaphore, #tpu.memory_space<semaphore_mem>>) src(%dma_wait3A_293 : memref<6x128xi32, #tpu.memory_space<hbm>>) dst(%dma_wait3A_291 : memref<6x128xi32, #tpu.memory_space<vmem>>)
          tpu.yield
        }) : () -> ()
        %dma_start3A_129 = arith.constant 0 : i32
        %dma_start3A_130 = arith.constant 0 : i32
        %dma_start3A_131 = arith.constant 0 : i32
        %dma_start3A_132 = arith.constant 0 : i32
        %dma_start3A_133 = tpu.memref_slice %arg13[%dma_start3A_129, %dma_start3A_131, %dma_start3A_132] : memref<6x128x16xf32, #tpu.memory_space<vmem>> -> memref<1x128x16xf32, #tpu.memory_space<vmem>>
        %dma_start3A_134 = tpu.memref_squeeze %dma_start3A_133 : memref<1x128x16xf32, #tpu.memory_space<vmem>> -> memref<128x16xf32, #tpu.memory_space<vmem>>
        %dma_start3A_135 = arith.constant 0 : i32
        %dma_start3A_136 = tpu.memref_slice %arg12[%dma_start3A_130, %dma_start3A_135] : memref<12x128xi32, #tpu.memory_space<vmem>> -> memref<1x128xi32, #tpu.memory_space<vmem>>
        %dma_start3A_137 = tpu.memref_squeeze %dma_start3A_136 : memref<1x128xi32, #tpu.memory_space<vmem>> -> memref<128xi32, #tpu.memory_space<vmem>>
        %dma_start3A_138 = arith.constant 0 : i32
        %dma_start3A_139 = arith.constant 0 : i32
        %dma_start3A_140 = tpu.memref_slice %arg10[%dma_start3A_138, %dma_start3A_139] : memref<100096x16xf32, #tpu.memory_space<vmem_shared>> -> memref<100096x16xf32, #tpu.memory_space<vmem_shared>>
        tpu.enqueue_indirect_dma source(%dma_start3A_134 : memref<128x16xf32, #tpu.memory_space<vmem>>) target(%dma_start3A_140 : memref<100096x16xf32, #tpu.memory_space<vmem_shared>>) offsets(%dma_start3A_137 : memref<128xi32, #tpu.memory_space<vmem>>) semaphore(%arg18 : memref<!tpu.dma_semaphore, #tpu.memory_space<semaphore_mem>>) {add = true}
        %dma_start3A_141 = arith.constant 1 : i32
        %dma_start3A_142 = arith.constant 1 : i32
        %dma_start3A_143 = arith.constant 0 : i32
        %dma_start3A_144 = arith.constant 0 : i32
        %dma_start3A_145 = tpu.memref_slice %arg13[%dma_start3A_141, %dma_start3A_143, %dma_start3A_144] : memref<6x128x16xf32, #tpu.memory_space<vmem>> -> memref<1x128x16xf32, #tpu.memory_space<vmem>>
        %dma_start3A_146 = tpu.memref_squeeze %dma_start3A_145 : memref<1x128x16xf32, #tpu.memory_space<vmem>> -> memref<128x16xf32, #tpu.memory_space<vmem>>
        %dma_start3A_147 = arith.constant 0 : i32
        %dma_start3A_148 = tpu.memref_slice %arg12[%dma_start3A_142, %dma_start3A_147] : memref<12x128xi32, #tpu.memory_space<vmem>> -> memref<1x128xi32, #tpu.memory_space<vmem>>
        %dma_start3A_149 = tpu.memref_squeeze %dma_start3A_148 : memref<1x128xi32, #tpu.memory_space<vmem>> -> memref<128xi32, #tpu.memory_space<vmem>>
        %dma_start3A_150 = arith.constant 0 : i32
        %dma_start3A_151 = arith.constant 0 : i32
        %dma_start3A_152 = tpu.memref_slice %arg10[%dma_start3A_150, %dma_start3A_151] : memref<100096x16xf32, #tpu.memory_space<vmem_shared>> -> memref<100096x16xf32, #tpu.memory_space<vmem_shared>>
        tpu.enqueue_indirect_dma source(%dma_start3A_146 : memref<128x16xf32, #tpu.memory_space<vmem>>) target(%dma_start3A_152 : memref<100096x16xf32, #tpu.memory_space<vmem_shared>>) offsets(%dma_start3A_149 : memref<128xi32, #tpu.memory_space<vmem>>) semaphore(%arg18 : memref<!tpu.dma_semaphore, #tpu.memory_space<semaphore_mem>>) {add = true}
        %dma_start3A_153 = arith.constant 2 : i32
        %dma_start3A_154 = arith.constant 2 : i32
        %dma_start3A_155 = arith.constant 0 : i32
        %dma_start3A_156 = arith.constant 0 : i32
        %dma_start3A_157 = tpu.memref_slice %arg13[%dma_start3A_153, %dma_start3A_155, %dma_start3A_156] : memref<6x128x16xf32, #tpu.memory_space<vmem>> -> memref<1x128x16xf32, #tpu.memory_space<vmem>>
        %dma_start3A_158 = tpu.memref_squeeze %dma_start3A_157 : memref<1x128x16xf32, #tpu.memory_space<vmem>> -> memref<128x16xf32, #tpu.memory_space<vmem>>
        %dma_start3A_159 = arith.constant 0 : i32
        %dma_start3A_160 = tpu.memref_slice %arg12[%dma_start3A_154, %dma_start3A_159] : memref<12x128xi32, #tpu.memory_space<vmem>> -> memref<1x128xi32, #tpu.memory_space<vmem>>
        %dma_start3A_161 = tpu.memref_squeeze %dma_start3A_160 : memref<1x128xi32, #tpu.memory_space<vmem>> -> memref<128xi32, #tpu.memory_space<vmem>>
        %dma_start3A_162 = arith.constant 0 : i32
        %dma_start3A_163 = arith.constant 0 : i32
        %dma_start3A_164 = tpu.memref_slice %arg10[%dma_start3A_162, %dma_start3A_163] : memref<100096x16xf32, #tpu.memory_space<vmem_shared>> -> memref<100096x16xf32, #tpu.memory_space<vmem_shared>>
        tpu.enqueue_indirect_dma source(%dma_start3A_158 : memref<128x16xf32, #tpu.memory_space<vmem>>) target(%dma_start3A_164 : memref<100096x16xf32, #tpu.memory_space<vmem_shared>>) offsets(%dma_start3A_161 : memref<128xi32, #tpu.memory_space<vmem>>) semaphore(%arg18 : memref<!tpu.dma_semaphore, #tpu.memory_space<semaphore_mem>>) {add = true}
        %dma_start3A_165 = arith.constant 3 : i32
        %dma_start3A_166 = arith.constant 3 : i32
        %dma_start3A_167 = arith.constant 0 : i32
        %dma_start3A_168 = arith.constant 0 : i32
        %dma_start3A_169 = tpu.memref_slice %arg13[%dma_start3A_165, %dma_start3A_167, %dma_start3A_168] : memref<6x128x16xf32, #tpu.memory_space<vmem>> -> memref<1x128x16xf32, #tpu.memory_space<vmem>>
        %dma_start3A_170 = tpu.memref_squeeze %dma_start3A_169 : memref<1x128x16xf32, #tpu.memory_space<vmem>> -> memref<128x16xf32, #tpu.memory_space<vmem>>
        %dma_start3A_171 = arith.constant 0 : i32
        %dma_start3A_172 = tpu.memref_slice %arg12[%dma_start3A_166, %dma_start3A_171] : memref<12x128xi32, #tpu.memory_space<vmem>> -> memref<1x128xi32, #tpu.memory_space<vmem>>
        %dma_start3A_173 = tpu.memref_squeeze %dma_start3A_172 : memref<1x128xi32, #tpu.memory_space<vmem>> -> memref<128xi32, #tpu.memory_space<vmem>>
        %dma_start3A_174 = arith.constant 0 : i32
        %dma_start3A_175 = arith.constant 0 : i32
        %dma_start3A_176 = tpu.memref_slice %arg10[%dma_start3A_174, %dma_start3A_175] : memref<100096x16xf32, #tpu.memory_space<vmem_shared>> -> memref<100096x16xf32, #tpu.memory_space<vmem_shared>>
        tpu.enqueue_indirect_dma source(%dma_start3A_170 : memref<128x16xf32, #tpu.memory_space<vmem>>) target(%dma_start3A_176 : memref<100096x16xf32, #tpu.memory_space<vmem_shared>>) offsets(%dma_start3A_173 : memref<128xi32, #tpu.memory_space<vmem>>) semaphore(%arg18 : memref<!tpu.dma_semaphore, #tpu.memory_space<semaphore_mem>>) {add = true}
        %dma_start3A_177 = arith.constant 4 : i32
        %dma_start3A_178 = arith.constant 4 : i32
        %dma_start3A_179 = arith.constant 0 : i32
        %dma_start3A_180 = arith.constant 0 : i32
        %dma_start3A_181 = tpu.memref_slice %arg13[%dma_start3A_177, %dma_start3A_179, %dma_start3A_180] : memref<6x128x16xf32, #tpu.memory_space<vmem>> -> memref<1x128x16xf32, #tpu.memory_space<vmem>>
        %dma_start3A_182 = tpu.memref_squeeze %dma_start3A_181 : memref<1x128x16xf32, #tpu.memory_space<vmem>> -> memref<128x16xf32, #tpu.memory_space<vmem>>
        %dma_start3A_183 = arith.constant 0 : i32
        %dma_start3A_184 = tpu.memref_slice %arg12[%dma_start3A_178, %dma_start3A_183] : memref<12x128xi32, #tpu.memory_space<vmem>> -> memref<1x128xi32, #tpu.memory_space<vmem>>
        %dma_start3A_185 = tpu.memref_squeeze %dma_start3A_184 : memref<1x128xi32, #tpu.memory_space<vmem>> -> memref<128xi32, #tpu.memory_space<vmem>>
        %dma_start3A_186 = arith.constant 0 : i32
        %dma_start3A_187 = arith.constant 0 : i32
        %dma_start3A_188 = tpu.memref_slice %arg10[%dma_start3A_186, %dma_start3A_187] : memref<100096x16xf32, #tpu.memory_space<vmem_shared>> -> memref<100096x16xf32, #tpu.memory_space<vmem_shared>>
        tpu.enqueue_indirect_dma source(%dma_start3A_182 : memref<128x16xf32, #tpu.memory_space<vmem>>) target(%dma_start3A_188 : memref<100096x16xf32, #tpu.memory_space<vmem_shared>>) offsets(%dma_start3A_185 : memref<128xi32, #tpu.memory_space<vmem>>) semaphore(%arg18 : memref<!tpu.dma_semaphore, #tpu.memory_space<semaphore_mem>>) {add = true}
        %dma_start3A_189 = arith.constant 5 : i32
        %dma_start3A_190 = arith.constant 5 : i32
        %dma_start3A_191 = arith.constant 0 : i32
        %dma_start3A_192 = arith.constant 0 : i32
        %dma_start3A_193 = tpu.memref_slice %arg13[%dma_start3A_189, %dma_start3A_191, %dma_start3A_192] : memref<6x128x16xf32, #tpu.memory_space<vmem>> -> memref<1x128x16xf32, #tpu.memory_space<vmem>>
        %dma_start3A_194 = tpu.memref_squeeze %dma_start3A_193 : memref<1x128x16xf32, #tpu.memory_space<vmem>> -> memref<128x16xf32, #tpu.memory_space<vmem>>
        %dma_start3A_195 = arith.constant 0 : i32
        %dma_start3A_196 = tpu.memref_slice %arg12[%dma_start3A_190, %dma_start3A_195] : memref<12x128xi32, #tpu.memory_space<vmem>> -> memref<1x128xi32, #tpu.memory_space<vmem>>
        %dma_start3A_197 = tpu.memref_squeeze %dma_start3A_196 : memref<1x128xi32, #tpu.memory_space<vmem>> -> memref<128xi32, #tpu.memory_space<vmem>>
        %dma_start3A_198 = arith.constant 0 : i32
        %dma_start3A_199 = arith.constant 0 : i32
        %dma_start3A_200 = tpu.memref_slice %arg10[%dma_start3A_198, %dma_start3A_199] : memref<100096x16xf32, #tpu.memory_space<vmem_shared>> -> memref<100096x16xf32, #tpu.memory_space<vmem_shared>>
        tpu.enqueue_indirect_dma source(%dma_start3A_194 : memref<128x16xf32, #tpu.memory_space<vmem>>) target(%dma_start3A_200 : memref<100096x16xf32, #tpu.memory_space<vmem_shared>>) offsets(%dma_start3A_197 : memref<128xi32, #tpu.memory_space<vmem>>) semaphore(%arg18 : memref<!tpu.dma_semaphore, #tpu.memory_space<semaphore_mem>>) {add = true}
        tpu.wait_dma2 semaphore(%arg19 : memref<!tpu.dma_semaphore, #tpu.memory_space<semaphore_mem>>) src(%arg8 : memref<6x128x16xf32, #tpu.memory_space<hbm>>) dst(%arg14 : memref<6x128x16xf32, #tpu.memory_space<vmem>>)
        %add3A_201 = arith.constant 6 : i32
        %add3A_202 = arith.addi %add3A, %add3A_201 : i32
        "tpu.region"() ({
          %run_scoped3A = tpu.sem_alloc : memref<!tpu.dma_semaphore, #tpu.memory_space<semaphore_mem>>
          %dma_start3A_275 = arith.constant 6 : i32
          %dma_start3A_276 = arith.constant 0 : i32
          %dma_start3A_277 = tpu.memref_slice %arg11[%dma_start3A_275, %dma_start3A_276] : memref<12x128xi32, #tpu.memory_space<vmem>> -> memref<6x128xi32, #tpu.memory_space<vmem>>
          %dma_start3A_278 = arith.constant 0 : i32
          %dma_start3A_279 = tpu.memref_slice %arg3[%add3A_202, %dma_start3A_278] : memref<25152x128xi32, #tpu.memory_space<hbm>> -> memref<6x128xi32, #tpu.memory_space<hbm>>
          %dma_start3A_280 = arith.constant 6 : i32
          %dma_start3A_281 = arith.constant 0 : i32
          %dma_start3A_282 = tpu.memref_slice %arg11[%dma_start3A_280, %dma_start3A_281] : memref<12x128xi32, #tpu.memory_space<vmem>> -> memref<6x128xi32, #tpu.memory_space<vmem>>
          %dma_start3A_283 = arith.constant 0 : i32
          %dma_start3A_284 = tpu.memref_slice %arg3[%add3A_202, %dma_start3A_283] : memref<25152x128xi32, #tpu.memory_space<hbm>> -> memref<6x128xi32, #tpu.memory_space<hbm>>
          tpu.enqueue_dma source(%dma_start3A_284 : memref<6x128xi32, #tpu.memory_space<hbm>>) target(%dma_start3A_282 : memref<6x128xi32, #tpu.memory_space<vmem>>) target_semaphore(%run_scoped3A : memref<!tpu.dma_semaphore, #tpu.memory_space<semaphore_mem>>)
          %dma_wait3A = arith.constant 6 : i32
          %dma_wait3A_285 = arith.constant 0 : i32
          %dma_wait3A_286 = tpu.memref_slice %arg11[%dma_wait3A, %dma_wait3A_285] : memref<12x128xi32, #tpu.memory_space<vmem>> -> memref<6x128xi32, #tpu.memory_space<vmem>>
          %dma_wait3A_287 = arith.constant 0 : i32
          %dma_wait3A_288 = tpu.memref_slice %arg3[%add3A_202, %dma_wait3A_287] : memref<25152x128xi32, #tpu.memory_space<hbm>> -> memref<6x128xi32, #tpu.memory_space<hbm>>
          %dma_wait3A_289 = arith.constant 6 : i32
          %dma_wait3A_290 = arith.constant 0 : i32
          %dma_wait3A_291 = tpu.memref_slice %arg11[%dma_wait3A_289, %dma_wait3A_290] : memref<12x128xi32, #tpu.memory_space<vmem>> -> memref<6x128xi32, #tpu.memory_space<vmem>>
          %dma_wait3A_292 = arith.constant 0 : i32
          %dma_wait3A_293 = tpu.memref_slice %arg3[%add3A_202, %dma_wait3A_292] : memref<25152x128xi32, #tpu.memory_space<hbm>> -> memref<6x128xi32, #tpu.memory_space<hbm>>
          tpu.wait_dma2 semaphore(%run_scoped3A : memref<!tpu.dma_semaphore, #tpu.memory_space<semaphore_mem>>) src(%dma_wait3A_293 : memref<6x128xi32, #tpu.memory_space<hbm>>) dst(%dma_wait3A_291 : memref<6x128xi32, #tpu.memory_space<vmem>>)
          tpu.yield
        }) : () -> ()
        "tpu.region"() ({
          %run_scoped3A = tpu.sem_alloc : memref<!tpu.dma_semaphore, #tpu.memory_space<semaphore_mem>>
          %dma_start3A_275 = arith.constant 6 : i32
          %dma_start3A_276 = arith.constant 0 : i32
          %dma_start3A_277 = tpu.memref_slice %arg12[%dma_start3A_275, %dma_start3A_276] : memref<12x128xi32, #tpu.memory_space<vmem>> -> memref<6x128xi32, #tpu.memory_space<vmem>>
          %dma_start3A_278 = arith.constant 0 : i32
          %dma_start3A_279 = tpu.memref_slice %arg4[%add3A_202, %dma_start3A_278] : memref<25152x128xi32, #tpu.memory_space<hbm>> -> memref<6x128xi32, #tpu.memory_space<hbm>>
          %dma_start3A_280 = arith.constant 6 : i32
          %dma_start3A_281 = arith.constant 0 : i32
          %dma_start3A_282 = tpu.memref_slice %arg12[%dma_start3A_280, %dma_start3A_281] : memref<12x128xi32, #tpu.memory_space<vmem>> -> memref<6x128xi32, #tpu.memory_space<vmem>>
          %dma_start3A_283 = arith.constant 0 : i32
          %dma_start3A_284 = tpu.memref_slice %arg4[%add3A_202, %dma_start3A_283] : memref<25152x128xi32, #tpu.memory_space<hbm>> -> memref<6x128xi32, #tpu.memory_space<hbm>>
          tpu.enqueue_dma source(%dma_start3A_284 : memref<6x128xi32, #tpu.memory_space<hbm>>) target(%dma_start3A_282 : memref<6x128xi32, #tpu.memory_space<vmem>>) target_semaphore(%run_scoped3A : memref<!tpu.dma_semaphore, #tpu.memory_space<semaphore_mem>>)
          %dma_wait3A = arith.constant 6 : i32
          %dma_wait3A_285 = arith.constant 0 : i32
          %dma_wait3A_286 = tpu.memref_slice %arg12[%dma_wait3A, %dma_wait3A_285] : memref<12x128xi32, #tpu.memory_space<vmem>> -> memref<6x128xi32, #tpu.memory_space<vmem>>
          %dma_wait3A_287 = arith.constant 0 : i32
          %dma_wait3A_288 = tpu.memref_slice %arg4[%add3A_202, %dma_wait3A_287] : memref<25152x128xi32, #tpu.memory_space<hbm>> -> memref<6x128xi32, #tpu.memory_space<hbm>>
          %dma_wait3A_289 = arith.constant 6 : i32
          %dma_wait3A_290 = arith.constant 0 : i32
          %dma_wait3A_291 = tpu.memref_slice %arg12[%dma_wait3A_289, %dma_wait3A_290] : memref<12x128xi32, #tpu.memory_space<vmem>> -> memref<6x128xi32, #tpu.memory_space<vmem>>
          %dma_wait3A_292 = arith.constant 0 : i32
          %dma_wait3A_293 = tpu.memref_slice %arg4[%add3A_202, %dma_wait3A_292] : memref<25152x128xi32, #tpu.memory_space<hbm>> -> memref<6x128xi32, #tpu.memory_space<hbm>>
          tpu.wait_dma2 semaphore(%run_scoped3A : memref<!tpu.dma_semaphore, #tpu.memory_space<semaphore_mem>>) src(%dma_wait3A_293 : memref<6x128xi32, #tpu.memory_space<hbm>>) dst(%dma_wait3A_291 : memref<6x128xi32, #tpu.memory_space<vmem>>)
          tpu.yield
        }) : () -> ()
        %dma_start3A_203 = arith.constant 0 : i32
        %dma_start3A_204 = arith.constant 6 : i32
        %dma_start3A_205 = arith.constant 0 : i32
        %dma_start3A_206 = arith.constant 0 : i32
        %dma_start3A_207 = tpu.memref_slice %arg14[%dma_start3A_203, %dma_start3A_205, %dma_start3A_206] : memref<6x128x16xf32, #tpu.memory_space<vmem>> -> memref<1x128x16xf32, #tpu.memory_space<vmem>>
        %dma_start3A_208 = tpu.memref_squeeze %dma_start3A_207 : memref<1x128x16xf32, #tpu.memory_space<vmem>> -> memref<128x16xf32, #tpu.memory_space<vmem>>
        %dma_start3A_209 = arith.constant 0 : i32
        %dma_start3A_210 = tpu.memref_slice %arg12[%dma_start3A_204, %dma_start3A_209] : memref<12x128xi32, #tpu.memory_space<vmem>> -> memref<1x128xi32, #tpu.memory_space<vmem>>
        %dma_start3A_211 = tpu.memref_squeeze %dma_start3A_210 : memref<1x128xi32, #tpu.memory_space<vmem>> -> memref<128xi32, #tpu.memory_space<vmem>>
        %dma_start3A_212 = arith.constant 0 : i32
        %dma_start3A_213 = arith.constant 0 : i32
        %dma_start3A_214 = tpu.memref_slice %arg10[%dma_start3A_212, %dma_start3A_213] : memref<100096x16xf32, #tpu.memory_space<vmem_shared>> -> memref<100096x16xf32, #tpu.memory_space<vmem_shared>>
        tpu.enqueue_indirect_dma source(%dma_start3A_208 : memref<128x16xf32, #tpu.memory_space<vmem>>) target(%dma_start3A_214 : memref<100096x16xf32, #tpu.memory_space<vmem_shared>>) offsets(%dma_start3A_211 : memref<128xi32, #tpu.memory_space<vmem>>) semaphore(%arg19 : memref<!tpu.dma_semaphore, #tpu.memory_space<semaphore_mem>>) {add = true}
        %dma_start3A_215 = arith.constant 1 : i32
        %dma_start3A_216 = arith.constant 7 : i32
        %dma_start3A_217 = arith.constant 0 : i32
        %dma_start3A_218 = arith.constant 0 : i32
        %dma_start3A_219 = tpu.memref_slice %arg14[%dma_start3A_215, %dma_start3A_217, %dma_start3A_218] : memref<6x128x16xf32, #tpu.memory_space<vmem>> -> memref<1x128x16xf32, #tpu.memory_space<vmem>>
        %dma_start3A_220 = tpu.memref_squeeze %dma_start3A_219 : memref<1x128x16xf32, #tpu.memory_space<vmem>> -> memref<128x16xf32, #tpu.memory_space<vmem>>
        %dma_start3A_221 = arith.constant 0 : i32
        %dma_start3A_222 = tpu.memref_slice %arg12[%dma_start3A_216, %dma_start3A_221] : memref<12x128xi32, #tpu.memory_space<vmem>> -> memref<1x128xi32, #tpu.memory_space<vmem>>
        %dma_start3A_223 = tpu.memref_squeeze %dma_start3A_222 : memref<1x128xi32, #tpu.memory_space<vmem>> -> memref<128xi32, #tpu.memory_space<vmem>>
        %dma_start3A_224 = arith.constant 0 : i32
        %dma_start3A_225 = arith.constant 0 : i32
        %dma_start3A_226 = tpu.memref_slice %arg10[%dma_start3A_224, %dma_start3A_225] : memref<100096x16xf32, #tpu.memory_space<vmem_shared>> -> memref<100096x16xf32, #tpu.memory_space<vmem_shared>>
        tpu.enqueue_indirect_dma source(%dma_start3A_220 : memref<128x16xf32, #tpu.memory_space<vmem>>) target(%dma_start3A_226 : memref<100096x16xf32, #tpu.memory_space<vmem_shared>>) offsets(%dma_start3A_223 : memref<128xi32, #tpu.memory_space<vmem>>) semaphore(%arg19 : memref<!tpu.dma_semaphore, #tpu.memory_space<semaphore_mem>>) {add = true}
        %dma_start3A_227 = arith.constant 2 : i32
        %dma_start3A_228 = arith.constant 8 : i32
        %dma_start3A_229 = arith.constant 0 : i32
        %dma_start3A_230 = arith.constant 0 : i32
        %dma_start3A_231 = tpu.memref_slice %arg14[%dma_start3A_227, %dma_start3A_229, %dma_start3A_230] : memref<6x128x16xf32, #tpu.memory_space<vmem>> -> memref<1x128x16xf32, #tpu.memory_space<vmem>>
        %dma_start3A_232 = tpu.memref_squeeze %dma_start3A_231 : memref<1x128x16xf32, #tpu.memory_space<vmem>> -> memref<128x16xf32, #tpu.memory_space<vmem>>
        %dma_start3A_233 = arith.constant 0 : i32
        %dma_start3A_234 = tpu.memref_slice %arg12[%dma_start3A_228, %dma_start3A_233] : memref<12x128xi32, #tpu.memory_space<vmem>> -> memref<1x128xi32, #tpu.memory_space<vmem>>
        %dma_start3A_235 = tpu.memref_squeeze %dma_start3A_234 : memref<1x128xi32, #tpu.memory_space<vmem>> -> memref<128xi32, #tpu.memory_space<vmem>>
        %dma_start3A_236 = arith.constant 0 : i32
        %dma_start3A_237 = arith.constant 0 : i32
        %dma_start3A_238 = tpu.memref_slice %arg10[%dma_start3A_236, %dma_start3A_237] : memref<100096x16xf32, #tpu.memory_space<vmem_shared>> -> memref<100096x16xf32, #tpu.memory_space<vmem_shared>>
        tpu.enqueue_indirect_dma source(%dma_start3A_232 : memref<128x16xf32, #tpu.memory_space<vmem>>) target(%dma_start3A_238 : memref<100096x16xf32, #tpu.memory_space<vmem_shared>>) offsets(%dma_start3A_235 : memref<128xi32, #tpu.memory_space<vmem>>) semaphore(%arg19 : memref<!tpu.dma_semaphore, #tpu.memory_space<semaphore_mem>>) {add = true}
        %dma_start3A_239 = arith.constant 3 : i32
        %dma_start3A_240 = arith.constant 9 : i32
        %dma_start3A_241 = arith.constant 0 : i32
        %dma_start3A_242 = arith.constant 0 : i32
        %dma_start3A_243 = tpu.memref_slice %arg14[%dma_start3A_239, %dma_start3A_241, %dma_start3A_242] : memref<6x128x16xf32, #tpu.memory_space<vmem>> -> memref<1x128x16xf32, #tpu.memory_space<vmem>>
        %dma_start3A_244 = tpu.memref_squeeze %dma_start3A_243 : memref<1x128x16xf32, #tpu.memory_space<vmem>> -> memref<128x16xf32, #tpu.memory_space<vmem>>
        %dma_start3A_245 = arith.constant 0 : i32
        %dma_start3A_246 = tpu.memref_slice %arg12[%dma_start3A_240, %dma_start3A_245] : memref<12x128xi32, #tpu.memory_space<vmem>> -> memref<1x128xi32, #tpu.memory_space<vmem>>
        %dma_start3A_247 = tpu.memref_squeeze %dma_start3A_246 : memref<1x128xi32, #tpu.memory_space<vmem>> -> memref<128xi32, #tpu.memory_space<vmem>>
        %dma_start3A_248 = arith.constant 0 : i32
        %dma_start3A_249 = arith.constant 0 : i32
        %dma_start3A_250 = tpu.memref_slice %arg10[%dma_start3A_248, %dma_start3A_249] : memref<100096x16xf32, #tpu.memory_space<vmem_shared>> -> memref<100096x16xf32, #tpu.memory_space<vmem_shared>>
        tpu.enqueue_indirect_dma source(%dma_start3A_244 : memref<128x16xf32, #tpu.memory_space<vmem>>) target(%dma_start3A_250 : memref<100096x16xf32, #tpu.memory_space<vmem_shared>>) offsets(%dma_start3A_247 : memref<128xi32, #tpu.memory_space<vmem>>) semaphore(%arg19 : memref<!tpu.dma_semaphore, #tpu.memory_space<semaphore_mem>>) {add = true}
        %dma_start3A_251 = arith.constant 4 : i32
        %dma_start3A_252 = arith.constant 10 : i32
        %dma_start3A_253 = arith.constant 0 : i32
        %dma_start3A_254 = arith.constant 0 : i32
        %dma_start3A_255 = tpu.memref_slice %arg14[%dma_start3A_251, %dma_start3A_253, %dma_start3A_254] : memref<6x128x16xf32, #tpu.memory_space<vmem>> -> memref<1x128x16xf32, #tpu.memory_space<vmem>>
        %dma_start3A_256 = tpu.memref_squeeze %dma_start3A_255 : memref<1x128x16xf32, #tpu.memory_space<vmem>> -> memref<128x16xf32, #tpu.memory_space<vmem>>
        %dma_start3A_257 = arith.constant 0 : i32
        %dma_start3A_258 = tpu.memref_slice %arg12[%dma_start3A_252, %dma_start3A_257] : memref<12x128xi32, #tpu.memory_space<vmem>> -> memref<1x128xi32, #tpu.memory_space<vmem>>
        %dma_start3A_259 = tpu.memref_squeeze %dma_start3A_258 : memref<1x128xi32, #tpu.memory_space<vmem>> -> memref<128xi32, #tpu.memory_space<vmem>>
        %dma_start3A_260 = arith.constant 0 : i32
        %dma_start3A_261 = arith.constant 0 : i32
        %dma_start3A_262 = tpu.memref_slice %arg10[%dma_start3A_260, %dma_start3A_261] : memref<100096x16xf32, #tpu.memory_space<vmem_shared>> -> memref<100096x16xf32, #tpu.memory_space<vmem_shared>>
        tpu.enqueue_indirect_dma source(%dma_start3A_256 : memref<128x16xf32, #tpu.memory_space<vmem>>) target(%dma_start3A_262 : memref<100096x16xf32, #tpu.memory_space<vmem_shared>>) offsets(%dma_start3A_259 : memref<128xi32, #tpu.memory_space<vmem>>) semaphore(%arg19 : memref<!tpu.dma_semaphore, #tpu.memory_space<semaphore_mem>>) {add = true}
        %dma_start3A_263 = arith.constant 5 : i32
        %dma_start3A_264 = arith.constant 11 : i32
        %dma_start3A_265 = arith.constant 0 : i32
        %dma_start3A_266 = arith.constant 0 : i32
        %dma_start3A_267 = tpu.memref_slice %arg14[%dma_start3A_263, %dma_start3A_265, %dma_start3A_266] : memref<6x128x16xf32, #tpu.memory_space<vmem>> -> memref<1x128x16xf32, #tpu.memory_space<vmem>>
        %dma_start3A_268 = tpu.memref_squeeze %dma_start3A_267 : memref<1x128x16xf32, #tpu.memory_space<vmem>> -> memref<128x16xf32, #tpu.memory_space<vmem>>
        %dma_start3A_269 = arith.constant 0 : i32
        %dma_start3A_270 = tpu.memref_slice %arg12[%dma_start3A_264, %dma_start3A_269] : memref<12x128xi32, #tpu.memory_space<vmem>> -> memref<1x128xi32, #tpu.memory_space<vmem>>
        %dma_start3A_271 = tpu.memref_squeeze %dma_start3A_270 : memref<1x128xi32, #tpu.memory_space<vmem>> -> memref<128xi32, #tpu.memory_space<vmem>>
        %dma_start3A_272 = arith.constant 0 : i32
        %dma_start3A_273 = arith.constant 0 : i32
        %dma_start3A_274 = tpu.memref_slice %arg10[%dma_start3A_272, %dma_start3A_273] : memref<100096x16xf32, #tpu.memory_space<vmem_shared>> -> memref<100096x16xf32, #tpu.memory_space<vmem_shared>>
        tpu.enqueue_indirect_dma source(%dma_start3A_268 : memref<128x16xf32, #tpu.memory_space<vmem>>) target(%dma_start3A_274 : memref<100096x16xf32, #tpu.memory_space<vmem_shared>>) offsets(%dma_start3A_271 : memref<128xi32, #tpu.memory_space<vmem>>) semaphore(%arg19 : memref<!tpu.dma_semaphore, #tpu.memory_space<semaphore_mem>>) {add = true}
      } else {
      }
      %scan3A_128 = arith.constant 0 : i32
      scf.yield %scan3A_128 : i32
    }
    %scan3A_106 = arith.constant 131 : i32
    %convert_element_type3A_107 = arith.extui %eq3A_8 : i1 to i32
    %cond3A_108 = arith.constant 0 : i32
    %cond3A_109 = arith.cmpi ne, %convert_element_type3A_107, %cond3A_108 : i32
    scf.if %cond3A_109 {
      tpu.wait_dma2 semaphore(%arg16 : memref<!tpu.dma_semaphore, #tpu.memory_space<semaphore_mem>>) src(%arg8 : memref<6x128x16xf32, #tpu.memory_space<hbm>>) dst(%arg13 : memref<6x128x16xf32, #tpu.memory_space<vmem>>)
      tpu.wait_dma2 semaphore(%arg19 : memref<!tpu.dma_semaphore, #tpu.memory_space<semaphore_mem>>) src(%arg8 : memref<6x128x16xf32, #tpu.memory_space<hbm>>) dst(%arg14 : memref<6x128x16xf32, #tpu.memory_space<vmem>>)
    } else {
    }
    %convert_element_type3A_110 = arith.extui %not3A_9 : i1 to i32
    %cond3A_111 = arith.constant 0 : i32
    %cond3A_112 = arith.cmpi ne, %convert_element_type3A_110, %cond3A_111 : i32
    scf.if %cond3A_112 {
      tpu.wait_dma2 semaphore(%arg18 : memref<!tpu.dma_semaphore, #tpu.memory_space<semaphore_mem>>) src(%arg8 : memref<6x128x16xf32, #tpu.memory_space<hbm>>) dst(%arg13 : memref<6x128x16xf32, #tpu.memory_space<vmem>>)
      tpu.wait_dma2 semaphore(%arg19 : memref<!tpu.dma_semaphore, #tpu.memory_space<semaphore_mem>>) src(%arg8 : memref<6x128x16xf32, #tpu.memory_space<hbm>>) dst(%arg14 : memref<6x128x16xf32, #tpu.memory_space<vmem>>)
    } else {
    }
    %barrier3A_113 = arith.constant 0 : index
    tpu.barrier barrier_id(%barrier3A_113)
    %mul3A_114 = arith.constant 6256 : i32
    %mul3A_115 = arith.muli %arg1, %mul3A_114 : i32
    %mul3A_116 = arith.constant 6256 : i32
    %mul3A_117 = arith.muli %arg1, %mul3A_116 : i32
    "tpu.region"() ({
      %run_scoped3A = tpu.sem_alloc : memref<!tpu.dma_semaphore, #tpu.memory_space<semaphore_mem>>
      %dma_start3A_118 = arith.constant 0 : i32
      %dma_start3A_119 = tpu.memref_slice %arg9[%mul3A_117, %dma_start3A_118] : memref<100096x16xf32, #tpu.memory_space<hbm>> -> memref<6256x16xf32, #tpu.memory_space<hbm>>
      %dma_start3A_120 = arith.constant 0 : i32
      %dma_start3A_121 = tpu.memref_slice %arg10[%mul3A_115, %dma_start3A_120] : memref<100096x16xf32, #tpu.memory_space<vmem_shared>> -> memref<6256x16xf32, #tpu.memory_space<vmem_shared>>
      tpu.enqueue_dma source(%dma_start3A_121 : memref<6256x16xf32, #tpu.memory_space<vmem_shared>>) target(%dma_start3A_119 : memref<6256x16xf32, #tpu.memory_space<hbm>>) target_semaphore(%run_scoped3A : memref<!tpu.dma_semaphore, #tpu.memory_space<semaphore_mem>>)
      %dma_wait3A = arith.constant 0 : i32
      %dma_wait3A_122 = tpu.memref_slice %arg9[%mul3A_117, %dma_wait3A] : memref<100096x16xf32, #tpu.memory_space<hbm>> -> memref<6256x16xf32, #tpu.memory_space<hbm>>
      %dma_wait3A_123 = arith.constant 0 : i32
      %dma_wait3A_124 = tpu.memref_slice %arg10[%mul3A_115, %dma_wait3A_123] : memref<100096x16xf32, #tpu.memory_space<vmem_shared>> -> memref<6256x16xf32, #tpu.memory_space<vmem_shared>>
      tpu.wait_dma2 semaphore(%run_scoped3A : memref<!tpu.dma_semaphore, #tpu.memory_space<semaphore_mem>>) src(%dma_wait3A_124 : memref<6256x16xf32, #tpu.memory_space<vmem_shared>>) dst(%dma_wait3A_122 : memref<6256x16xf32, #tpu.memory_space<hbm>>)
      tpu.yield
    }) : () -> ()
    return
  }
}

module attributes {stable_mosaic.version = 14 : i64} {
  func.func @body(%arg0: i32, %arg1: memref<3128x16xf32, #tpu.memory_space<vmem>>, %arg2: memref<3128x16xf32, #tpu.memory_space<vmem>>, %arg3: memref<3128x16xf32, #tpu.memory_space<vmem>>, %arg4: memref<3128x16xf32, #tpu.memory_space<vmem>>) attributes {dimension_semantics = [#tpu.dimension_semantics<arbitrary>], iteration_bounds = array<i64: 32>, scalar_prefetch = 0 : i64, scratch_operands = 0 : i64, tpu.core_type = #tpu.core_type<tc>, window_params = [{transform_indices = @transform_0, window_bounds = array<i64: 3128, 16>}, {transform_indices = @transform_1, window_bounds = array<i64: 3128, 16>}, {transform_indices = @transform_2, window_bounds = array<i64: 3128, 16>}, {transform_indices = @transform_3, window_bounds = array<i64: 3128, 16>}]} {
    %get3A = arith.constant 0 : index
    %get3A_0 = arith.constant 0 : index
    %get3A_1 = vector.load %arg1[%get3A, %get3A_0] : memref<3128x16xf32, #tpu.memory_space<vmem>>, vector<3128x1xf32>
    %add3A = arith.constant 1.000000e+00 : f32
    %add3A_2 = vector.broadcast %add3A : f32 to vector<3128x1xf32>
    %add3A_3 = arith.addf %get3A_1, %add3A_2 : vector<3128x1xf32>
    %rsqrt3A = math.rsqrt %add3A_3 : vector<3128x1xf32>
    %broadcast_in_dim3A = vector.shape_cast %rsqrt3A : vector<3128x1xf32> to vector<3128x1xf32>
    %broadcast_in_dim3A_4 = vector.broadcast %broadcast_in_dim3A : vector<3128x1xf32> to vector<3128x16xf32>
    %swap3A = arith.constant 0 : index
    %swap3A_5 = arith.constant 0 : index
    %swap3A_6 = vector.load %arg3[%swap3A, %swap3A_5] : memref<3128x16xf32, #tpu.memory_space<vmem>>, vector<3128x16xf32>
    tpu.vector_store %arg3[%swap3A, %swap3A_5], %broadcast_in_dim3A_4 {strides = array<i32>} : memref<3128x16xf32, #tpu.memory_space<vmem>>, vector<3128x16xf32>,
    %get3A_7 = arith.constant 0 : index
    %get3A_8 = arith.constant 0 : index
    %get3A_9 = vector.load %arg2[%get3A_7, %get3A_8] : memref<3128x16xf32, #tpu.memory_space<vmem>>, vector<3128x16xf32>
    %mul3A = arith.mulf %broadcast_in_dim3A_4, %get3A_9 : vector<3128x16xf32>
    %swap3A_10 = arith.constant 0 : index
    %swap3A_11 = arith.constant 0 : index
    %swap3A_12 = vector.load %arg4[%swap3A_10, %swap3A_11] : memref<3128x16xf32, #tpu.memory_space<vmem>>, vector<3128x16xf32>
    tpu.vector_store %arg4[%swap3A_10, %swap3A_11], %mul3A {strides = array<i32>} : memref<3128x16xf32, #tpu.memory_space<vmem>>, vector<3128x16xf32>,
    return
  }
  func.func @transform_0(%arg0: i32) -> (i32, i32) {
    %c0_i32 = arith.constant 0 : i32
    %c0_i32_0 = arith.constant 0 : i32
    return %arg0, %c0_i32 : i32, i32
  }
  func.func @transform_1(%arg0: i32) -> (i32, i32) {
    %c0_i32 = arith.constant 0 : i32
    %c0_i32_0 = arith.constant 0 : i32
    return %arg0, %c0_i32 : i32, i32
  }
  func.func @transform_2(%arg0: i32) -> (i32, i32) {
    %c0_i32 = arith.constant 0 : i32
    %c0_i32_0 = arith.constant 0 : i32
    return %arg0, %c0_i32 : i32, i32
  }
  func.func @transform_3(%arg0: i32) -> (i32, i32) {
    %c0_i32 = arith.constant 0 : i32
    %c0_i32_0 = arith.constant 0 : i32
    return %arg0, %c0_i32 : i32, i32
  }
}

module attributes {stable_mosaic.version = 14 : i64} {
  func.func @body(%arg0: i32, %arg1: memref<3128x16xf32, #tpu.memory_space<vmem>>, %arg2: memref<3128x16xf32, #tpu.memory_space<vmem>>, %arg3: memref<3128x16xf32, #tpu.memory_space<vmem>>, %arg4: memref<16x32xf32, #tpu.memory_space<vmem>>, %arg5: memref<1x32xf32, #tpu.memory_space<vmem>>, %arg6: memref<3128x16xf32, #tpu.memory_space<vmem>>, %arg7: memref<3128x16xf32, #tpu.memory_space<vmem>>) attributes {dimension_semantics = [#tpu.dimension_semantics<arbitrary>], iteration_bounds = array<i64: 32>, scalar_prefetch = 0 : i64, scratch_operands = 0 : i64, tpu.core_type = #tpu.core_type<tc>, window_params = [{transform_indices = @transform_0, window_bounds = array<i64: 3128, 16>}, {transform_indices = @transform_1, window_bounds = array<i64: 3128, 16>}, {transform_indices = @transform_2, window_bounds = array<i64: 3128, 16>}, {pipeline_mode = #tpu.pipeline_mode<synchronous>, transform_indices = @transform_3, window_bounds = array<i64: 16, 32>}, {pipeline_mode = #tpu.pipeline_mode<synchronous>, transform_indices = @transform_4, window_bounds = array<i64: 1, 32>}, {transform_indices = @transform_5, window_bounds = array<i64: 3128, 16>}, {transform_indices = @transform_6, window_bounds = array<i64: 3128, 16>}]} {
    %get3A = arith.constant 0 : index
    %get3A_0 = arith.constant 0 : index
    %get3A_1 = vector.load %arg3[%get3A, %get3A_0] : memref<3128x16xf32, #tpu.memory_space<vmem>>, vector<3128x16xf32>
    %get3A_2 = arith.constant 0 : index
    %get3A_3 = arith.constant 0 : index
    %get3A_4 = vector.load %arg1[%get3A_2, %get3A_3] : memref<3128x16xf32, #tpu.memory_space<vmem>>, vector<3128x16xf32>
    %get3A_5 = arith.constant 0 : index
    %get3A_6 = arith.constant 0 : index
    %get3A_7 = vector.load %arg2[%get3A_5, %get3A_6] : memref<3128x16xf32, #tpu.memory_space<vmem>>, vector<3128x16xf32>
    %add3A = arith.addf %get3A_4, %get3A_7 : vector<3128x16xf32>
    %mul3A = arith.mulf %get3A_1, %add3A : vector<3128x16xf32>
    %get3A_8 = arith.constant 0 : index
    %get3A_9 = arith.constant 0 : index
    %get3A_10 = vector.load %arg4[%get3A_8, %get3A_9] : memref<16x32xf32, #tpu.memory_space<vmem>>, vector<16x32xf32>
    %dot_general3A = arith.constant dense<0.000000e+00> : vector<3128x32xf32>
    %dot_general3A_11 = tpu.matmul %mul3A, %get3A_10, %dot_general3A {dimension_numbers = #tpu.dot_dimension_numbers<[1], [0], [0], [1], [0, 0, 1, 1], [], []>, transpose_lhs_hint = false} : vector<3128x16xf32>, vector<16x32xf32>, vector<3128x32xf32> -> vector<3128x32xf32>
    %get3A_12 = arith.constant 0 : index
    %get3A_13 = arith.constant 0 : index
    %get3A_14 = vector.load %arg5[%get3A_12, %get3A_13] : memref<1x32xf32, #tpu.memory_space<vmem>>, vector<1x32xf32>
    %add3A_15 = vector.broadcast %get3A_14 : vector<1x32xf32> to vector<3128x32xf32>
    %add3A_16 = arith.addf %dot_general3A_11, %add3A_15 : vector<3128x32xf32>
    %max3A = arith.constant 0.000000e+00 : f32
    %max3A_17 = vector.broadcast %max3A : f32 to vector<3128x32xf32>
    %max3A_18 = arith.maximumf %add3A_16, %max3A_17 : vector<3128x32xf32>
    %get3A_19 = arith.constant 0 : index
    %get3A_20 = arith.constant 0 : index
    %get3A_21 = vector.load %arg3[%get3A_19, %get3A_20] : memref<3128x16xf32, #tpu.memory_space<vmem>>, vector<3128x16xf32>
    %slice3A = vector.extract_strided_slice %max3A_18 {offsets = [0, 0], sizes = [3128, 16], strides = [1, 1]} : vector<3128x32xf32> to vector<3128x16xf32>
    %mul3A_22 = arith.mulf %get3A_21, %slice3A : vector<3128x16xf32>
    %swap3A = arith.constant 0 : index
    %swap3A_23 = arith.constant 0 : index
    %swap3A_24 = vector.load %arg6[%swap3A, %swap3A_23] : memref<3128x16xf32, #tpu.memory_space<vmem>>, vector<3128x16xf32>
    tpu.vector_store %arg6[%swap3A, %swap3A_23], %mul3A_22 {strides = array<i32>} : memref<3128x16xf32, #tpu.memory_space<vmem>>, vector<3128x16xf32>,
    %get3A_25 = arith.constant 0 : index
    %get3A_26 = arith.constant 0 : index
    %get3A_27 = vector.load %arg3[%get3A_25, %get3A_26] : memref<3128x16xf32, #tpu.memory_space<vmem>>, vector<3128x16xf32>
    %slice3A_28 = vector.extract_strided_slice %max3A_18 {offsets = [0, 16], sizes = [3128, 16], strides = [1, 1]} : vector<3128x32xf32> to vector<3128x16xf32>
    %mul3A_29 = arith.mulf %get3A_27, %slice3A_28 : vector<3128x16xf32>
    %swap3A_30 = arith.constant 0 : index
    %swap3A_31 = arith.constant 0 : index
    %swap3A_32 = vector.load %arg7[%swap3A_30, %swap3A_31] : memref<3128x16xf32, #tpu.memory_space<vmem>>, vector<3128x16xf32>
    tpu.vector_store %arg7[%swap3A_30, %swap3A_31], %mul3A_29 {strides = array<i32>} : memref<3128x16xf32, #tpu.memory_space<vmem>>, vector<3128x16xf32>,
    return
  }
  func.func @transform_0(%arg0: i32) -> (i32, i32) {
    %c0_i32 = arith.constant 0 : i32
    %c0_i32_0 = arith.constant 0 : i32
    return %arg0, %c0_i32 : i32, i32
  }
  func.func @transform_1(%arg0: i32) -> (i32, i32) {
    %c0_i32 = arith.constant 0 : i32
    %c0_i32_0 = arith.constant 0 : i32
    return %arg0, %c0_i32 : i32, i32
  }
  func.func @transform_2(%arg0: i32) -> (i32, i32) {
    %c0_i32 = arith.constant 0 : i32
    %c0_i32_0 = arith.constant 0 : i32
    return %arg0, %c0_i32 : i32, i32
  }
  func.func @transform_3(%arg0: i32) -> (i32, i32) {
    %c0_i32 = arith.constant 0 : i32
    %c0_i32_0 = arith.constant 0 : i32
    %c0_i32_1 = arith.constant 0 : i32
    return %c0_i32, %c0_i32_0 : i32, i32
  }
  func.func @transform_4(%arg0: i32) -> (i32, i32) {
    %c0_i32 = arith.constant 0 : i32
    %c0_i32_0 = arith.constant 0 : i32
    %c0_i32_1 = arith.constant 0 : i32
    return %c0_i32, %c0_i32_0 : i32, i32
  }
  func.func @transform_5(%arg0: i32) -> (i32, i32) {
    %c0_i32 = arith.constant 0 : i32
    %c0_i32_0 = arith.constant 0 : i32
    return %arg0, %c0_i32 : i32, i32
  }
  func.func @transform_6(%arg0: i32) -> (i32, i32) {
    %c0_i32 = arith.constant 0 : i32
    %c0_i32_0 = arith.constant 0 : i32
    return %arg0, %c0_i32 : i32, i32
  }
}

module attributes {stable_mosaic.version = 14 : i64} {
  func.func @body(%arg0: i32, %arg1: memref<3128x16xf32, #tpu.memory_space<vmem>>, %arg2: memref<3128x16xf32, #tpu.memory_space<vmem>>, %arg3: memref<3128x16xf32, #tpu.memory_space<vmem>>, %arg4: memref<3128x16xf32, #tpu.memory_space<vmem>>, %arg5: memref<3128x16xf32, #tpu.memory_space<vmem>>, %arg6: memref<16x32xf32, #tpu.memory_space<vmem>>, %arg7: memref<16x32xf32, #tpu.memory_space<vmem>>, %arg8: memref<32x16xf32, #tpu.memory_space<vmem>>, %arg9: memref<1x32xf32, #tpu.memory_space<vmem>>, %arg10: memref<3128x16xf32, #tpu.memory_space<vmem>>) attributes {dimension_semantics = [#tpu.dimension_semantics<arbitrary>], iteration_bounds = array<i64: 32>, scalar_prefetch = 0 : i64, scratch_operands = 0 : i64, tpu.core_type = #tpu.core_type<tc>, window_params = [{transform_indices = @transform_0, window_bounds = array<i64: 3128, 16>}, {transform_indices = @transform_1, window_bounds = array<i64: 3128, 16>}, {transform_indices = @transform_2, window_bounds = array<i64: 3128, 16>}, {transform_indices = @transform_3, window_bounds = array<i64: 3128, 16>}, {transform_indices = @transform_4, window_bounds = array<i64: 3128, 16>}, {pipeline_mode = #tpu.pipeline_mode<synchronous>, transform_indices = @transform_5, window_bounds = array<i64: 16, 32>}, {pipeline_mode = #tpu.pipeline_mode<synchronous>, transform_indices = @transform_6, window_bounds = array<i64: 16, 32>}, {pipeline_mode = #tpu.pipeline_mode<synchronous>, transform_indices = @transform_7, window_bounds = array<i64: 32, 16>}, {pipeline_mode = #tpu.pipeline_mode<synchronous>, transform_indices = @transform_8, window_bounds = array<i64: 1, 32>}, {transform_indices = @transform_9, window_bounds = array<i64: 3128, 16>}]} {
    %get3A = arith.constant 0 : index
    %get3A_0 = arith.constant 0 : index
    %get3A_1 = vector.load %arg5[%get3A, %get3A_0] : memref<3128x16xf32, #tpu.memory_space<vmem>>, vector<3128x16xf32>
    %get3A_2 = arith.constant 0 : index
    %get3A_3 = arith.constant 0 : index
    %get3A_4 = vector.load %arg1[%get3A_2, %get3A_3] : memref<3128x16xf32, #tpu.memory_space<vmem>>, vector<3128x16xf32>
    %get3A_5 = arith.constant 0 : index
    %get3A_6 = arith.constant 0 : index
    %get3A_7 = vector.load %arg2[%get3A_5, %get3A_6] : memref<3128x16xf32, #tpu.memory_space<vmem>>, vector<3128x16xf32>
    %add3A = arith.addf %get3A_4, %get3A_7 : vector<3128x16xf32>
    %mul3A = arith.mulf %get3A_1, %add3A : vector<3128x16xf32>
    %get3A_8 = arith.constant 0 : index
    %get3A_9 = arith.constant 0 : index
    %get3A_10 = vector.load %arg5[%get3A_8, %get3A_9] : memref<3128x16xf32, #tpu.memory_space<vmem>>, vector<3128x16xf32>
    %get3A_11 = arith.constant 0 : index
    %get3A_12 = arith.constant 0 : index
    %get3A_13 = vector.load %arg3[%get3A_11, %get3A_12] : memref<3128x16xf32, #tpu.memory_space<vmem>>, vector<3128x16xf32>
    %get3A_14 = arith.constant 0 : index
    %get3A_15 = arith.constant 0 : index
    %get3A_16 = vector.load %arg4[%get3A_14, %get3A_15] : memref<3128x16xf32, #tpu.memory_space<vmem>>, vector<3128x16xf32>
    %add3A_17 = arith.addf %get3A_13, %get3A_16 : vector<3128x16xf32>
    %mul3A_18 = arith.mulf %get3A_10, %add3A_17 : vector<3128x16xf32>
    %get3A_19 = arith.constant 0 : index
    %get3A_20 = arith.constant 0 : index
    %get3A_21 = vector.load %arg6[%get3A_19, %get3A_20] : memref<16x32xf32, #tpu.memory_space<vmem>>, vector<16x32xf32>
    %dot_general3A = arith.constant dense<0.000000e+00> : vector<3128x32xf32>
    %dot_general3A_22 = tpu.matmul %mul3A, %get3A_21, %dot_general3A {dimension_numbers = #tpu.dot_dimension_numbers<[1], [0], [0], [1], [0, 0, 1, 1], [], []>, transpose_lhs_hint = false} : vector<3128x16xf32>, vector<16x32xf32>, vector<3128x32xf32> -> vector<3128x32xf32>
    %get3A_23 = arith.constant 0 : index
    %get3A_24 = arith.constant 0 : index
    %get3A_25 = vector.load %arg7[%get3A_23, %get3A_24] : memref<16x32xf32, #tpu.memory_space<vmem>>, vector<16x32xf32>
    %dot_general3A_26 = arith.constant dense<0.000000e+00> : vector<3128x32xf32>
    %dot_general3A_27 = tpu.matmul %mul3A_18, %get3A_25, %dot_general3A_26 {dimension_numbers = #tpu.dot_dimension_numbers<[1], [0], [0], [1], [0, 0, 1, 1], [], []>, transpose_lhs_hint = false} : vector<3128x16xf32>, vector<16x32xf32>, vector<3128x32xf32> -> vector<3128x32xf32>
    %add3A_28 = arith.addf %dot_general3A_22, %dot_general3A_27 : vector<3128x32xf32>
    %get3A_29 = arith.constant 0 : index
    %get3A_30 = arith.constant 0 : index
    %get3A_31 = vector.load %arg9[%get3A_29, %get3A_30] : memref<1x32xf32, #tpu.memory_space<vmem>>, vector<1x32xf32>
    %add3A_32 = vector.broadcast %get3A_31 : vector<1x32xf32> to vector<3128x32xf32>
    %add3A_33 = arith.addf %add3A_28, %add3A_32 : vector<3128x32xf32>
    %max3A = arith.constant 0.000000e+00 : f32
    %max3A_34 = vector.broadcast %max3A : f32 to vector<3128x32xf32>
    %max3A_35 = arith.maximumf %add3A_33, %max3A_34 : vector<3128x32xf32>
    %get3A_36 = arith.constant 0 : index
    %get3A_37 = arith.constant 0 : index
    %get3A_38 = vector.load %arg5[%get3A_36, %get3A_37] : memref<3128x16xf32, #tpu.memory_space<vmem>>, vector<3128x16xf32>
    %get3A_39 = arith.constant 0 : index
    %get3A_40 = arith.constant 0 : index
    %get3A_41 = vector.load %arg8[%get3A_39, %get3A_40] : memref<32x16xf32, #tpu.memory_space<vmem>>, vector<32x16xf32>
    %dot_general3A_42 = arith.constant dense<0.000000e+00> : vector<3128x16xf32>
    %dot_general3A_43 = tpu.matmul %max3A_35, %get3A_41, %dot_general3A_42 {dimension_numbers = #tpu.dot_dimension_numbers<[1], [0], [0], [1], [0, 0, 1, 1], [], []>, transpose_lhs_hint = false} : vector<3128x32xf32>, vector<32x16xf32>, vector<3128x16xf32> -> vector<3128x16xf32>
    %mul3A_44 = arith.mulf %get3A_38, %dot_general3A_43 : vector<3128x16xf32>
    %swap3A = arith.constant 0 : index
    %swap3A_45 = arith.constant 0 : index
    %swap3A_46 = vector.load %arg10[%swap3A, %swap3A_45] : memref<3128x16xf32, #tpu.memory_space<vmem>>, vector<3128x16xf32>
    tpu.vector_store %arg10[%swap3A, %swap3A_45], %mul3A_44 {strides = array<i32>} : memref<3128x16xf32, #tpu.memory_space<vmem>>, vector<3128x16xf32>,
    return
  }
  func.func @transform_0(%arg0: i32) -> (i32, i32) {
    %c0_i32 = arith.constant 0 : i32
    %c0_i32_0 = arith.constant 0 : i32
    return %arg0, %c0_i32 : i32, i32
  }
  func.func @transform_1(%arg0: i32) -> (i32, i32) {
    %c0_i32 = arith.constant 0 : i32
    %c0_i32_0 = arith.constant 0 : i32
    return %arg0, %c0_i32 : i32, i32
  }
  func.func @transform_2(%arg0: i32) -> (i32, i32) {
    %c0_i32 = arith.constant 0 : i32
    %c0_i32_0 = arith.constant 0 : i32
    return %arg0, %c0_i32 : i32, i32
  }
  func.func @transform_3(%arg0: i32) -> (i32, i32) {
    %c0_i32 = arith.constant 0 : i32
    %c0_i32_0 = arith.constant 0 : i32
    return %arg0, %c0_i32 : i32, i32
  }
  func.func @transform_4(%arg0: i32) -> (i32, i32) {
    %c0_i32 = arith.constant 0 : i32
    %c0_i32_0 = arith.constant 0 : i32
    return %arg0, %c0_i32 : i32, i32
  }
  func.func @transform_5(%arg0: i32) -> (i32, i32) {
    %c0_i32 = arith.constant 0 : i32
    %c0_i32_0 = arith.constant 0 : i32
    %c0_i32_1 = arith.constant 0 : i32
    return %c0_i32, %c0_i32_0 : i32, i32
  }
  func.func @transform_6(%arg0: i32) -> (i32, i32) {
    %c0_i32 = arith.constant 0 : i32
    %c0_i32_0 = arith.constant 0 : i32
    %c0_i32_1 = arith.constant 0 : i32
    return %c0_i32, %c0_i32_0 : i32, i32
  }
  func.func @transform_7(%arg0: i32) -> (i32, i32) {
    %c0_i32 = arith.constant 0 : i32
    %c0_i32_0 = arith.constant 0 : i32
    %c0_i32_1 = arith.constant 0 : i32
    return %c0_i32, %c0_i32_0 : i32, i32
  }
  func.func @transform_8(%arg0: i32) -> (i32, i32) {
    %c0_i32 = arith.constant 0 : i32
    %c0_i32_0 = arith.constant 0 : i32
    %c0_i32_1 = arith.constant 0 : i32
    return %c0_i32, %c0_i32_0 : i32, i32
  }
  func.func @transform_9(%arg0: i32) -> (i32, i32) {
    %c0_i32 = arith.constant 0 : i32
    %c0_i32_0 = arith.constant 0 : i32
    return %arg0, %c0_i32 : i32, i32
  }
}

module attributes {stable_mosaic.version = 14 : i64} {
  func.func @body(%arg0: i32, %arg1: memref<3128x16xf32, #tpu.memory_space<vmem>>, %arg2: memref<3128x16xf32, #tpu.memory_space<vmem>>, %arg3: memref<3128x16xf32, #tpu.memory_space<vmem>>, %arg4: memref<1x16xf32, #tpu.memory_space<vmem>>, %arg5: memref<3128x16xf32, #tpu.memory_space<vmem>>) attributes {dimension_semantics = [#tpu.dimension_semantics<arbitrary>], iteration_bounds = array<i64: 32>, scalar_prefetch = 0 : i64, scratch_operands = 0 : i64, tpu.core_type = #tpu.core_type<tc>, window_params = [{transform_indices = @transform_0, window_bounds = array<i64: 3128, 16>}, {transform_indices = @transform_1, window_bounds = array<i64: 3128, 16>}, {transform_indices = @transform_2, window_bounds = array<i64: 3128, 16>}, {pipeline_mode = #tpu.pipeline_mode<synchronous>, transform_indices = @transform_3, window_bounds = array<i64: 1, 16>}, {transform_indices = @transform_4, window_bounds = array<i64: 3128, 16>}]} {
    %get3A = arith.constant 0 : index
    %get3A_0 = arith.constant 0 : index
    %get3A_1 = vector.load %arg3[%get3A, %get3A_0] : memref<3128x16xf32, #tpu.memory_space<vmem>>, vector<3128x16xf32>
    %get3A_2 = arith.constant 0 : index
    %get3A_3 = arith.constant 0 : index
    %get3A_4 = vector.load %arg1[%get3A_2, %get3A_3] : memref<3128x16xf32, #tpu.memory_space<vmem>>, vector<3128x16xf32>
    %get3A_5 = arith.constant 0 : index
    %get3A_6 = arith.constant 0 : index
    %get3A_7 = vector.load %arg2[%get3A_5, %get3A_6] : memref<3128x16xf32, #tpu.memory_space<vmem>>, vector<3128x16xf32>
    %add3A = arith.addf %get3A_4, %get3A_7 : vector<3128x16xf32>
    %mul3A = arith.mulf %get3A_1, %add3A : vector<3128x16xf32>
    %get3A_8 = arith.constant 0 : index
    %get3A_9 = arith.constant 0 : index
    %get3A_10 = vector.load %arg4[%get3A_8, %get3A_9] : memref<1x16xf32, #tpu.memory_space<vmem>>, vector<1x16xf32>
    %add3A_11 = vector.broadcast %get3A_10 : vector<1x16xf32> to vector<3128x16xf32>
    %add3A_12 = arith.addf %mul3A, %add3A_11 : vector<3128x16xf32>
    %swap3A = arith.constant 0 : index
    %swap3A_13 = arith.constant 0 : index
    %swap3A_14 = vector.load %arg5[%swap3A, %swap3A_13] : memref<3128x16xf32, #tpu.memory_space<vmem>>, vector<3128x16xf32>
    tpu.vector_store %arg5[%swap3A, %swap3A_13], %add3A_12 {strides = array<i32>} : memref<3128x16xf32, #tpu.memory_space<vmem>>, vector<3128x16xf32>,
    return
  }
  func.func @transform_0(%arg0: i32) -> (i32, i32) {
    %c0_i32 = arith.constant 0 : i32
    %c0_i32_0 = arith.constant 0 : i32
    return %arg0, %c0_i32 : i32, i32
  }
  func.func @transform_1(%arg0: i32) -> (i32, i32) {
    %c0_i32 = arith.constant 0 : i32
    %c0_i32_0 = arith.constant 0 : i32
    return %arg0, %c0_i32 : i32, i32
  }
  func.func @transform_2(%arg0: i32) -> (i32, i32) {
    %c0_i32 = arith.constant 0 : i32
    %c0_i32_0 = arith.constant 0 : i32
    return %arg0, %c0_i32 : i32, i32
  }
  func.func @transform_3(%arg0: i32) -> (i32, i32) {
    %c0_i32 = arith.constant 0 : i32
    %c0_i32_0 = arith.constant 0 : i32
    %c0_i32_1 = arith.constant 0 : i32
    return %c0_i32, %c0_i32_0 : i32, i32
  }
  func.func @transform_4(%arg0: i32) -> (i32, i32) {
    %c0_i32 = arith.constant 0 : i32
    %c0_i32_0 = arith.constant 0 : i32
    return %arg0, %c0_i32 : i32, i32
  }
}

</mosaic_0001>

<sc_bundles>
// kernel: closed_call.30.cloned.1.call-start
scs
__scs_entry_jumppad:
0x0: {  	(pc) =	sbr.rel $0x88, $3  }
0x1: {  	(tag) =	ssettag $0x0;
	lr =	simm.s32 $0x1  }
0x2: {  	[smem:$0x3F99] =	sst lr;
	_ =	strace $0xD0000000  }
0x3: {  	_ = 	snop  }
0x4: {  	_ = 	snop  }
0x5: {  	_ = 	snop  }
0x6: {  	_ = 	snop  }
0x7: {  	_ = 	snop  }
__scs_overlays_trampoline_lowered:
0x8: {  	[smem:$0x3FA8] =	sst s0  }
0x9: {  	[smem:$0x3FA9] =	sst s1  }
0xa: {  	[smem:$0x3FAA] =	sst s2  }
0xb: {  	[smem:$0x3FAB] =	sst s3  }
0xc: {  	[smem:$0x3FAC] =	sst s4  }
0xd: {  	[smem:$0x3FAD] =	sst s5  }
0xe: {  	[smem:$0x3FAE] =	sst s6  }
0xf: {  	[smem:$0x3FAF] =	sst s7  }
0x10: {  	[smem:$0x3FB0] =	sst s8  }
0x11: {  	[smem:$0x3FB1] =	sst s9;
	s0 =	simm.s32 @!p0 $0x0  }
0x12: {  	s1 =	sld [smem:$0x3F97];
	s0 =	simm.s32 @p0 $0x1  }
0x13: {  	[smem:$0x3FB2] =	sst s0;
	s0 =	simm.s32 @!p1 $0x0  }
0x14: {  	s2 =	sld [smem:$0x3F96];
	s0 =	simm.s32 @p1 $0x1  }
0x15: {  	[smem:$0x3FB3] =	sst s0;
	s0 =	simm.s32 @!p2 $0x0  }
0x16: {  	s3 =	sld [smem:$0x3FDB];
	s0 =	simm.s32 @p2 $0x1  }
0x17: {  	s4 =	simm.s32 $0x1BF5;
	[smem:$0x3FB5] =	sst s0  }
0x18: {  	s0 =	sld [smem:$0x3F98];
	_ =	swait.ge [sflag:s4], $0x0  }
0x19: {  	s7 =	sld [smem:$0x3F99]  }
0x1a: {  	s8 =	sadd.s32 $0xFFFFE003, lr  }
0x1b: {  	s9 =	sadd.s32 $0xFFFFFEF7, lr;
	s5 =	simm.s32 $0xFFFFFFFF;
	p2 =	slt.u32 s8, $0xFFFFF086  }
0x1c: {  	p1 =	slt.u32 s9, $0xF7A;
	s5 =	simm.s32 @!p2 $0x0  }
0x1d: {  	s5 =	simm.s32 @p1 $0x1;
	p0 =	seq.s32 s7, s2  }
0x1e: {  	s7 =	smul.u32 @!p0 $0xF7A, s2;
	p2 =	seq.s32 @!p0 s5, $0x0  }
0x1f: {  	s9 =	smul.u32 $0xF7A, s1;
	s8 =	simm.s32 @!p0 $0x1BF5;
	p2 =	por !p2, p0  }
0x20: {  	[sflag:s8] =	ssyncset.s32 @!p0 $0xFFFFF086;
	s6 =	sadd.s32 @!p0 s3, s7;
	s7 =	simm.s32 @!p0 $0x108  }
0x21: {  	s3 =	sadd.s32 s3, s9;
	s6 =	sadd.s32 @!p0 $0x88, s6;
	s7 =	simm.s32 @p2 $0x1082  }
0x22: {  	[simem:s7], [sflag:s8] =	dma.local @!p0 [hbm:s6], $0xF7A  }
0x23: {  	s9 =	sor.u32 $0xD0000000, s2;
	s6 =	simm.s32 $0x108;
	_ =	swait.ge @!p0 [sflag:s8], $0x0  }
0x24: {  	s3 =	sadd.s32 $0x88, s3;
	s6 =	simm.s32 @!p1 $0x1082;
	[sflag:s4] =	ssyncset.s32 $0xFFFFF086  }
0x25: {  	[simem:s6], [sflag:s4] =	dma.local [hbm:s3], $0xF7A  }
0x26: {  	[smem:$0x3F99] =	sst s1;
	(tag) =	ssettag s2;
	_ =	strace s9  }
0x27: {  	s1 =	sld [smem:$0x3FA9]  }
0x28: {  	s2 =	sld [smem:$0x3FAA]  }
0x29: {  	s4 =	sld [smem:$0x3FAC]  }
0x2a: {  	p0 =	seq.s32 s5, $0x0;
	s5 =	sld [smem:$0x3FAD]  }
0x2b: {  	s6 =	sld [smem:$0x3FAE]  }
0x2c: {  	s7 =	sld [smem:$0x3FAF]  }
0x2d: {  	s3 =	simm.s32 $0x108;
	s8 =	sld [smem:$0x3FB0]  }
0x2e: {  	s3 =	simm.s32 @!p0 $0x1082;
	s9 =	sld [smem:$0x3FB1]  }
0x2f: {  	lr =	sadd.s32 s0, s3;
	s0 =	sld [smem:$0x3FA8]  }
0x30: {  	s3 =	sld [smem:$0x3FAB]  }
0x31: {  	[smem:$0x3FB4] =	sst s10  }
0x32: {  	s10 =	sld [smem:$0x3FB2];
	_ =	sdelay $0x3  }
0x33: {  	p0 =	seq.s32 s10, $0x1;
	s10 =	sld [smem:$0x3FB4];
	_ =	sdelay $0x3  }
0x34: {  	[smem:$0x3FB4] =	sst s10  }
0x35: {  	s10 =	sld [smem:$0x3FB3];
	_ =	sdelay $0x3  }
0x36: {  	p1 =	seq.s32 s10, $0x1;
	s10 =	sld [smem:$0x3FB4];
	_ =	sdelay $0x3  }
0x37: {  	[smem:$0x3FB4] =	sst s10  }
0x38: {  	s10 =	sld [smem:$0x3FB5]  }
0x39: {  	_ = 	snop;
	(pc) =	sbr.ind lr, $3  }
0x3a: {  	_ = 	snop  }
0x3b: {  	_ = 	snop  }
0x3c: {  	p2 =	seq.s32 s10, $0x1;
	s10 =	sld [smem:$0x3FB4]  }
0x3d: {  	_ =	shalt  }
0x3e: {  	_ =	shalt  }
0x3f: {  	_ =	shalt  }
0x40: {  	_ =	shalt  }
0x41: {  	_ =	shalt  }
0x42: {  	_ =	shalt  }
0x43: {  	_ =	shalt  }
0x44: {  	_ =	shalt  }
0x45: {  	_ =	shalt  }
0x46: {  	_ =	shalt  }
0x47: {  	_ =	shalt  }
0x48: {  	_ =	shalt  }
0x49: {  	_ =	shalt  }
0x4a: {  	_ =	shalt  }
0x4b: {  	_ =	shalt  }
0x4c: {  	_ =	shalt  }
0x4d: {  	_ =	shalt  }
0x4e: {  	_ =	shalt  }
0x4f: {  	_ =	shalt  }
0x50: {  	_ =	shalt  }
0x51: {  	_ =	shalt  }
0x52: {  	_ =	shalt  }
0x53: {  	_ =	shalt  }
0x54: {  	_ =	shalt  }
0x55: {  	_ =	shalt  }
0x56: {  	_ =	shalt  }
0x57: {  	_ =	shalt  }
0x58: {  	_ =	shalt  }
0x59: {  	_ =	shalt  }
0x5a: {  	_ =	shalt  }
0x5b: {  	_ =	shalt  }
0x5c: {  	_ =	shalt  }
0x5d: {  	_ =	shalt  }
0x5e: {  	_ =	shalt  }
0x5f: {  	_ =	shalt  }
0x60: {  	_ =	shalt  }
0x61: {  	_ =	shalt  }
0x62: {  	_ =	shalt  }
0x63: {  	_ =	shalt  }
0x64: {  	_ =	shalt  }
0x65: {  	_ =	shalt  }
0x66: {  	_ =	shalt  }
0x67: {  	_ =	shalt  }
0x68: {  	_ =	shalt  }
0x69: {  	_ =	shalt  }
0x6a: {  	_ =	shalt  }
0x6b: {  	_ =	shalt  }
0x6c: {  	_ =	shalt  }
0x6d: {  	_ =	shalt  }
0x6e: {  	_ =	shalt  }
0x6f: {  	_ =	shalt  }
0x70: {  	_ =	shalt  }
0x71: {  	_ =	shalt  }
0x72: {  	_ =	shalt  }
0x73: {  	_ =	shalt  }
0x74: {  	_ =	shalt  }
0x75: {  	_ =	shalt  }
0x76: {  	_ =	shalt  }
0x77: {  	_ =	shalt  }
0x78: {  	_ =	shalt  }
0x79: {  	_ =	shalt  }
0x7a: {  	_ =	shalt  }
0x7b: {  	_ =	shalt  }
0x7c: {  	_ =	shalt  }
0x7d: {  	_ =	shalt  }
0x7e: {  	_ =	shalt  }
0x7f: {  	_ =	shalt  }
0x80: {  	_ =	shalt  }
0x81: {  	_ =	shalt  }
0x82: {  	_ =	shalt  }
0x83: {  	_ =	shalt  }
0x84: {  	_ =	shalt  }
0x85: {  	_ =	shalt  }
0x86: {  	_ =	shalt  }
0x87: {  	_ =	shalt  }
.Lfunc_end0:
.L_simem_size_0:
called_computation_lowered:
.L_overlay_start_0:
0x88: {  	s0 =	sld [smem:$0x3FD9]  }
0x89: {  	s1 =	sld [smem:$0x3FFE];
	_ =	sdelay $0x3  }
0x8a: {  	s0 =	sadd.s32 s1, s0  }
0x8b: {  	[smem:$0x3FC0] =	sst s0  }
0x8c: {  	_ = 	snop  }
0x8d: {  	(tm) =	ssettm $0x1  }
0x8e: {  	s15 =	sld [smem:$0x3FFB];
	_ =	sdelay $0x3  }
0x8f: {  	_ =	strace s15  }
0x90: {  	s0 =	sld [smem:$0x3FFC];
	_ =	sdelay $0x3  }
0x91: {  	_ =	strace s0  }
0x92: {  	s0 =	sld [smem:$0x3FFD];
	_ =	sdelay $0x3  }
0x93: {  	_ =	strace s0  }
0x94: {  	_ =	strace $0x8FFFFFFF  }
0x95: {  	s16 =	sld [smem:$0x3FDB];
	_ =	sdelay $0x1  }
0x96: {  	s17 =	simm.s32 $_scs_section_size  }
0x97: {  	s2 =	simm.s32 $_size__tile_overlayer_lowered;
	s3 =	simm.s32 $_tile_overlayer_lowered  }
0x98: {  	s20 =	simm.s32 $0x1BFF;
	s19 =	sshll.u32 s3, $0x1;
	s0 =	sadd.s32 s17, s16  }
0x99: {  	s4 =	simm.s32 $0x0;
	s18 =	sshll.u32 s2, $0x1;
	s2 =	sadd.s32 s19, s0  }
0x9a: {  	[timem:s4], [sflag:s20] =	dma.local [hbm:s2], s18  }
0x9b: {  	_ =	swait.ge [sflag:s20], s18  }
0x9c: {  	s1 =	ssub.s32 $0x0, s18;
	[sflag:s20] =	ssyncset.done $0x0  }
0x9d: {  	[sflag:s20] =	ssyncadd.s32 s1;
	_ =	sdelay $0x1  }
0x9e: {  	s21 =	simm.s32 $0x1B8B  }
0x9f: {  	_ =	swait.ge [sflag:s21], $0x1  }
0xa0: {  	[sflag:s21] =	ssyncset.done $0x0  }
0xa1: {  	s23 =	simm.s32 $0x1B8E;
	s22 =	sld [smem:$0x3FFE];
	[sflag:s21] =	ssyncadd.s32 $0xFFFFFFFF  }
0xa2: {  	s24 =	simm.s32 $execute0_lowered;
	[smem:$0x3FD2] =	sst s23  }
0xa3: {  	s2 =	sshll.u32 s24, $0x1;
	_ =	strace $0x80000046;
	[dreg:$0x1] =	wrdreg $0xFFFFFFFF  }
0xa4: {  	s25 =	simm.s32 $_size_execute0_lowered;
	s0 =	sadd.s32 s0, s2;
	[dreg:$0x0] =	wrdreg $0x0  }
0xa5: {  	s2 =	sshll.u32 s25, $0x1;
	[dreg:$0x2] =	wrdreg s0  }
0xa6: {  	[dreg:$0x3] =	wrdreg s2  }
0xa7: {  	[dreg:$0x4] =	wrdreg $0xC0  }
0xa8: {  	_ =	task [dreg:s4], $0x5FFFF  }
0xa9: {  	[dreg:$0x1] =	wrdreg $0xFFFFFFFF  }
0xaa: {  	[dreg:$0x0] =	wrdreg $0x60  }
0xab: {  	[dreg:$0x2] =	wrdreg s22  }
0xac: {  	[dreg:$0x3] =	wrdreg $0x0  }
0xad: {  	[dreg:$0x4] =	wrdreg $0x9  }
0xae: {  	_ =	task.clear_ibuf [dreg:s4], $0x5FFFF;
	_ =	strace $0x90000046  }
0xaf: {  	s26 =	simm.s32 $0x9;
	_ =	strace $0x80000048  }
0xb0: {  	_ =	swait.ge [sflag:s26], $0x1  }
0xb1: {  	[sflag:s26] =	ssyncadd.s32 $0xFFFFFFFF  }
0xb2: {  	_ =	strace $0x90000048  }
0xb3: {  	_ =	sfence  }
0xb4: {  	s28 =	sld [smem:$0x0];
	_ =	sdelay $0x1  }
0xb5: {  	s29 =	srdreg.scid  }
0xb6: {  	s30 =	sshll.u32 s29, $0xD;
	s31 =	sshrl.u32 s29, $0x2  }
0xb7: {  	s1 =	sand.u32 $0x1, s29;
	s2 =	sand.u32 $0x4000, s30;
	s0 =	sadd.s32 s31, s28  }
0xb8: {  	s1 =	sor.u32 s2, s1;
	s0 =	sshll.u32 s0, $0x11  }
0xb9: {  	s0 =	sor.u32 s0, s1  }
0xba: {  	s0 =	sadd.s32 $0x8F2B, s0  }
0xbb: {  	[sflag:s0] =	ssyncadd.remote.s32 $0x1  }
0xbc: {  	_ =	sfence.sel $0xFFFF  }
0xbd: {  	[dreg:$0x0] =	wrdreg $0xFFFFFFFF;
	(pc) =	sbr.abs _section_cstart, $3  }
0xbe: {  	[dreg:$0x1] =	wrdreg $0xFFFFFFFF  }
0xbf: {  	_ =	task.clear_ibuf [dreg:s4], $0x2FFFF;
	_ =	strace $0x9FFFFFFF  }
0xc0: {  	(tm) =	ssettm $0x7FFFFFFF  }
0xc1: {  	_ =	shalt  }
tec
execute0_lowered:
.L_overlay_start_1:
0x0: {  	(tag) =	ssettag $0x1  }
0x1: {  	s0 =	rddreg [dreg:$0x0]  }
0x2: {  	s2 =	rddreg [dreg:$0x1];
	s1 =	simm.s32 $0x0  }
0x3: {  	s4 =	simm.s32 $0x1F300;
	[smem:$0x7FF] =	sst s1  }
0x4: {  	s5 =	simm.s32 $0x5;
	s3 =	sadd.s32 $0x7A7C00, s0;
	_ =	strace $0x80000047  }
0x5: {  	[tilespmem:s4], [sflag:$0x5] =	stream.linear.gather [hbm4b:s3+s1], $0x10, $0x38;
	[tilespmem:$0x1F310] =	vst v63  }
0x6: {  	_ =	swait.ge [sflag:s5], $0x10  }
0x7: {  	[sflag:s5] =	ssyncset.done $0x0  }
0x8: {  	[sflag:s5] =	ssyncadd.s32 $0xFFFFFFF0  }
0x9: {  	v0 =	vld [tilespmem:$0x1F300];
	_ =	sdelay $0x4  }
0xa: {  	v0 =	vxor.u32 $0x80000000, v0  }
0xb: {  	(xrf0) =	vmax.scan.msk.u32 $0xffff, v0;
	_ =	sdelay $0x5  }
0xc: {  	v0, _, _ =	vpop (xrf0)  }
0xd: {  	(v2sf) =	vpush v0, $0xF;
	_ =	sdelay $0x9  }
0xe: {  	s8 =	stileid.u32  }
0xf: {  	s25 =	smul.u32 $0x18700, s8  }
0x10: {  	s7 =	sshll.u32 s8, $0x6  }
0x11: {  	s7 =	sor.u32 $0x1C05, s7;
	s26 =	sshrl.u32 s25, $0x3;
	s4 =	sadd.s32 s25, s2  }
0x12: {  	s3 =	sadd.s32 s26, s0;
	s4 =	sshrl.u32 s4, $0x3;
	[dreg:$0x3] =	wrdreg s7  }
0x13: {  	s6 =	sadd.s32 $0x7A7E00, s3;
	[dreg:$0x4] =	wrdreg s4;
	s10 =	spop (v2sf)  }
0x14: {  	[spmem:s4], [sflag:s7] =	dma.local [hbm:s6], $0x30E0  }
0x15: {  	p0 =	seq.s32 s10, $0x80000001;
	_ =	swait.ge [sflag:s5], $0x30E0  }
0x16: {  	s4 =	sadd.s32 $0x776C00, s0;
	s7 =	simm.s32 @!p0 $0x0;
	[sflag:s5] =	ssyncset.done $0x0  }
0x17: {  	s6 =	simm.s32 @!p0 $0x5;
	[sflag:s5] =	ssyncadd.s32 $0xFFFFCF20;
	s5 =	simm.s32 @!p0 $0x19300  }
0x18: {  	[tilespmem:s5], [sflag:$0x5] =	stream.linear.gather @!p0 [hbm4b:s4+s7], $0x800, $0x38;
	[tilespmem:$0x1F310] =	vst v63  }
0x19: {  	_ =	swait.ge @!p0 [sflag:s6], $0x800  }
0x1a: {  	[sflag:s6] =	ssyncset.done @!p0 $0x0  }
0x1b: {  	s5 =	simm.s32 @!p0 $0x1C300;
	[sflag:s6] =	ssyncadd.s32 @!p0 $0xFFFFF800  }
0x1c: {  	[tilespmem:s5], [sflag:$0x5] =	stream.linear.gather @!p0 [hbm4b:s4+s7], $0x800, $0x38;
	[tilespmem:$0x1F310] =	vst v63  }
0x1d: {  	_ =	swait.ge @!p0 [sflag:s6], $0x800  }
0x1e: {  	[sflag:s6] =	ssyncset.done @!p0 $0x0  }
0x1f: {  	s5 =	simm.s32 @!p0 $0x19B00;
	[sflag:s6] =	ssyncadd.s32 @!p0 $0xFFFFF800  }
0x20: {  	[tilespmem:s5], [sflag:$0x5] =	stream.linear.gather @!p0 [hbm4b:s4+s7], $0x800, $0x38;
	[tilespmem:$0x1F310] =	vst v63  }
0x21: {  	_ =	swait.ge @!p0 [sflag:s6], $0x800  }
0x22: {  	[sflag:s6] =	ssyncset.done @!p0 $0x0  }
0x23: {  	s5 =	simm.s32 @!p0 $0x1CB00;
	[sflag:s6] =	ssyncadd.s32 @!p0 $0xFFFFF800  }
0x24: {  	[tilespmem:s5], [sflag:$0x5] =	stream.linear.gather @!p0 [hbm4b:s4+s7], $0x800, $0x38;
	[tilespmem:$0x1F310] =	vst v63  }
0x25: {  	_ =	swait.ge @!p0 [sflag:s6], $0x800  }
0x26: {  	[sflag:s6] =	ssyncset.done @!p0 $0x0  }
0x27: {  	s5 =	simm.s32 @!p0 $0x1A300;
	[sflag:s6] =	ssyncadd.s32 @!p0 $0xFFFFF800  }
0x28: {  	[tilespmem:s5], [sflag:$0x5] =	stream.linear.gather @!p0 [hbm4b:s4+s7], $0x800, $0x38;
	[tilespmem:$0x1F310] =	vst v63  }
0x29: {  	_ =	swait.ge @!p0 [sflag:s6], $0x800  }
0x2a: {  	[sflag:s6] =	ssyncset.done @!p0 $0x0  }
0x2b: {  	s5 =	simm.s32 @!p0 $0x1D300;
	[sflag:s6] =	ssyncadd.s32 @!p0 $0xFFFFF800  }
0x2c: {  	[tilespmem:s5], [sflag:$0x5] =	stream.linear.gather @!p0 [hbm4b:s4+s7], $0x800, $0x38;
	[tilespmem:$0x1F310] =	vst v63  }
0x2d: {  	_ =	swait.ge @!p0 [sflag:s6], $0x800  }
0x2e: {  	[sflag:s6] =	ssyncset.done @!p0 $0x0  }
0x2f: {  	s5 =	simm.s32 @!p0 $0x1AB00;
	[sflag:s6] =	ssyncadd.s32 @!p0 $0xFFFFF800  }
0x30: {  	[tilespmem:s5], [sflag:$0x5] =	stream.linear.gather @!p0 [hbm4b:s4+s7], $0x800, $0x38;
	[tilespmem:$0x1F310] =	vst v63  }
0x31: {  	_ =	swait.ge @!p0 [sflag:s6], $0x800  }
0x32: {  	[sflag:s6] =	ssyncset.done @!p0 $0x0  }
0x33: {  	s5 =	simm.s32 @!p0 $0x1DB00;
	[sflag:s6] =	ssyncadd.s32 @!p0 $0xFFFFF800  }
0x34: {  	[tilespmem:s5], [sflag:$0x5] =	stream.linear.gather @!p0 [hbm4b:s4+s7], $0x800, $0x38;
	[tilespmem:$0x1F310] =	vst v63  }
0x35: {  	_ =	swait.ge @!p0 [sflag:s6], $0x800  }
0x36: {  	[sflag:s6] =	ssyncset.done @!p0 $0x0  }
0x37: {  	s5 =	simm.s32 @!p0 $0x1B300;
	[sflag:s6] =	ssyncadd.s32 @!p0 $0xFFFFF800  }
0x38: {  	[tilespmem:s5], [sflag:$0x5] =	stream.linear.gather @!p0 [hbm4b:s4+s7], $0x800, $0x38;
	[tilespmem:$0x1F310] =	vst v63  }
0x39: {  	_ =	swait.ge @!p0 [sflag:s6], $0x800  }
0x3a: {  	[sflag:s6] =	ssyncset.done @!p0 $0x0  }
0x3b: {  	s5 =	simm.s32 @!p0 $0x1E300;
	[sflag:s6] =	ssyncadd.s32 @!p0 $0xFFFFF800  }
0x3c: {  	[tilespmem:s5], [sflag:$0x5] =	stream.linear.gather @!p0 [hbm4b:s4+s7], $0x800, $0x38;
	[tilespmem:$0x1F310] =	vst v63  }
0x3d: {  	s9 =	sadd.s32 $0x96A00, s0;
	_ =	swait.ge @!p0 [sflag:s6], $0x800  }
0x3e: {  	s11 =	sadd.s32 $0x34600, s0;
	s28 =	smul.u32 $0x624, s8;
	[sflag:s6] =	ssyncset.done @!p0 $0x0  }
0x3f: {  	s29 =	sand.u32 $0xE00, s1;
	s5 =	simm.s32 @!p0 $0x1BB00;
	[sflag:s6] =	ssyncadd.s32 @!p0 $0xFFFFF800  }
0x40: {  	[tilespmem:s5], [sflag:$0x5] =	stream.linear.gather @!p0 [hbm4b:s4+s7], $0x800, $0x38;
	[tilespmem:$0x1F310] =	vst v63  }
0x41: {  	s5 =	sadd.s32 $0x776E00, s0;
	_ =	swait.ge @!p0 [sflag:s6], $0x800;
	[dreg:$0x8] =	wrdreg s28  }
0x42: {  	s0 =	smul.u32 $0x6240, s8;
	[dreg:$0x5] =	wrdreg s9;
	[sflag:s6] =	ssyncset.done @!p0 $0x0  }
0x43: {  	s8 =	simm.s32 @!p0 $0x1EB00;
	[dreg:$0x6] =	wrdreg s11;
	[sflag:s6] =	ssyncadd.s32 @!p0 $0xFFFFF800  }
0x44: {  	[tilespmem:s8], [sflag:$0x5] =	stream.linear.gather @!p0 [hbm4b:s4+s7], $0x800, $0x38;
	[tilespmem:$0x1F310] =	vst v63  }
0x45: {  	s30 =	sand.u32 $0x70, s1;
	s31 =	sshrl.u32 s29, $0x2;
	_ =	swait.ge @!p0 [sflag:s6], $0x800  }
0x46: {  	s3 =	sadd.s32 $0x7D8C00, s3;
	s7 =	sadd.s32 s9, s0;
	[sflag:s6] =	ssyncset.done @!p0 $0x0  }
0x47: {  	s4 =	sadd.s32 s11, s0;
	[dreg:$0x7] =	wrdreg s3;
	[sflag:s6] =	ssyncadd.s32 @!p0 $0xFFFFF800  }
0x48: {  	v0 =	vimm.s32 $0x186F8;
	s3 =	simm.s32 $0x40;
	s6 =	sor.u32 s30, s31;
	[bflag:$0x0] =	sbarrier.arrive $0xFFFF  }
.LBB2_1:
0x49: {  	p1 =	sne.s32 s3, $0xBC0  }
0x4a: {  	[tilespmem:s6+$0x19000] =	vst v0;
	s1 =	sadd.s32 $0x10, s1;
	s6 =	smov.u32 s3;
	s3 =	sadd.s32 $0x40, s3  }
.Ltmp0:
0x4b: {  	(pc) =	sbr.rel @p1 .LBB2_1-.Ltmp0, $4  }
0x4c: {  	_ = 	snop  }
0x4d: {  	s6 =	sand.u32 $0xE00, s6  }
0x4e: {  	s8 =	sand.u32 $0x70, s1;
	s6 =	sshrl.u32 s6, $0x2  }
0x4f: {  	s6 =	sor.u32 s8, s6  }
0x50: {  	[tilespmem:s6+$0x19000] =	vst v0;
	s1 =	simm.s32 $0x80;
	s3 =	simm.s32 $0x19000;
	s20 =	simm.s32 $0x1C300  }
0x51: {  	[spmem:s2] =	stream.indirect.scatter.add.f32 [tilespmem:s20], [sflag:$0x4], $0x10, s3, s1, $0xb8;
	[tilespmem:$0x1F310] =	vst v63  }
0x52: {  	s21 =	simm.s32 $0x19080;
	s22 =	simm.s32 $0x1CB00  }
0x53: {  	[spmem:s2] =	stream.indirect.scatter.add.f32 [tilespmem:s22], [sflag:$0x4], $0x10, s21, s1, $0xb8;
	[tilespmem:$0x1F310] =	vst v63  }
0x54: {  	s23 =	simm.s32 $0x19100;
	s24 =	simm.s32 $0x1D300  }
0x55: {  	[spmem:s2] =	stream.indirect.scatter.add.f32 [tilespmem:s24], [sflag:$0x4], $0x10, s23, s1, $0xb8;
	[tilespmem:$0x1F310] =	vst v63  }
0x56: {  	s25 =	simm.s32 $0x19180;
	s26 =	simm.s32 $0x1DB00  }
0x57: {  	[spmem:s2] =	stream.indirect.scatter.add.f32 [tilespmem:s26], [sflag:$0x4], $0x10, s25, s1, $0xb8;
	[tilespmem:$0x1F310] =	vst v63  }
.Ltmp1:
0x58: {  	_ = 	snop;
	(pc) =	sbr.rel @!p0 .LBB2_3-.Ltmp1, $4  }
0x59: {  	s28 =	simm.s32 $0x19200;
	s29 =	simm.s32 $0x1E300  }
0x5a: {  	[spmem:s2] =	stream.indirect.scatter.add.f32 [tilespmem:s29], [sflag:$0x4], $0x10, s28, s1, $0xb8;
	[tilespmem:$0x1F310] =	vst v63  }
0x5b: {  	s30 =	simm.s32 $0x19280;
	s31 =	simm.s32 $0x1EB00  }
0x5c: {  	[spmem:s2] =	stream.indirect.scatter.add.f32 [tilespmem:s31], [sflag:$0x4], $0x10, s30, s1, $0xb8;
	[tilespmem:$0x1F310] =	vst v63  }
0x5d: {  	s3 =	simm.s32 $0x0;
	s6 =	simm.s32 $0x18700;
	s19 =	simm.s32 $0x5  }
0x5e: {  	[tilespmem:s6], [sflag:$0x5] =	stream.linear.gather [hbm4b:s7+s3], $0x300, $0x38;
	[tilespmem:$0x1F310] =	vst v63  }
0x5f: {  	_ =	swait.ge [sflag:s19], $0x300  }
0x60: {  	[sflag:s19] =	ssyncset.done $0x0  }
0x61: {  	s8 =	simm.s32 $0x18D00;
	[sflag:s19] =	ssyncadd.s32 $0xFFFFFD00  }
0x62: {  	[tilespmem:s8], [sflag:$0x5] =	stream.linear.gather [hbm4b:s4+s3], $0x300, $0x38;
	[tilespmem:$0x1F310] =	vst v63  }
0x63: {  	_ =	swait.ge [sflag:s19], $0x300  }
0x64: {  	[sflag:s19] =	ssyncset.done $0x0  }
0x65: {  	s20 =	simm.s32 $0x19300;
	[sflag:s19] =	ssyncadd.s32 $0xFFFFFD00  }
0x66: {  	[tilespmem:s20], [sflag:$0x1] =	stream.indirect.gather [hbm4b:s5+s1], $0x10, s6, s1, $0xb8;
	[tilespmem:$0x1F310] =	vst v63  }
0x67: {  	s21 =	simm.s32 $0x18780;
	s22 =	simm.s32 $0x19B00  }
0x68: {  	[tilespmem:s22], [sflag:$0x1] =	stream.indirect.gather [hbm4b:s5+s1], $0x10, s21, s1, $0xb8;
	[tilespmem:$0x1F310] =	vst v63  }
0x69: {  	s23 =	simm.s32 $0x18800;
	s24 =	simm.s32 $0x1A300  }
0x6a: {  	[tilespmem:s24], [sflag:$0x1] =	stream.indirect.gather [hbm4b:s5+s1], $0x10, s23, s1, $0xb8;
	[tilespmem:$0x1F310] =	vst v63  }
0x6b: {  	s25 =	simm.s32 $0x18880;
	s26 =	simm.s32 $0x1AB00  }
0x6c: {  	[tilespmem:s26], [sflag:$0x1] =	stream.indirect.gather [hbm4b:s5+s1], $0x10, s25, s1, $0xb8;
	[tilespmem:$0x1F310] =	vst v63  }
.Ltmp2:
0x6d: {  	_ = 	snop;
	(pc) =	sbr.rel .LBB2_7-.Ltmp2, $4  }
0x6e: {  	s28 =	simm.s32 $0x18900;
	s29 =	simm.s32 $0x1B300  }
0x6f: {  	[tilespmem:s29], [sflag:$0x1] =	stream.indirect.gather [hbm4b:s5+s1], $0x10, s28, s1, $0xb8;
	[tilespmem:$0x1F310] =	vst v63  }
0x70: {  	s30 =	simm.s32 $0x18980;
	s31 =	simm.s32 $0x1BB00  }
0x71: {  	[tilespmem:s31], [sflag:$0x1] =	stream.indirect.gather [hbm4b:s5+s1], $0x10, s30, s1, $0xb8;
	[tilespmem:$0x1F310] =	vst v63  }
.LBB2_3:
0x72: {  	s1 =	simm.s32 $0x0  }
0x73: {  	s3 =	sand.u32 $0xE00, s1  }
0x74: {  	s4 =	sand.u32 $0x70, s1;
	s6 =	sshrl.u32 s3, $0x2  }
0x75: {  	v0 =	vimm.s32 $0x186F8;
	s3 =	simm.s32 $0x40;
	s4 =	sor.u32 s4, s6  }
.LBB2_4:
0x76: {  	p0 =	sne.s32 s3, $0xBC0  }
0x77: {  	[tilespmem:s4+$0x18D00] =	vst v0;
	s1 =	sadd.s32 $0x10, s1;
	s4 =	smov.u32 s3;
	s3 =	sadd.s32 $0x40, s3  }
.Ltmp3:
0x78: {  	(pc) =	sbr.rel @p0 .LBB2_4-.Ltmp3, $4  }
0x79: {  	_ = 	snop  }
0x7a: {  	s4 =	sand.u32 $0xE00, s4  }
0x7b: {  	s6 =	sand.u32 $0x70, s1;
	s4 =	sshrl.u32 s4, $0x2  }
0x7c: {  	s4 =	sor.u32 s6, s4  }
0x7d: {  	[tilespmem:s4+$0x18D00] =	vst v0;
	s1 =	simm.s32 $0x80;
	s3 =	simm.s32 $0x18D00;
	s20 =	simm.s32 $0x19300  }
0x7e: {  	[spmem:s2] =	stream.indirect.scatter.add.f32 [tilespmem:s20], [sflag:$0x3], $0x10, s3, s1, $0xb8;
	[tilespmem:$0x1F310] =	vst v63  }
0x7f: {  	s21 =	simm.s32 $0x18D80;
	s22 =	simm.s32 $0x19B00  }
0x80: {  	[spmem:s2] =	stream.indirect.scatter.add.f32 [tilespmem:s22], [sflag:$0x3], $0x10, s21, s1, $0xb8;
	[tilespmem:$0x1F310] =	vst v63  }
0x81: {  	s23 =	simm.s32 $0x18E00;
	s24 =	simm.s32 $0x1A300  }
0x82: {  	[spmem:s2] =	stream.indirect.scatter.add.f32 [tilespmem:s24], [sflag:$0x3], $0x10, s23, s1, $0xb8;
	[tilespmem:$0x1F310] =	vst v63  }
0x83: {  	s25 =	simm.s32 $0x18E80;
	s26 =	simm.s32 $0x1AB00  }
0x84: {  	[spmem:s2] =	stream.indirect.scatter.add.f32 [tilespmem:s26], [sflag:$0x3], $0x10, s25, s1, $0xb8;
	[tilespmem:$0x1F310] =	vst v63  }
0x85: {  	s28 =	simm.s32 $0x18F00;
	s29 =	simm.s32 $0x1B300  }
0x86: {  	[spmem:s2] =	stream.indirect.scatter.add.f32 [tilespmem:s29], [sflag:$0x3], $0x10, s28, s1, $0xb8;
	[tilespmem:$0x1F310] =	vst v63  }
0x87: {  	s30 =	simm.s32 $0x18F80;
	s31 =	simm.s32 $0x1BB00  }
0x88: {  	[spmem:s2] =	stream.indirect.scatter.add.f32 [tilespmem:s31], [sflag:$0x3], $0x10, s30, s1, $0xb8;
	[tilespmem:$0x1F310] =	vst v63  }
.LBB2_7:
0x89: {  	s1 =	rddreg [dreg:$0x5]  }
0x8a: {  	s29 =	rddreg [dreg:$0x6]  }
0x8b: {  	s13 =	simm.s32 $0x0;
	s14 =	simm.s32 $0x82;
	s15 =	simm.s32 $0xC  }
0x8c: {  	p0 =	sne.s32 s10, $0x80000001;
	s21 =	simm.s32 $0x18A00;
	s17 =	simm.s32 $0x5  }
0x8d: {  	s19 =	simm.s32 $0x80;
	s23 =	simm.s32 $0x19300;
	s25 =	simm.s32 $0x19B00  }
0x8e: {  	s28 =	simm.s32 $0x1A300;
	s30 =	simm.s32 $0x1AB00;
	s8 =	simm.s32 $0x1B300  }
.Ltmp4:
0x8f: {  	s3 =	simm.s32 $0x1BB00;
	s9 =	simm.s32 $0x1C300;
	(pc) =	sbr.rel .LBB2_8-.Ltmp4, $4  }
0x90: {  	s4 =	simm.s32 $0x1CB00;
	s6 =	simm.s32 $0x1D300;
	s7 =	simm.s32 $0x1DB00  }
0x91: {  	s22 =	simm.s32 $0x1E300;
	s24 =	simm.s32 $0x1EB00;
	s18 =	simm.s32 $0x18700  }
0x92: {  	s10 =	simm.s32 $0x19080;
	s31 =	simm.s32 $0x0;
	s20 =	simm.s32 $0x18700  }
0x93: {  	s11 =	sadd.s32 s0, s1;
	s12 =	sadd.s32 s0, s29;
	s1 =	simm.s32 $0x4  }
.LBB2_11:
0x94: {  	s14 =	sadd.s32 $0xFFFFFFFF, s14  }
0x95: {  	s15 =	sadd.s32 $0xC, s15;
	s11 =	sadd.s32 $0xC0, s11;
	s12 =	sadd.s32 $0xC0, s12  }
.LBB2_8:
.Ltmp5:
0x96: {  	(pc) =	sbr.rel @p0 .LBB2_12-.Ltmp5, $2  }
0x97: {  	_ =	sdelay $0x2  }
0x98: {  	s29 =	sadd.s32 $0x60, s11  }
0x99: {  	_ =	swait.ge [sflag:s1], $0x3000  }
0x9a: {  	[sflag:s1] =	ssyncset.done $0x0  }
0x9b: {  	s16 =	simm.s32 $0x18A00;
	[sflag:s1] =	ssyncadd.s32 $0xFFFFD000  }
0x9c: {  	[tilespmem:s16], [sflag:$0x5] =	stream.linear.gather [hbm4b:s29+s13], $0x300, $0x38;
	[tilespmem:$0x1F310] =	vst v63  }
0x9d: {  	_ =	swait.ge [sflag:s17], $0x300  }
0x9e: {  	[sflag:s17] =	ssyncset.done $0x0  }
0x9f: {  	s26 =	sadd.s32 $0x60, s12;
	s6 =	simm.s32 $0x19000;
	[sflag:s17] =	ssyncadd.s32 $0xFFFFFD00  }
0xa0: {  	[tilespmem:s6], [sflag:$0x5] =	stream.linear.gather [hbm4b:s26+s13], $0x300, $0x38;
	[tilespmem:$0x1F310] =	vst v63  }
0xa1: {  	_ =	swait.ge [sflag:s17], $0x300  }
0xa2: {  	[sflag:s17] =	ssyncset.done $0x0  }
0xa3: {  	s26 =	simm.s32 $0x1;
	[sflag:s17] =	ssyncadd.s32 $0xFFFFFD00  }
0xa4: {  	_ =	swait.ge [sflag:s26], $0x3000  }
0xa5: {  	[sflag:s26] =	ssyncset.done $0x0  }
0xa6: {  	s25 =	simm.s32 $0x19300;
	s10 =	simm.s32 $0x18D00;
	[sflag:s26] =	ssyncadd.s32 $0xFFFFD000  }
0xa7: {  	[spmem:s2] =	stream.indirect.scatter.add.f32 [tilespmem:s25], [sflag:$0x3], $0x10, s10, s19, $0xb8;
	[tilespmem:$0x1F310] =	vst v63  }
0xa8: {  	s21 =	simm.s32 $0x18D80;
	s28 =	simm.s32 $0x19B00  }
0xa9: {  	[spmem:s2] =	stream.indirect.scatter.add.f32 [tilespmem:s28], [sflag:$0x3], $0x10, s21, s19, $0xb8;
	[tilespmem:$0x1F310] =	vst v63  }
0xaa: {  	s7 =	simm.s32 $0x18E00;
	s30 =	simm.s32 $0x1A300  }
0xab: {  	[spmem:s2] =	stream.indirect.scatter.add.f32 [tilespmem:s30], [sflag:$0x3], $0x10, s7, s19, $0xb8;
	[tilespmem:$0x1F310] =	vst v63  }
0xac: {  	s8 =	simm.s32 $0x18E80;
	s0 =	simm.s32 $0x1AB00  }
0xad: {  	[spmem:s2] =	stream.indirect.scatter.add.f32 [tilespmem:s0], [sflag:$0x3], $0x10, s8, s19, $0xb8;
	[tilespmem:$0x1F310] =	vst v63  }
0xae: {  	s9 =	simm.s32 $0x18F00;
	s3 =	simm.s32 $0x1B300  }
0xaf: {  	[spmem:s2] =	stream.indirect.scatter.add.f32 [tilespmem:s3], [sflag:$0x3], $0x10, s9, s19, $0xb8;
	[tilespmem:$0x1F310] =	vst v63  }
0xb0: {  	s1 =	simm.s32 $0x1BB00;
	s8 =	simm.s32 $0x18F80  }
0xb1: {  	[spmem:s2] =	stream.indirect.scatter.add.f32 [tilespmem:s1], [sflag:$0x3], $0x10, s8, s19, $0xb8;
	[tilespmem:$0x1F310] =	vst v63  }
0xb2: {  	s8 =	simm.s32 $0x1C300  }
0xb3: {  	[tilespmem:s8], [sflag:$0x2] =	stream.indirect.gather [hbm4b:s5+s19], $0x10, s16, s19, $0xb8;
	[tilespmem:$0x1F310] =	vst v63  }
0xb4: {  	s23 =	simm.s32 $0x1CB00;
	s9 =	simm.s32 $0x18A80  }
0xb5: {  	[tilespmem:s23], [sflag:$0x2] =	stream.indirect.gather [hbm4b:s5+s19], $0x10, s9, s19, $0xb8;
	[tilespmem:$0x1F310] =	vst v63  }
0xb6: {  	s4 =	simm.s32 $0x18B00;
	s7 =	simm.s32 $0x1D300  }
0xb7: {  	[tilespmem:s7], [sflag:$0x2] =	stream.indirect.gather [hbm4b:s5+s19], $0x10, s4, s19, $0xb8;
	[tilespmem:$0x1F310] =	vst v63  }
0xb8: {  	s22 =	simm.s32 $0x1DB00;
	s16 =	simm.s32 $0x18B80  }
0xb9: {  	[tilespmem:s22], [sflag:$0x2] =	stream.indirect.gather [hbm4b:s5+s19], $0x10, s16, s19, $0xb8;
	[tilespmem:$0x1F310] =	vst v63  }
0xba: {  	s18 =	simm.s32 $0x18C00;
	s24 =	simm.s32 $0x1E300  }
0xbb: {  	[tilespmem:s24], [sflag:$0x2] =	stream.indirect.gather [hbm4b:s5+s19], $0x10, s18, s19, $0xb8;
	[tilespmem:$0x1F310] =	vst v63  }
0xbc: {  	s29 =	simm.s32 $0x18C80;
	s18 =	simm.s32 $0x1EB00  }
0xbd: {  	[tilespmem:s18], [sflag:$0x2] =	stream.indirect.gather [hbm4b:s5+s19], $0x10, s29, s19, $0xb8;
	[tilespmem:$0x1F310] =	vst v63  }
0xbe: {  	p1 =	seq.s32 s14, $0x0;
	s29 =	smov.u32 s15  }
0xbf: {  	s9 =	rddreg [dreg:$0x8];
	s29 =	simm.s32 @p1 $0x0  }
0xc0: {  	s16 =	simm.s32 $0x3;
	s29 =	sadd.s32 s9, s29  }
0xc1: {  	_ =	swait.ge [sflag:s16], $0x3000;
	s29 =	sshll.u32 s29, $0x4  }
0xc2: {  	[sflag:s16] =	ssyncset.done $0x0;
	s4 =	rddreg [dreg:$0x5];
	s29 =	sand.u32 $0x1FFFFFC0, s29  }
0xc3: {  	[sflag:s16] =	ssyncadd.s32 $0xFFFFD000;
	s16 =	sadd.s32 s4, s29  }
0xc4: {  	[tilespmem:s20], [sflag:$0x5] =	stream.linear.gather [hbm4b:s16+s13], $0x300, $0x38;
	[tilespmem:$0x1F310] =	vst v63  }
0xc5: {  	_ =	swait.ge [sflag:s17], $0x300  }
0xc6: {  	[sflag:s17] =	ssyncset.done $0x0;
	s9 =	rddreg [dreg:$0x6]  }
0xc7: {  	[sflag:s17] =	ssyncadd.s32 $0xFFFFFD00;
	s16 =	sadd.s32 s9, s29  }
0xc8: {  	[tilespmem:s10], [sflag:$0x5] =	stream.linear.gather [hbm4b:s16+s13], $0x300, $0x38;
	[tilespmem:$0x1F310] =	vst v63  }
0xc9: {  	_ =	swait.ge [sflag:s17], $0x300  }
0xca: {  	[sflag:s17] =	ssyncset.done $0x0  }
0xcb: {  	s16 =	simm.s32 $0x2;
	[sflag:s17] =	ssyncadd.s32 $0xFFFFFD00  }
0xcc: {  	_ =	swait.ge [sflag:s16], $0x3000  }
0xcd: {  	[sflag:s16] =	ssyncset.done $0x0  }
0xce: {  	[sflag:s16] =	ssyncadd.s32 $0xFFFFD000  }
0xcf: {  	[spmem:s2] =	stream.indirect.scatter.add.f32 [tilespmem:s8], [sflag:$0x4], $0x10, s6, s19, $0xb8;
	[tilespmem:$0x1F310] =	vst v63  }
0xd0: {  	s10 =	simm.s32 $0x19080  }
0xd1: {  	[spmem:s2] =	stream.indirect.scatter.add.f32 [tilespmem:s23], [sflag:$0x4], $0x10, s10, s19, $0xb8;
	[tilespmem:$0x1F310] =	vst v63  }
0xd2: {  	s23 =	simm.s32 $0x19100  }
0xd3: {  	[spmem:s2] =	stream.indirect.scatter.add.f32 [tilespmem:s7], [sflag:$0x4], $0x10, s23, s19, $0xb8;
	[tilespmem:$0x1F310] =	vst v63  }
0xd4: {  	s29 =	simm.s32 $0x19180  }
0xd5: {  	[spmem:s2] =	stream.indirect.scatter.add.f32 [tilespmem:s22], [sflag:$0x4], $0x10, s29, s19, $0xb8;
	[tilespmem:$0x1F310] =	vst v63  }
0xd6: {  	s16 =	simm.s32 $0x19200  }
0xd7: {  	[spmem:s2] =	stream.indirect.scatter.add.f32 [tilespmem:s24], [sflag:$0x4], $0x10, s16, s19, $0xb8;
	[tilespmem:$0x1F310] =	vst v63  }
0xd8: {  	s23 =	simm.s32 $0x19280  }
0xd9: {  	[spmem:s2] =	stream.indirect.scatter.add.f32 [tilespmem:s18], [sflag:$0x4], $0x10, s23, s19, $0xb8;
	[tilespmem:$0x1F310] =	vst v63  }
0xda: {  	s21 =	simm.s32 $0x18A00;
	s4 =	simm.s32 $0x1CB00;
	s9 =	simm.s32 $0x1C300  }
0xdb: {  	[tilespmem:s25], [sflag:$0x1] =	stream.indirect.gather [hbm4b:s5+s19], $0x10, s20, s19, $0xb8;
	[tilespmem:$0x1F310] =	vst v63  }
0xdc: {  	s6 =	simm.s32 $0x1D300;
	s8 =	simm.s32 $0x1B300;
	s29 =	simm.s32 $0x18780  }
0xdd: {  	[tilespmem:s28], [sflag:$0x1] =	stream.indirect.gather [hbm4b:s5+s19], $0x10, s29, s19, $0xb8;
	[tilespmem:$0x1F310] =	vst v63  }
0xde: {  	s7 =	simm.s32 $0x1DB00;
	s22 =	simm.s32 $0x1E300;
	s16 =	simm.s32 $0x18800  }
0xdf: {  	[tilespmem:s30], [sflag:$0x1] =	stream.indirect.gather [hbm4b:s5+s19], $0x10, s16, s19, $0xb8;
	[tilespmem:$0x1F310] =	vst v63  }
0xe0: {  	s24 =	simm.s32 $0x1EB00;
	s23 =	simm.s32 $0x19300;
	s29 =	simm.s32 $0x18880  }
0xe1: {  	[tilespmem:s0], [sflag:$0x1] =	stream.indirect.gather [hbm4b:s5+s19], $0x10, s29, s19, $0xb8;
	[tilespmem:$0x1F310] =	vst v63  }
.Ltmp6:
0xe2: {  	s18 =	simm.s32 $0x18700;
	s16 =	simm.s32 $0x18900;
	(pc) =	sbr.rel @p1 .LBB2_14-.Ltmp6, $4  }
0xe3: {  	[tilespmem:s3], [sflag:$0x1] =	stream.indirect.gather [hbm4b:s5+s19], $0x10, s16, s19, $0xb8;
	[tilespmem:$0x1F310] =	vst v63  }
0xe4: {  	s25 =	simm.s32 $0x19B00;
	s28 =	simm.s32 $0x1A300;
	s29 =	simm.s32 $0x18980  }
0xe5: {  	[tilespmem:s1], [sflag:$0x1] =	stream.indirect.gather [hbm4b:s5+s19], $0x10, s29, s19, $0xb8;
	[tilespmem:$0x1F310] =	vst v63  }
0xe6: {  	s30 =	simm.s32 $0x1AB00;
	s3 =	simm.s32 $0x1BB00;
	s1 =	simm.s32 $0x4  }
.Ltmp7:
0xe7: {  	(pc) =	sbr.rel .LBB2_11-.Ltmp7, $2  }
0xe8: {  	_ =	sdelay $0x2  }
0xe9: {  	s31 =	sadd.s32 $0x1, s31  }
.LBB2_12:
0xea: {  	s26 =	simm.s32 $0x3  }
0xeb: {  	_ =	swait.ge [sflag:s26], $0x3000  }
0xec: {  	[sflag:s26] =	ssyncset.done $0x0  }
0xed: {  	[sflag:s26] =	ssyncadd.s32 $0xFFFFD000  }
0xee: {  	[tilespmem:s18], [sflag:$0x5] =	stream.linear.gather [hbm4b:s11+s13], $0x300, $0x38;
	[tilespmem:$0x1F310] =	vst v63  }
0xef: {  	_ =	swait.ge [sflag:s17], $0x300  }
0xf0: {  	[sflag:s17] =	ssyncset.done $0x0  }
0xf1: {  	s0 =	simm.s32 $0x18D00;
	[sflag:s17] =	ssyncadd.s32 $0xFFFFFD00  }
0xf2: {  	[tilespmem:s0], [sflag:$0x5] =	stream.linear.gather [hbm4b:s12+s13], $0x300, $0x38;
	[tilespmem:$0x1F310] =	vst v63  }
0xf3: {  	_ =	swait.ge [sflag:s17], $0x300  }
0xf4: {  	[sflag:s17] =	ssyncset.done $0x0  }
0xf5: {  	[sflag:s17] =	ssyncadd.s32 $0xFFFFFD00  }
0xf6: {  	[spmem:s2] =	stream.indirect.scatter.add.f32 [tilespmem:s23], [sflag:$0x3], $0x10, s0, s19, $0xb8;
	[tilespmem:$0x1F310] =	vst v63  }
0xf7: {  	s16 =	simm.s32 $0x18D80  }
0xf8: {  	[spmem:s2] =	stream.indirect.scatter.add.f32 [tilespmem:s25], [sflag:$0x3], $0x10, s16, s19, $0xb8;
	[tilespmem:$0x1F310] =	vst v63  }
0xf9: {  	s0 =	simm.s32 $0x18E00  }
0xfa: {  	[spmem:s2] =	stream.indirect.scatter.add.f32 [tilespmem:s28], [sflag:$0x3], $0x10, s0, s19, $0xb8;
	[tilespmem:$0x1F310] =	vst v63  }
0xfb: {  	s0 =	simm.s32 $0x18E80  }
0xfc: {  	[spmem:s2] =	stream.indirect.scatter.add.f32 [tilespmem:s30], [sflag:$0x3], $0x10, s0, s19, $0xb8;
	[tilespmem:$0x1F310] =	vst v63  }
0xfd: {  	s16 =	simm.s32 $0x18F00  }
0xfe: {  	[spmem:s2] =	stream.indirect.scatter.add.f32 [tilespmem:s8], [sflag:$0x3], $0x10, s16, s19, $0xb8;
	[tilespmem:$0x1F310] =	vst v63  }
0xff: {  	s16 =	simm.s32 $0x18F80  }
0x100: {  	[spmem:s2] =	stream.indirect.scatter.add.f32 [tilespmem:s3], [sflag:$0x3], $0x10, s16, s19, $0xb8;
	[tilespmem:$0x1F310] =	vst v63  }
0x101: {  	_ =	swait.ge [sflag:s1], $0x3000  }
0x102: {  	[sflag:s1] =	ssyncset.done $0x0  }
0x103: {  	[sflag:s1] =	ssyncadd.s32 $0xFFFFD000  }
0x104: {  	[tilespmem:s21], [sflag:$0x5] =	stream.linear.gather [hbm4b:s29+s13], $0x300, $0x38;
	[tilespmem:$0x1F310] =	vst v63  }
0x105: {  	_ =	swait.ge [sflag:s17], $0x300  }
0x106: {  	[sflag:s17] =	ssyncset.done $0x0  }
0x107: {  	s0 =	sadd.s32 $0x60, s12;
	s29 =	simm.s32 $0x19000;
	[sflag:s17] =	ssyncadd.s32 $0xFFFFFD00  }
0x108: {  	[tilespmem:s29], [sflag:$0x5] =	stream.linear.gather [hbm4b:s0+s13], $0x300, $0x38;
	[tilespmem:$0x1F310] =	vst v63  }
0x109: {  	_ =	swait.ge [sflag:s17], $0x300  }
0x10a: {  	[sflag:s17] =	ssyncset.done $0x0  }
0x10b: {  	[sflag:s17] =	ssyncadd.s32 $0xFFFFFD00  }
0x10c: {  	[spmem:s2] =	stream.indirect.scatter.add.f32 [tilespmem:s9], [sflag:$0x4], $0x10, s29, s19, $0xb8;
	[tilespmem:$0x1F310] =	vst v63  }
0x10d: {  	_ = 	snop  }
0x10e: {  	[spmem:s2] =	stream.indirect.scatter.add.f32 [tilespmem:s4], [sflag:$0x4], $0x10, s10, s19, $0xb8;
	[tilespmem:$0x1F310] =	vst v63  }
0x10f: {  	s16 =	simm.s32 $0x19100  }
0x110: {  	[spmem:s2] =	stream.indirect.scatter.add.f32 [tilespmem:s6], [sflag:$0x4], $0x10, s16, s19, $0xb8;
	[tilespmem:$0x1F310] =	vst v63  }
0x111: {  	p1 =	sne.s32 s14, $0x0;
	s29 =	simm.s32 $0x19180  }
0x112: {  	[spmem:s2] =	stream.indirect.scatter.add.f32 [tilespmem:s7], [sflag:$0x4], $0x10, s29, s19, $0xb8;
	[tilespmem:$0x1F310] =	vst v63  }
.Ltmp8:
0x113: {  	_ = 	snop;
	(pc) =	sbr.rel @!p1 .LBB2_14-.Ltmp8, $4  }
0x114: {  	s16 =	simm.s32 $0x19200  }
0x115: {  	[spmem:s2] =	stream.indirect.scatter.add.f32 [tilespmem:s22], [sflag:$0x4], $0x10, s16, s19, $0xb8;
	[tilespmem:$0x1F310] =	vst v63  }
0x116: {  	s29 =	simm.s32 $0x19280  }
0x117: {  	[spmem:s2] =	stream.indirect.scatter.add.f32 [tilespmem:s24], [sflag:$0x4], $0x10, s29, s19, $0xb8;
	[tilespmem:$0x1F310] =	vst v63  }
.Ltmp9:
0x118: {  	(pc) =	sbr.rel .LBB2_11-.Ltmp9, $2  }
0x119: {  	_ =	sdelay $0x2  }
0x11a: {  	s31 =	sadd.s32 $0x1, s31  }
.LBB2_14:
0x11b: {  	_ =	swait.ge [sflag:s26], $0x3000  }
0x11c: {  	[sflag:s26] =	ssyncset.done $0x0  }
0x11d: {  	s0 =	simm.s32 $0x4;
	[sflag:s26] =	ssyncadd.s32 $0xFFFFD000  }
0x11e: {  	_ =	swait.ge [sflag:s0], $0x3000  }
0x11f: {  	[sflag:s0] =	ssyncset.done $0x0  }
0x120: {  	[sflag:s0] =	ssyncadd.s32 $0xFFFFD000  }
0x121: {  	[bflag:$0x0] =	sbarrier.arrive $0xFFFF  }
0x122: {  	s29 =	rddreg [dreg:$0x3]  }
0x123: {  	s1 =	rddreg [dreg:$0x4]  }
0x124: {  	s30 =	simm.s32 $0x5;
	s2 =	rddreg [dreg:$0x7]  }
0x125: {  	[hbm:s2], [sflag:s29] =	dma.local [spmem:s1], $0x30E0  }
0x126: {  	_ =	swait.ge [sflag:s30], $0x30E0  }
0x127: {  	[sflag:s30] =	ssyncset.done $0x0  }
0x128: {  	[sflag:s30] =	ssyncadd.s32 $0xFFFFCF20  }
0x129: {  	_ =	sfence.sel $0x180000  }
0x12a: {  	[bflag:$0x0] =	sbarrier.arrive $0xFFFF  }
0x12b: {  	_ =	strace $0x90000047  }
0x12c: {  	s31 =	stileid.u32;
	[bflag:$0x2] =	sbarrier.arrive $0xFFFF  }
0x12d: {  	p0 =	sne.s32 s31, $0x0;
	s0 =	rddreg [dreg:$0x2]  }
0x12e: {  	s0 =	sadd.s32 @!p0 $0x100000, s0  }
0x12f: {  	[sflag:s0] =	ssyncadd.tile.s32 @!p0 $0x1;
	_ =	shalt  }
.Lfunc_end2:
_tile_overlayer_lowered:
.L_overlay_start_2:
0x130: {  	(tag) =	ssettag $0x2  }
0x131: {  	s0 =	rddreg [dreg:$0x0];
	s2 =	stileid.u32  }
0x132: {  	s1 =	rddreg [dreg:$0x1];
	p0 =	sne.s32 s2, $0x0  }
0x133: {  	s3 =	rddreg [dreg:$0x2];
	[bflag:$0x3] =	sbarrier.arrive $0xFFFF;
	s2 =	simm.s32 @!p0 $0x1C05  }
0x134: {  	[timem:s3], [sflag:s2] =	dma.local @!p0 [hbm:s0], s1  }
0x135: {  	s0 =	simm.s32 @!p0 $0x5  }
0x136: {  	_ =	swait.ge @!p0 [sflag:s0], s1  }
0x137: {  	s1 =	ssub.s32 @!p0 $0x0, s1;
	[sflag:s0] =	ssyncset.done @!p0 $0x0  }
0x138: {  	[sflag:s0] =	ssyncadd.s32 @!p0 s1  }
0x139: {  	[bflag:$0x3] =	sbarrier.arrive $0xFFFF  }
0x13a: {  	_ =	shalt  }

</sc_bundles>
